<compile_context>
chip_gen: v7x
topology: tpu7x:2x2x1
jax: 0.10.2.dev20260603
libtpu: 0.0.44.dev20260713+nightly
codegen_flags: <defaults>
</compile_context>

<pallas_src>
import functools

import jax
import jax.numpy as jnp
from jax import lax
from jax.experimental import pallas as pl
from jax.experimental.pallas import tpu as pltpu
from jax.experimental.pallas import tpu_sc as plsc

B = 2
DD = HH = WW = 128
N = DD * HH * WW
K = 20000
NT = 16
PER_TILE = N // NT
CHUNK = 4096
NCH = PER_TILE // CHUNK
VPC = CHUNK // 16
SURV = 2000
NSV = SURV // 16
SEL = 1664
OUTPAD = 20512
OUTLEN = 2 * OUTPAD + 512
BISECT = 14
ZS = HH * WW
SLOT = SEL
OCH = 1280

_mesh = plsc.VectorSubcoreMesh(core_axis_name="c", subcore_axis_name="s")


@functools.partial(
    pl.kernel,
    mesh=_mesh,
    compiler_params=pltpu.CompilerParams(needs_layout_passes=False),
    out_type=[
        jax.ShapeDtypeStruct((OUTLEN,), jnp.float32),
        jax.ShapeDtypeStruct((512,), jnp.float32),
    ],
    scratch_types=[
        pltpu.VMEM((16,), jnp.float32),
        pltpu.VMEM((CHUNK,), jnp.float32),
        pltpu.VMEM((CHUNK // 2,), jnp.int32),
        pltpu.VMEM((2048,), jnp.int32),
        pltpu.VMEM((SURV,), jnp.float32),
        pltpu.VMEM((SURV,), jnp.int32),
        pltpu.VMEM((SEL + 16,), jnp.int32),
        pltpu.VMEM((16,), jnp.int32),
        pltpu.VMEM((256,), jnp.int32),
        pltpu.VMEM((SEL,), jnp.float32),
        pltpu.VMEM((3 * ZS,), jnp.float32),
        pltpu.VMEM((ZS,), jnp.float32),
        pltpu.VMEM((ZS,), jnp.float32),
        pltpu.VMEM((16 * SLOT,), jnp.float32),
        pltpu.VMEM((16,), jnp.int32),
        pltpu.VMEM((16,), jnp.float32),
        pltpu.VMEM_SHARED((16, 2048), jnp.int32),
        pltpu.VMEM_SHARED((256,), jnp.int32),
        pltpu.VMEM_SHARED((16, SLOT), jnp.float32),
        pltpu.SemaphoreType.DMA,
    ],
)
def _sc_kernel(u_hbm, il_hbm, d_hbm, r_hbm, t_hbm, out_hbm, usum_hbm,
               tv, uc, ic, hist, skey, sidx, selidx,
               cntv, cnt_all, res2, u_slab, d_slab, rho_slab, allres,
               offv, usum_v, sh_hist, sh_cnt, sh_res, sem):
    c = lax.axis_index("c")
    s = lax.axis_index("s")
    wid = c * NT + s
    base = s * PER_TILE
    iota = lax.iota(jnp.int32, 16)
    ones_i = jnp.ones((16,), jnp.int32)
    zeros_f = jnp.zeros((16,), jnp.float32)

    pltpu.sync_copy(t_hbm, tv)
    tvec = tv[...]

    def _z_hist(i, _):
        hist[pl.ds(i * 16, 16)] = jnp.zeros((16,), jnp.int32)
        return 0
    lax.fori_loop(0, 128, _z_hist, 0)

    def _z_sk(i, _):
        skey[pl.ds(i * 16, 16)] = zeros_f
        sidx[pl.ds(i * 16, 16)] = jnp.zeros((16,), jnp.int32)
        return 0
    lax.fori_loop(0, NSV, _z_sk, 0)

    def _z_sel(i, _):
        selidx[pl.ds(i * 16, 16)] = jnp.zeros((16,), jnp.int32)
        return 0
    lax.fori_loop(0, (SEL + 16) // 16, _z_sel, 0)

    def _p1_chunk(ch, _):
        off = base + ch * CHUNK
        pltpu.sync_copy(u_hbm.at[c, pl.ds(off, CHUNK)], uc)
        pltpu.sync_copy(il_hbm.at[pl.ds(pl.multiple_of(c * (N // 2) + off // 2, 1024), CHUNK // 2)], ic)

        def _p1_v(v2, _):
            pv = ic[pl.ds(v2 * 16, 16)]
            il_lo = lax.bitcast_convert_type(
                lax.shift_left(pv, 16), jnp.float32)
            il_hi = lax.bitcast_convert_type(
                jnp.bitwise_and(pv, jnp.int32(-65536)), jnp.float32)
            for half, il in ((0, il_lo), (1, il_hi)):
                u = uc[pl.ds((v2 * 2 + half) * 16, 16)]
                key = (u * tvec + 1e-4) * il
                bits = lax.bitcast_convert_type(key, jnp.int32)
                bk = lax.shift_right_logical(bits, 20)
                plsc.addupdate_scatter(hist, [bk], ones_i)
            return 0
        lax.fori_loop(0, VPC // 2, _p1_v, 0)
        return 0
    lax.fori_loop(0, NCH, _p1_chunk, 0)

    pltpu.sync_copy(hist, sh_hist.at[s])
    plsc.subcore_barrier()
    pltpu.sync_copy(sh_hist.at[0], hist)

    def _merge(i, _):
        pltpu.sync_copy(sh_hist.at[i], ic)

        def _madd(v, _):
            sl = pl.ds(v * 16, 16)
            hist[sl] = hist[sl] + ic[sl]
            return 0
        lax.fori_loop(0, 128, _madd, 0)
        return 0
    lax.fori_loop(1, 16, _merge, 0)

    def _suf(i, carry):
        acc, r0, above = carry
        r = 127 - i
        rowsum = jnp.sum(hist[pl.ds(r * 16, 16)])
        acc_new = acc + rowsum
        crossed = jnp.logical_and(acc_new >= K, acc < K)
        r0 = jnp.where(crossed, r, r0)
        above = jnp.where(crossed, acc, above)
        return acc_new, r0, above
    _, r0, above = lax.fori_loop(
        0, 128, _suf, (jnp.int32(0), jnp.int32(0), jnp.int32(0)))

    rowv = hist[pl.ds(r0 * 16, 16)]
    suffix_in_row = lax.rev(jnp.cumsum(lax.rev(rowv, (0,))), (0,))
    okmask = (suffix_in_row + above) >= K
    cstar = jnp.max(plsc.all_reduce_population_count(okmask)) - 1
    bstar = r0 * 16 + cstar
    t0bits = lax.shift_left(bstar, 20)

    def _p3_chunk(ch, scnt):
        off = base + ch * CHUNK
        pltpu.sync_copy(u_hbm.at[c, pl.ds(off, CHUNK)], uc)
        pltpu.sync_copy(il_hbm.at[pl.ds(pl.multiple_of(c * (N // 2) + off // 2, 1024), CHUNK // 2)], ic)

        def _p3_v(v2, scnt):
            pv = ic[pl.ds(v2 * 16, 16)]
            il_lo = lax.bitcast_convert_type(
                lax.shift_left(pv, 16), jnp.float32)
            il_hi = lax.bitcast_convert_type(
                jnp.bitwise_and(pv, jnp.int32(-65536)), jnp.float32)
            for half, il in ((0, il_lo), (1, il_hi)):
                u = uc[pl.ds((v2 * 2 + half) * 16, 16)]
                key = (u * tvec + 1e-4) * il
                bits = lax.bitcast_convert_type(key, jnp.int32)
                m = bits >= t0bits
                idxv = iota + (off + (v2 * 2 + half) * 16)
                plsc.store_compressed(skey.at[pl.ds(scnt, 16)], key, mask=m)
                plsc.store_compressed(sidx.at[pl.ds(scnt, 16)], idxv, mask=m)
                cnt = jnp.max(plsc.all_reduce_population_count(m))
                scnt = jnp.minimum(scnt + cnt, SURV - 32)
            return scnt
        return lax.fori_loop(0, VPC // 2, _p3_v, scnt)
    scnt_f = lax.fori_loop(0, NCH, _p3_chunk, jnp.int32(0))

    nsv_used = lax.div(scnt_f + 15, 16)

    def _count_ge(thr):
        def _cg(i, acc):
            kb = lax.bitcast_convert_type(skey[pl.ds(i * 16, 16)], jnp.int32)
            return acc + jnp.max(plsc.all_reduce_population_count(kb >= thr))
        return lax.fori_loop(0, nsv_used, _cg, jnp.int32(0))

    def _exchange_total(val):
        cntv[...] = jnp.broadcast_to(val, (16,))
        pltpu.sync_copy(cntv, sh_cnt.at[pl.ds(s * 16, 16)])
        plsc.subcore_barrier()
        pltpu.sync_copy(sh_cnt, cnt_all)
        plsc.subcore_barrier()

        def _sum(i, acc):
            return acc + jnp.max(cnt_all[pl.ds(i * 16, 16)])
        return lax.fori_loop(0, 16, _sum, jnp.int32(0))

    def _bis(i, carry):
        lo, hi = carry
        mid = lax.shift_right_logical(lo + hi, 1)
        total = _exchange_total(_count_ge(mid))
        ge = total >= K
        return jnp.where(ge, mid, lo), jnp.where(ge, hi, mid)
    t1bits, _ = lax.fori_loop(
        0, BISECT, _bis, (t0bits, lax.shift_left(bstar + 1, 20)))

    def _p5(i, cnt):
        kb = lax.bitcast_convert_type(skey[pl.ds(i * 16, 16)], jnp.int32)
        m = kb >= t1bits
        iv = sidx[pl.ds(i * 16, 16)]
        plsc.store_compressed(selidx.at[pl.ds(cnt, 16)], iv, mask=m)
        c16 = jnp.max(plsc.all_reduce_population_count(m))
        return jnp.minimum(cnt + c16, SEL)
    selcnt = lax.fori_loop(0, nsv_used, _p5, jnp.int32(0))

    cntv[...] = jnp.broadcast_to(selcnt, (16,))
    pltpu.sync_copy(cntv, sh_cnt.at[pl.ds(s * 16, 16)])
    plsc.subcore_barrier()
    pltpu.sync_copy(sh_cnt, cnt_all)

    def _off(i, acc):
        ci = jnp.max(cnt_all[pl.ds(i * 16, 16)])
        return acc + jnp.where(i < s, ci, 0)
    off_s = lax.fori_loop(0, 16, _off, jnp.int32(0))
    take = jnp.minimum(selcnt, jnp.maximum(K - off_s, 0))

    def _z_res(i, _):
        res2[pl.ds(i * 16, 16)] = zeros_f
        return 0
    lax.fori_loop(0, SEL // 16, _z_res, 0)

    def _lower_bound(tgt):
        def _lb(_, carry):
            lo, hi = carry
            mid = lax.div(lo + hi, 2)
            v = jnp.max(plsc.load_gather(selidx, [jnp.broadcast_to(mid, (16,))]))
            lt = v < tgt
            return jnp.where(lt, mid + 1, lo), jnp.where(lt, hi, mid)
        lo, _ = lax.fori_loop(0, 11, _lb, (jnp.int32(0), take))
        return lo

    def _bnd_store(zi, _):
        b = _lower_bound((s * 8 + zi) * ZS)
        offv[pl.ds(0, 16)] = jnp.where(iota == zi + 8, b, offv[pl.ds(0, 16)])
        return 0
    lax.fori_loop(1, 8, _bnd_store, 0)
    offv[pl.ds(0, 16)] = jnp.where(iota == 8, 0,
                                   jnp.where(iota == 15 + 1, 0,
                                             offv[pl.ds(0, 16)]))

    def _bnd(zi):
        return jnp.max(plsc.load_gather(
            offv, [jnp.broadcast_to(zi + 8, (16,))]))

    def _zslice(zi, acc):
        zabs = s * 8 + zi
        zlo = jnp.clip(zabs - 1, 0, DD - 3)
        pltpu.sync_copy(u_hbm.at[c, pl.ds(zlo * ZS, 3 * ZS)], u_slab)
        pltpu.sync_copy(d_hbm.at[c, pl.ds(zabs * ZS, ZS)], d_slab)
        pltpu.sync_copy(r_hbm.at[c, pl.ds(zabs * ZS, ZS)], rho_slab)
        sbase = zlo * ZS
        v_lo = lax.div(_bnd(zi), 16)
        v_hi = jnp.where(zi == 7, lax.div(take + 15, 16),
                         lax.div(_bnd(zi + 1) + 15, 16))

        def _pt(v, acc):
            sl = pl.ds(v * 16, 16)
            i16 = iota + v * 16
            iv = selidx[sl]
            iz = lax.shift_right_logical(iv, 14)
            live = jnp.logical_and(i16 < take, iz == zabs)
            ix = jnp.bitwise_and(iv, 127)
            iy = jnp.bitwise_and(lax.shift_right_logical(iv, 7), 127)
            loc = jnp.clip(iv - sbase, 0, 3 * ZS - 1)

            def g(off):
                return plsc.load_gather(
                    u_slab, [jnp.clip(loc + off, 0, 3 * ZS - 1)])
            u0 = g(0)
            lap = (-6.0 * u0
                   + jnp.where(ix > 0, g(-1), 0.0)
                   + jnp.where(ix < WW - 1, g(1), 0.0)
                   + jnp.where(iy > 0, g(-WW), 0.0)
                   + jnp.where(iy < HH - 1, g(WW), 0.0)
                   + jnp.where(iz > 0, g(-ZS), 0.0)
                   + jnp.where(iz < DD - 1, g(ZS), 0.0))
            locd = jnp.clip(iv - zabs * ZS, 0, ZS - 1)
            dv = plsc.load_gather(d_slab, [locd])
            rv = plsc.load_gather(rho_slab, [locd])
            u_s = u0 * tvec
            part = -dv * lap * tvec - rv * u_s * (1.0 - u_s)
            cur = res2[sl]
            res2[sl] = jnp.where(live, part, cur)
            return acc + jnp.where(live, u0, 0.0)
        return lax.fori_loop(v_lo, v_hi, _pt, acc)
    acc = lax.fori_loop(0, 8, _zslice, zeros_f)

    usum_v[...] = acc
    pltpu.sync_copy(usum_v, usum_hbm.at[pl.ds(wid * 16, 16)])

    pltpu.sync_copy(res2, sh_res.at[s])
    plsc.subcore_barrier()

    def _fetch(i, _):
        pltpu.sync_copy(sh_res.at[i], allres.at[pl.ds(i * SLOT, SLOT)])
        return 0
    lax.fori_loop(0, 16, _fetch, 0)

    def _offs(i, off):
        ci = jnp.max(cnt_all[pl.ds(i * 16, 16)])
        offv[pl.ds(0, 16)] = jnp.where(iota == i, off, offv[pl.ds(0, 16)])
        return off + jnp.minimum(ci, jnp.maximum(K - off, 0))
    lax.fori_loop(0, 16, _offs, jnp.int32(0))
    offs16 = offv[pl.ds(0, 16)]

    def _ocomp(v, _):
        p = iota + (s * OCH + v * 16)

        def _slot(j, sel_src):
            oj = plsc.load_gather(offv, [jnp.broadcast_to(j, (16,))])
            return jnp.where(p >= oj, j * SLOT + p - oj, sel_src)
        srcv = lax.fori_loop(0, 16, _slot, jnp.zeros((16,), jnp.int32))
        vals = plsc.load_gather(
            allres, [jnp.clip(srcv, 0, 16 * SLOT - 1)])
        res2[pl.ds(v * 16, 16)] = vals
        return 0
    lax.fori_loop(0, OCH // 16, _ocomp, 0)
    pltpu.sync_copy(res2.at[pl.ds(0, OCH)],
                    out_hbm.at[pl.ds(c * OUTPAD + s * OCH, OCH)])


def kernel(u_base, t, d_map, rho_map, num_points):
    del num_points
    u_noise = jax.random.uniform(jax.random.key(42), (B, N),
                                 jnp.float32, minval=1e-10, maxval=1.0)
    inv_l = 1.0 / (-jnp.log(u_noise))
    b16 = lax.bitcast_convert_type(
        inv_l.astype(jnp.bfloat16), jnp.uint16).astype(jnp.uint32)
    g = b16.reshape(B, N // 32, 2, 16)
    packed = lax.bitcast_convert_type(
        g[:, :, 0, :] | (g[:, :, 1, :] << 16), jnp.int32).reshape(B * (N // 2))
    u2 = u_base.reshape(B, N)
    d2 = d_map.reshape(B, N)
    r2 = rho_map.reshape(B, N)
    tvec = jnp.broadcast_to(t.reshape(()), (16,)).astype(jnp.float32)
    out_flat, usum = _sc_kernel(u2, packed, d2, r2, tvec)
    s_total = jnp.sum(usum)
    res = jnp.stack([out_flat[0:K], out_flat[OUTPAD:OUTPAD + K]])
    return res + s_total

# --- scband reference (transcript-rebuilt; emitter-appended) ---
"""Pipeline reference for scband-pinnsimulator-26474178413198 (READ-ONLY COPY).

The authoritative reference and input builder live on the scoring server;
editing this copy changes nothing except your own understanding.
"""

import jax, jax.numpy as jnp
import numpy as np

B, C, D, H, W = 2, 1, 128, 128, 128
NUM_POINTS = 20000

def _laplacian_kernel():
    k = np.zeros((1, 1, 3, 3, 3), dtype=np.float32)
    k[0, 0, 1, 1, 1] = -6.0
    k[0, 0, 0, 1, 1] = 1.0
    k[0, 0, 2, 1, 1] = 1.0
    k[0, 0, 1, 0, 1] = 1.0
    k[0, 0, 1, 2, 1] = 1.0
    k[0, 0, 1, 1, 0] = 1.0
    k[0, 0, 1, 1, 2] = 1.0
    return jnp.asarray(k)

def setup_inputs(seed: int = 0):
    key = jax.random.key(seed)
    k1, k2, k3, k4 = jax.random.split(key, 4)
    u_base = jax.random.uniform(k1, (B, C, D, H, W), dtype=jnp.float32)
    t = jax.random.uniform(k2, (1,), dtype=jnp.float32)
    d_map = jax.random.uniform(k3, (B, C, D, H, W), dtype=jnp.float32)
    rho_map = jax.random.uniform(k4, (B, C, D, H, W), dtype=jnp.float32)
    return {"u_base": u_base, "t": t, "d_map": d_map, "rho_map": rho_map, "num_points": NUM_POINTS}

def _multinomial_no_replacement(key, weights, num_points):
    # Gumbel top-k trick: distributionally equivalent to torch.multinomial(replacement=False)
    u = jax.random.uniform(key, weights.shape, dtype=jnp.float32, minval=1e-10, maxval=1.0)
    g = -jnp.log(-jnp.log(u))
    scores = jnp.log(weights) + g
    _, idx = jax.lax.top_k(scores, num_points)
    return idx

def reference(u_base, t, d_map, rho_map, num_points):
    kernel = _laplacian_kernel()
    batch = u_base.shape[0]

    def u_of_t(tt):
        # u_pred is a function of time t (as required for the PINN time derivative)
        return u_base * tt

    u_pred = u_of_t(t)
    laplacian_u = jax.lax.conv_general_dilated(
        u_pred, kernel, window_strides=(1, 1, 1), padding="SAME",
        dimension_numbers=("NCDHW", "OIDHW", "NCDHW"))
    # with torch.no_grad(): weights = u_pred.view(B,-1) + 1e-4; multinomial sampling
    weights = jax.lax.stop_gradient(u_pred.reshape(batch, -1)) + 0.0001
    indices = _multinomial_no_replacement(jax.random.key(42), weights, NUM_POINTS)
    u_flat = u_pred.reshape(batch, -1)
    u_s = jnp.take_along_axis(u_flat, indices, axis=1)
    lap_s = jnp.take_along_axis(laplacian_u.reshape(batch, -1), indices, axis=1)
    d_s = jnp.take_along_axis(d_map.reshape(batch, -1), indices, axis=1)
    rho_s = jnp.take_along_axis(rho_map.reshape(batch, -1), indices, axis=1)

    # dudt_s = torch.autograd.grad(u_s, t, grad_outputs=ones)[0]
    def u_s_of_t(tt):
        return jnp.take_along_axis(u_of_t(tt).reshape(batch, -1), indices, axis=1)
    _, vjp_t = jax.vjp(u_s_of_t, t)
    dudt_s = vjp_t(jnp.ones((batch, NUM_POINTS), dtype=jnp.float32))[0]

    diffusion_term = d_s * lap_s
    proliferation_term = rho_s * u_s * (1.0 - u_s)
    num_points_dep = jnp.asarray(num_points, dtype=jnp.float32) * 0.0
    residual_sampled = dudt_s - diffusion_term - proliferation_term + num_points_dep
    return residual_sampled

if __name__ == "__main__":
    import jax
    _d = setup_inputs()
    print(jax.jit(kernel)(*tuple(_d.values())))

</pallas_src>

<mosaic_0001>
#map = affine_map<(d0, d1) -> (0, 0)>
#map1 = affine_map<(d0, d1) -> (0)>
module attributes {stable_mosaic.version = 14 : i64} {
  func.func @_sc_kernel(%arg0: i32, %arg1: i32, %arg2: memref<2x2097152xf32, #tpu.memory_space<hbm>>, %arg3: memref<2097152xi32, #tpu.memory_space<hbm>>, %arg4: memref<2x2097152xf32, #tpu.memory_space<hbm>>, %arg5: memref<2x2097152xf32, #tpu.memory_space<hbm>>, %arg6: memref<16xf32, #tpu.memory_space<hbm>>, %arg7: memref<41536xf32, #tpu.memory_space<hbm>>, %arg8: memref<512xf32, #tpu.memory_space<hbm>>, %arg9: memref<16xf32, #tpu.memory_space<vmem>>, %arg10: memref<4096xf32, #tpu.memory_space<vmem>>, %arg11: memref<2048xi32, #tpu.memory_space<vmem>>, %arg12: memref<2048xi32, #tpu.memory_space<vmem>>, %arg13: memref<2000xf32, #tpu.memory_space<vmem>>, %arg14: memref<2000xi32, #tpu.memory_space<vmem>>, %arg15: memref<1680xi32, #tpu.memory_space<vmem>>, %arg16: memref<16xi32, #tpu.memory_space<vmem>>, %arg17: memref<256xi32, #tpu.memory_space<vmem>>, %arg18: memref<1664xf32, #tpu.memory_space<vmem>>, %arg19: memref<49152xf32, #tpu.memory_space<vmem>>, %arg20: memref<16384xf32, #tpu.memory_space<vmem>>, %arg21: memref<16384xf32, #tpu.memory_space<vmem>>, %arg22: memref<26624xf32, #tpu.memory_space<vmem>>, %arg23: memref<16xi32, #tpu.memory_space<vmem>>, %arg24: memref<16xf32, #tpu.memory_space<vmem>>, %arg25: memref<16x2048xi32, #tpu.memory_space<vmem_shared>>, %arg26: memref<256xi32, #tpu.memory_space<vmem_shared>>, %arg27: memref<16x1664xf32, #tpu.memory_space<vmem_shared>>, %arg28: memref<!tpu.dma_semaphore, #tpu.memory_space<semaphore_mem>>) attributes {dimension_semantics = [#tpu.dimension_semantics<core_parallel>, #tpu.dimension_semantics<subcore_parallel>], iteration_bounds = array<i64: 2, 16>, scalar_prefetch = 0 : i64, scratch_operands = 20 : i64, tpu.core_type = #tpu.core_type<sc_vector_subcore>, window_params = [{transform_indices = #map}, {transform_indices = #map1}, {transform_indices = #map}, {transform_indices = #map}, {transform_indices = #map1}, {transform_indices = #map1}, {transform_indices = #map1}]} {
    %mul3A = arith.constant 16 : i32
    %mul3A_0 = arith.muli %arg0, %mul3A : i32
    %add3A = arith.addi %mul3A_0, %arg1 : i32
    %mul3A_1 = arith.constant 131072 : i32
    %mul3A_2 = arith.muli %arg1, %mul3A_1 : i32
    %iota3A = tpu.iota {dimensions = array<i32: 0>} : vector<16xi32>
    %broadcast_in_dim3A = arith.constant 1 : i32
    %broadcast_in_dim3A_3 = vector.broadcast %broadcast_in_dim3A : i32 to vector<16xi32>
    %broadcast_in_dim3A_4 = arith.constant 0.000000e+00 : f32
    %broadcast_in_dim3A_5 = vector.broadcast %broadcast_in_dim3A_4 : f32 to vector<16xf32>
    "tpu.region"() ({
      %run_scoped3A_193 = tpu.sem_alloc : memref<!tpu.dma_semaphore, #tpu.memory_space<semaphore_mem>>
      tpu.enqueue_dma source(%arg6 : memref<16xf32, #tpu.memory_space<hbm>>) target(%arg9 : memref<16xf32, #tpu.memory_space<vmem>>) target_semaphore(%run_scoped3A_193 : memref<!tpu.dma_semaphore, #tpu.memory_space<semaphore_mem>>)
      tpu.wait_dma2 semaphore(%run_scoped3A_193 : memref<!tpu.dma_semaphore, #tpu.memory_space<semaphore_mem>>) src(%arg6 : memref<16xf32, #tpu.memory_space<hbm>>) dst(%arg9 : memref<16xf32, #tpu.memory_space<vmem>>)
      tpu.yield
    }) : () -> ()
    %get3A = arith.constant 0 : index
    %get3A_6 = tpu.vector_load %arg9[%get3A] {strides = array<i32>} : memref<16xf32, #tpu.memory_space<vmem>>, vector<16xf32>,
    %scan3A = arith.constant 0 : i32
    %scan3A_7 = arith.constant 0 : i32
    %scan3A_8 = arith.constant 128 : i32
    %scan3A_9 = arith.addi %scan3A_7, %scan3A_8 : i32
    %scan3A_10 = arith.constant 1 : i32
    %scan3A_11 = scf.for %scan3A_193 = %scan3A_7 to %scan3A_9 step %scan3A_10 iter_args(%scan3A_194 = %scan3A) -> (i32)  : i32 {
      %broadcast_in_dim3A_195 = arith.constant 0 : i32
      %broadcast_in_dim3A_196 = vector.broadcast %broadcast_in_dim3A_195 : i32 to vector<16xi32>
      %mul3A_197 = arith.constant 16 : i32
      %mul3A_198 = arith.muli %scan3A_193, %mul3A_197 : i32
      %swap3A_199 = arith.index_cast %mul3A_198 : i32 to index
      %swap3A_200 = tpu.vector_load %arg12[%swap3A_199] {strides = array<i32>} : memref<2048xi32, #tpu.memory_space<vmem>>, vector<16xi32>,
      tpu.vector_store %arg12[%swap3A_199], %broadcast_in_dim3A_196 {strides = array<i32>} : memref<2048xi32, #tpu.memory_space<vmem>>, vector<16xi32>,
      %scan3A_201 = arith.constant 0 : i32
      scf.yield %scan3A_201 : i32
    }
    %scan3A_12 = arith.constant 128 : i32
    %scan3A_13 = arith.constant 0 : i32
    %scan3A_14 = arith.constant 0 : i32
    %scan3A_15 = arith.constant 125 : i32
    %scan3A_16 = arith.addi %scan3A_14, %scan3A_15 : i32
    %scan3A_17 = arith.constant 1 : i32
    %scan3A_18 = scf.for %scan3A_193 = %scan3A_14 to %scan3A_16 step %scan3A_17 iter_args(%scan3A_194 = %scan3A_13) -> (i32)  : i32 {
      %mul3A_195 = arith.constant 16 : i32
      %mul3A_196 = arith.muli %scan3A_193, %mul3A_195 : i32
      %swap3A_197 = arith.index_cast %mul3A_196 : i32 to index
      %swap3A_198 = tpu.vector_load %arg13[%swap3A_197] {strides = array<i32>} : memref<2000xf32, #tpu.memory_space<vmem>>, vector<16xf32>,
      tpu.vector_store %arg13[%swap3A_197], %broadcast_in_dim3A_5 {strides = array<i32>} : memref<2000xf32, #tpu.memory_space<vmem>>, vector<16xf32>,
      %broadcast_in_dim3A_199 = arith.constant 0 : i32
      %broadcast_in_dim3A_200 = vector.broadcast %broadcast_in_dim3A_199 : i32 to vector<16xi32>
      %mul3A_201 = arith.constant 16 : i32
      %mul3A_202 = arith.muli %scan3A_193, %mul3A_201 : i32
      %swap3A_203 = arith.index_cast %mul3A_202 : i32 to index
      %swap3A_204 = tpu.vector_load %arg14[%swap3A_203] {strides = array<i32>} : memref<2000xi32, #tpu.memory_space<vmem>>, vector<16xi32>,
      tpu.vector_store %arg14[%swap3A_203], %broadcast_in_dim3A_200 {strides = array<i32>} : memref<2000xi32, #tpu.memory_space<vmem>>, vector<16xi32>,
      %scan3A_205 = arith.constant 0 : i32
      scf.yield %scan3A_205 : i32
    }
    %scan3A_19 = arith.constant 125 : i32
    %scan3A_20 = arith.constant 0 : i32
    %scan3A_21 = arith.constant 0 : i32
    %scan3A_22 = arith.constant 105 : i32
    %scan3A_23 = arith.addi %scan3A_21, %scan3A_22 : i32
    %scan3A_24 = arith.constant 1 : i32
    %scan3A_25 = scf.for %scan3A_193 = %scan3A_21 to %scan3A_23 step %scan3A_24 iter_args(%scan3A_194 = %scan3A_20) -> (i32)  : i32 {
      %broadcast_in_dim3A_195 = arith.constant 0 : i32
      %broadcast_in_dim3A_196 = vector.broadcast %broadcast_in_dim3A_195 : i32 to vector<16xi32>
      %mul3A_197 = arith.constant 16 : i32
      %mul3A_198 = arith.muli %scan3A_193, %mul3A_197 : i32
      %swap3A_199 = arith.index_cast %mul3A_198 : i32 to index
      %swap3A_200 = tpu.vector_load %arg15[%swap3A_199] {strides = array<i32>} : memref<1680xi32, #tpu.memory_space<vmem>>, vector<16xi32>,
      tpu.vector_store %arg15[%swap3A_199], %broadcast_in_dim3A_196 {strides = array<i32>} : memref<1680xi32, #tpu.memory_space<vmem>>, vector<16xi32>,
      %scan3A_201 = arith.constant 0 : i32
      scf.yield %scan3A_201 : i32
    }
    %scan3A_26 = arith.constant 105 : i32
    %scan3A_27 = arith.constant 0 : i32
    %scan3A_28 = arith.constant 0 : i32
    %scan3A_29 = arith.constant 32 : i32
    %scan3A_30 = arith.addi %scan3A_28, %scan3A_29 : i32
    %scan3A_31 = arith.constant 1 : i32
    %scan3A_32 = scf.for %scan3A_193 = %scan3A_28 to %scan3A_30 step %scan3A_31 iter_args(%scan3A_194 = %scan3A_27) -> (i32)  : i32 {
      %mul3A_195 = arith.constant 4096 : i32
      %mul3A_196 = arith.muli %scan3A_193, %mul3A_195 : i32
      %add3A_197 = arith.addi %mul3A_2, %mul3A_196 : i32
      "tpu.region"() ({
        %run_scoped3A_229 = tpu.sem_alloc : memref<!tpu.dma_semaphore, #tpu.memory_space<semaphore_mem>>
        %dma_start3A = tpu.memref_slice %arg2[%arg0, %add3A_197] : memref<2x2097152xf32, #tpu.memory_space<hbm>> -> memref<1x4096xf32, #tpu.memory_space<hbm>>
        %dma_start3A_230 = tpu.memref_squeeze %dma_start3A : memref<1x4096xf32, #tpu.memory_space<hbm>> -> memref<4096xf32, #tpu.memory_space<hbm>>
        %dma_start3A_231 = tpu.memref_slice %arg2[%arg0, %add3A_197] : memref<2x2097152xf32, #tpu.memory_space<hbm>> -> memref<1x4096xf32, #tpu.memory_space<hbm>>
        %dma_start3A_232 = tpu.memref_squeeze %dma_start3A_231 : memref<1x4096xf32, #tpu.memory_space<hbm>> -> memref<4096xf32, #tpu.memory_space<hbm>>
        tpu.enqueue_dma source(%dma_start3A_232 : memref<4096xf32, #tpu.memory_space<hbm>>) target(%arg10 : memref<4096xf32, #tpu.memory_space<vmem>>) target_semaphore(%run_scoped3A_229 : memref<!tpu.dma_semaphore, #tpu.memory_space<semaphore_mem>>)
        %dma_wait3A = tpu.memref_slice %arg2[%arg0, %add3A_197] : memref<2x2097152xf32, #tpu.memory_space<hbm>> -> memref<1x4096xf32, #tpu.memory_space<hbm>>
        %dma_wait3A_233 = tpu.memref_squeeze %dma_wait3A : memref<1x4096xf32, #tpu.memory_space<hbm>> -> memref<4096xf32, #tpu.memory_space<hbm>>
        %dma_wait3A_234 = tpu.memref_slice %arg2[%arg0, %add3A_197] : memref<2x2097152xf32, #tpu.memory_space<hbm>> -> memref<1x4096xf32, #tpu.memory_space<hbm>>
        %dma_wait3A_235 = tpu.memref_squeeze %dma_wait3A_234 : memref<1x4096xf32, #tpu.memory_space<hbm>> -> memref<4096xf32, #tpu.memory_space<hbm>>
        tpu.wait_dma2 semaphore(%run_scoped3A_229 : memref<!tpu.dma_semaphore, #tpu.memory_space<semaphore_mem>>) src(%dma_wait3A_235 : memref<4096xf32, #tpu.memory_space<hbm>>) dst(%arg10 : memref<4096xf32, #tpu.memory_space<vmem>>)
        tpu.yield
      }) : () -> ()
      %mul3A_198 = arith.constant 1048576 : i32
      %mul3A_199 = arith.muli %arg0, %mul3A_198 : i32
      %jit3A_200 = arith.constant 2 : i32
      %div3A_201 = arith.divsi %add3A_197, %jit3A_200 : i32
      %sign3A = arith.constant 0 : i32
      %sign3A_202 = arith.cmpi sgt, %add3A_197, %sign3A : i32
      %sign3A_203 = arith.extui %sign3A_202 : i1 to i32
      %sign3A_204 = arith.constant 0 : i32
      %sign3A_205 = arith.cmpi slt, %add3A_197, %sign3A_204 : i32
      %sign3A_206 = arith.extui %sign3A_205 : i1 to i32
      %sign3A_207 = arith.subi %sign3A_203, %sign3A_206 : i32
      %sign3A_208 = arith.constant 0 : i32
      %sign3A_209 = arith.cmpi sgt, %jit3A_200, %sign3A_208 : i32
      %sign3A_210 = arith.extui %sign3A_209 : i1 to i32
      %sign3A_211 = arith.constant 0 : i32
      %sign3A_212 = arith.cmpi slt, %jit3A_200, %sign3A_211 : i32
      %sign3A_213 = arith.extui %sign3A_212 : i1 to i32
      %sign3A_214 = arith.subi %sign3A_210, %sign3A_213 : i32
      %ne3A = arith.cmpi ne, %sign3A_207, %sign3A_214 : i32
      %rem3A = arith.remsi %add3A_197, %jit3A_200 : i32
      %ne3A_215 = arith.constant 0 : i32
      %ne3A_216 = arith.cmpi ne, %rem3A, %ne3A_215 : i32
      %and3A = arith.andi %ne3A, %ne3A_216 : i1
      %sub3A_217 = arith.constant 1 : i32
      %sub3A_218 = arith.subi %div3A_201, %sub3A_217 : i32
      %select_n3A_219 = arith.select %and3A, %sub3A_218, %div3A_201 : i32
      %add3A_220 = arith.addi %mul3A_199, %select_n3A_219 : i32
      %multiple_of3A = tpu.assume_multiple %add3A_220, 1024 : i32
      "tpu.region"() ({
        %run_scoped3A_229 = tpu.sem_alloc : memref<!tpu.dma_semaphore, #tpu.memory_space<semaphore_mem>>
        %dma_start3A = tpu.memref_slice %arg3[%multiple_of3A] : memref<2097152xi32, #tpu.memory_space<hbm>> -> memref<2048xi32, #tpu.memory_space<hbm>>
        %dma_start3A_230 = tpu.memref_slice %arg3[%multiple_of3A] : memref<2097152xi32, #tpu.memory_space<hbm>> -> memref<2048xi32, #tpu.memory_space<hbm>>
        tpu.enqueue_dma source(%dma_start3A_230 : memref<2048xi32, #tpu.memory_space<hbm>>) target(%arg11 : memref<2048xi32, #tpu.memory_space<vmem>>) target_semaphore(%run_scoped3A_229 : memref<!tpu.dma_semaphore, #tpu.memory_space<semaphore_mem>>)
        %dma_wait3A = tpu.memref_slice %arg3[%multiple_of3A] : memref<2097152xi32, #tpu.memory_space<hbm>> -> memref<2048xi32, #tpu.memory_space<hbm>>
        %dma_wait3A_231 = tpu.memref_slice %arg3[%multiple_of3A] : memref<2097152xi32, #tpu.memory_space<hbm>> -> memref<2048xi32, #tpu.memory_space<hbm>>
        tpu.wait_dma2 semaphore(%run_scoped3A_229 : memref<!tpu.dma_semaphore, #tpu.memory_space<semaphore_mem>>) src(%dma_wait3A_231 : memref<2048xi32, #tpu.memory_space<hbm>>) dst(%arg11 : memref<2048xi32, #tpu.memory_space<vmem>>)
        tpu.yield
      }) : () -> ()
      %scan3A_221 = arith.constant 0 : i32
      %scan3A_222 = arith.constant 0 : i32
      %scan3A_223 = arith.constant 128 : i32
      %scan3A_224 = arith.addi %scan3A_222, %scan3A_223 : i32
      %scan3A_225 = arith.constant 1 : i32
      %scan3A_226 = scf.for %scan3A_229 = %scan3A_222 to %scan3A_224 step %scan3A_225 iter_args(%scan3A_230 = %scan3A_221) -> (i32)  : i32 {
        %mul3A_231 = arith.constant 16 : i32
        %mul3A_232 = arith.muli %scan3A_229, %mul3A_231 : i32
        %get3A_233 = arith.index_cast %mul3A_232 : i32 to index
        %get3A_234 = tpu.vector_load %arg11[%get3A_233] {strides = array<i32>} : memref<2048xi32, #tpu.memory_space<vmem>>, vector<16xi32>,
        %shift_left3A_235 = arith.constant 16 : i32
        %shift_left3A_236 = vector.broadcast %shift_left3A_235 : i32 to vector<16xi32>
        %shift_left3A_237 = arith.shli %get3A_234, %shift_left3A_236 : vector<16xi32>
        %bitcast_convert_type3A = tpu.bitcast %shift_left3A_237 : vector<16xi32> -> vector<16xf32>
        %and3A_238 = arith.constant -65536 : i32
        %and3A_239 = vector.broadcast %and3A_238 : i32 to vector<16xi32>
        %and3A_240 = arith.andi %get3A_234, %and3A_239 : vector<16xi32>
        %bitcast_convert_type3A_241 = tpu.bitcast %and3A_240 : vector<16xi32> -> vector<16xf32>
        %mul3A_242 = arith.constant 2 : i32
        %mul3A_243 = arith.muli %scan3A_229, %mul3A_242 : i32
        %add3A_244 = arith.constant 0 : i32
        %add3A_245 = arith.addi %mul3A_243, %add3A_244 : i32
        %mul3A_246 = arith.constant 16 : i32
        %mul3A_247 = arith.muli %add3A_245, %mul3A_246 : i32
        %get3A_248 = arith.index_cast %mul3A_247 : i32 to index
        %get3A_249 = tpu.vector_load %arg10[%get3A_248] {strides = array<i32>} : memref<4096xf32, #tpu.memory_space<vmem>>, vector<16xf32>,
        %mul3A_250 = arith.mulf %get3A_249, %get3A_6 : vector<16xf32>
        %add3A_251 = arith.constant 9.99999974E-5 : f32
        %add3A_252 = vector.broadcast %add3A_251 : f32 to vector<16xf32>
        %add3A_253 = arith.addf %mul3A_250, %add3A_252 : vector<16xf32>
        %mul3A_254 = arith.mulf %add3A_253, %bitcast_convert_type3A : vector<16xf32>
        %bitcast_convert_type3A_255 = tpu.bitcast %mul3A_254 : vector<16xf32> -> vector<16xi32>
        %shift_right_logical3A = arith.constant 20 : i32
        %shift_right_logical3A_256 = vector.broadcast %shift_right_logical3A : i32 to vector<16xi32>
        %shift_right_logical3A_257 = arith.shrui %bitcast_convert_type3A_255, %shift_right_logical3A_256 : vector<16xi32>
        tpu.vector_store_idx %arg12[%shift_right_logical3A_257], %broadcast_in_dim3A_3 {add = true} : memref<2048xi32, #tpu.memory_space<vmem>>[vector<16xi32>], vector<16xi32>,
        %mul3A_258 = arith.constant 2 : i32
        %mul3A_259 = arith.muli %scan3A_229, %mul3A_258 : i32
        %add3A_260 = arith.constant 1 : i32
        %add3A_261 = arith.addi %mul3A_259, %add3A_260 : i32
        %mul3A_262 = arith.constant 16 : i32
        %mul3A_263 = arith.muli %add3A_261, %mul3A_262 : i32
        %get3A_264 = arith.index_cast %mul3A_263 : i32 to index
        %get3A_265 = tpu.vector_load %arg10[%get3A_264] {strides = array<i32>} : memref<4096xf32, #tpu.memory_space<vmem>>, vector<16xf32>,
        %mul3A_266 = arith.mulf %get3A_265, %get3A_6 : vector<16xf32>
        %add3A_267 = arith.constant 9.99999974E-5 : f32
        %add3A_268 = vector.broadcast %add3A_267 : f32 to vector<16xf32>
        %add3A_269 = arith.addf %mul3A_266, %add3A_268 : vector<16xf32>
        %mul3A_270 = arith.mulf %add3A_269, %bitcast_convert_type3A_241 : vector<16xf32>
        %bitcast_convert_type3A_271 = tpu.bitcast %mul3A_270 : vector<16xf32> -> vector<16xi32>
        %shift_right_logical3A_272 = arith.constant 20 : i32
        %shift_right_logical3A_273 = vector.broadcast %shift_right_logical3A_272 : i32 to vector<16xi32>
        %shift_right_logical3A_274 = arith.shrui %bitcast_convert_type3A_271, %shift_right_logical3A_273 : vector<16xi32>
        tpu.vector_store_idx %arg12[%shift_right_logical3A_274], %broadcast_in_dim3A_3 {add = true} : memref<2048xi32, #tpu.memory_space<vmem>>[vector<16xi32>], vector<16xi32>,
        %scan3A_275 = arith.constant 0 : i32
        scf.yield %scan3A_275 : i32
      }
      %scan3A_227 = arith.constant 128 : i32
      %scan3A_228 = arith.constant 0 : i32
      scf.yield %scan3A_228 : i32
    }
    %scan3A_33 = arith.constant 32 : i32
    "tpu.region"() ({
      %run_scoped3A_193 = tpu.sem_alloc : memref<!tpu.dma_semaphore, #tpu.memory_space<semaphore_mem>>
      %dma_start3A = arith.constant 0 : i32
      %dma_start3A_194 = tpu.memref_slice %arg25[%arg1, %dma_start3A] : memref<16x2048xi32, #tpu.memory_space<vmem_shared>> -> memref<1x2048xi32, #tpu.memory_space<vmem_shared>>
      %dma_start3A_195 = tpu.memref_squeeze %dma_start3A_194 : memref<1x2048xi32, #tpu.memory_space<vmem_shared>> -> memref<2048xi32, #tpu.memory_space<vmem_shared>>
      %dma_start3A_196 = arith.constant 0 : i32
      %dma_start3A_197 = tpu.memref_slice %arg25[%arg1, %dma_start3A_196] : memref<16x2048xi32, #tpu.memory_space<vmem_shared>> -> memref<1x2048xi32, #tpu.memory_space<vmem_shared>>
      %dma_start3A_198 = tpu.memref_squeeze %dma_start3A_197 : memref<1x2048xi32, #tpu.memory_space<vmem_shared>> -> memref<2048xi32, #tpu.memory_space<vmem_shared>>
      tpu.enqueue_dma source(%arg12 : memref<2048xi32, #tpu.memory_space<vmem>>) target(%dma_start3A_198 : memref<2048xi32, #tpu.memory_space<vmem_shared>>) target_semaphore(%run_scoped3A_193 : memref<!tpu.dma_semaphore, #tpu.memory_space<semaphore_mem>>)
      %dma_wait3A = arith.constant 0 : i32
      %dma_wait3A_199 = tpu.memref_slice %arg25[%arg1, %dma_wait3A] : memref<16x2048xi32, #tpu.memory_space<vmem_shared>> -> memref<1x2048xi32, #tpu.memory_space<vmem_shared>>
      %dma_wait3A_200 = tpu.memref_squeeze %dma_wait3A_199 : memref<1x2048xi32, #tpu.memory_space<vmem_shared>> -> memref<2048xi32, #tpu.memory_space<vmem_shared>>
      %dma_wait3A_201 = arith.constant 0 : i32
      %dma_wait3A_202 = tpu.memref_slice %arg25[%arg1, %dma_wait3A_201] : memref<16x2048xi32, #tpu.memory_space<vmem_shared>> -> memref<1x2048xi32, #tpu.memory_space<vmem_shared>>
      %dma_wait3A_203 = tpu.memref_squeeze %dma_wait3A_202 : memref<1x2048xi32, #tpu.memory_space<vmem_shared>> -> memref<2048xi32, #tpu.memory_space<vmem_shared>>
      tpu.wait_dma2 semaphore(%run_scoped3A_193 : memref<!tpu.dma_semaphore, #tpu.memory_space<semaphore_mem>>) src(%arg12 : memref<2048xi32, #tpu.memory_space<vmem>>) dst(%dma_wait3A_203 : memref<2048xi32, #tpu.memory_space<vmem_shared>>)
      tpu.yield
    }) : () -> ()
    %barrier3A = arith.constant 0 : index
    tpu.barrier barrier_id(%barrier3A)
    %run_scoped3A = arith.constant 0 : i32
    "tpu.region"() ({
      %run_scoped3A_193 = tpu.sem_alloc : memref<!tpu.dma_semaphore, #tpu.memory_space<semaphore_mem>>
      %dma_start3A = arith.constant 0 : i32
      %dma_start3A_194 = tpu.memref_slice %arg25[%run_scoped3A, %dma_start3A] : memref<16x2048xi32, #tpu.memory_space<vmem_shared>> -> memref<1x2048xi32, #tpu.memory_space<vmem_shared>>
      %dma_start3A_195 = tpu.memref_squeeze %dma_start3A_194 : memref<1x2048xi32, #tpu.memory_space<vmem_shared>> -> memref<2048xi32, #tpu.memory_space<vmem_shared>>
      %dma_start3A_196 = arith.constant 0 : i32
      %dma_start3A_197 = tpu.memref_slice %arg25[%run_scoped3A, %dma_start3A_196] : memref<16x2048xi32, #tpu.memory_space<vmem_shared>> -> memref<1x2048xi32, #tpu.memory_space<vmem_shared>>
      %dma_start3A_198 = tpu.memref_squeeze %dma_start3A_197 : memref<1x2048xi32, #tpu.memory_space<vmem_shared>> -> memref<2048xi32, #tpu.memory_space<vmem_shared>>
      tpu.enqueue_dma source(%dma_start3A_198 : memref<2048xi32, #tpu.memory_space<vmem_shared>>) target(%arg12 : memref<2048xi32, #tpu.memory_space<vmem>>) target_semaphore(%run_scoped3A_193 : memref<!tpu.dma_semaphore, #tpu.memory_space<semaphore_mem>>)
      %dma_wait3A = arith.constant 0 : i32
      %dma_wait3A_199 = tpu.memref_slice %arg25[%run_scoped3A, %dma_wait3A] : memref<16x2048xi32, #tpu.memory_space<vmem_shared>> -> memref<1x2048xi32, #tpu.memory_space<vmem_shared>>
      %dma_wait3A_200 = tpu.memref_squeeze %dma_wait3A_199 : memref<1x2048xi32, #tpu.memory_space<vmem_shared>> -> memref<2048xi32, #tpu.memory_space<vmem_shared>>
      %dma_wait3A_201 = arith.constant 0 : i32
      %dma_wait3A_202 = tpu.memref_slice %arg25[%run_scoped3A, %dma_wait3A_201] : memref<16x2048xi32, #tpu.memory_space<vmem_shared>> -> memref<1x2048xi32, #tpu.memory_space<vmem_shared>>
      %dma_wait3A_203 = tpu.memref_squeeze %dma_wait3A_202 : memref<1x2048xi32, #tpu.memory_space<vmem_shared>> -> memref<2048xi32, #tpu.memory_space<vmem_shared>>
      tpu.wait_dma2 semaphore(%run_scoped3A_193 : memref<!tpu.dma_semaphore, #tpu.memory_space<semaphore_mem>>) src(%dma_wait3A_203 : memref<2048xi32, #tpu.memory_space<vmem_shared>>) dst(%arg12 : memref<2048xi32, #tpu.memory_space<vmem>>)
      tpu.yield
    }) : () -> ()
    %scan3A_34 = arith.constant 0 : i32
    %scan3A_35 = arith.constant 1 : i32
    %scan3A_36 = arith.constant 15 : i32
    %scan3A_37 = arith.addi %scan3A_35, %scan3A_36 : i32
    %scan3A_38 = arith.constant 1 : i32
    %scan3A_39 = scf.for %scan3A_193 = %scan3A_35 to %scan3A_37 step %scan3A_38 iter_args(%scan3A_194 = %scan3A_34) -> (i32)  : i32 {
      "tpu.region"() ({
        %run_scoped3A_203 = tpu.sem_alloc : memref<!tpu.dma_semaphore, #tpu.memory_space<semaphore_mem>>
        %dma_start3A = arith.constant 0 : i32
        %dma_start3A_204 = tpu.memref_slice %arg25[%scan3A_193, %dma_start3A] : memref<16x2048xi32, #tpu.memory_space<vmem_shared>> -> memref<1x2048xi32, #tpu.memory_space<vmem_shared>>
        %dma_start3A_205 = tpu.memref_squeeze %dma_start3A_204 : memref<1x2048xi32, #tpu.memory_space<vmem_shared>> -> memref<2048xi32, #tpu.memory_space<vmem_shared>>
        %dma_start3A_206 = arith.constant 0 : i32
        %dma_start3A_207 = tpu.memref_slice %arg25[%scan3A_193, %dma_start3A_206] : memref<16x2048xi32, #tpu.memory_space<vmem_shared>> -> memref<1x2048xi32, #tpu.memory_space<vmem_shared>>
        %dma_start3A_208 = tpu.memref_squeeze %dma_start3A_207 : memref<1x2048xi32, #tpu.memory_space<vmem_shared>> -> memref<2048xi32, #tpu.memory_space<vmem_shared>>
        tpu.enqueue_dma source(%dma_start3A_208 : memref<2048xi32, #tpu.memory_space<vmem_shared>>) target(%arg11 : memref<2048xi32, #tpu.memory_space<vmem>>) target_semaphore(%run_scoped3A_203 : memref<!tpu.dma_semaphore, #tpu.memory_space<semaphore_mem>>)
        %dma_wait3A = arith.constant 0 : i32
        %dma_wait3A_209 = tpu.memref_slice %arg25[%scan3A_193, %dma_wait3A] : memref<16x2048xi32, #tpu.memory_space<vmem_shared>> -> memref<1x2048xi32, #tpu.memory_space<vmem_shared>>
        %dma_wait3A_210 = tpu.memref_squeeze %dma_wait3A_209 : memref<1x2048xi32, #tpu.memory_space<vmem_shared>> -> memref<2048xi32, #tpu.memory_space<vmem_shared>>
        %dma_wait3A_211 = arith.constant 0 : i32
        %dma_wait3A_212 = tpu.memref_slice %arg25[%scan3A_193, %dma_wait3A_211] : memref<16x2048xi32, #tpu.memory_space<vmem_shared>> -> memref<1x2048xi32, #tpu.memory_space<vmem_shared>>
        %dma_wait3A_213 = tpu.memref_squeeze %dma_wait3A_212 : memref<1x2048xi32, #tpu.memory_space<vmem_shared>> -> memref<2048xi32, #tpu.memory_space<vmem_shared>>
        tpu.wait_dma2 semaphore(%run_scoped3A_203 : memref<!tpu.dma_semaphore, #tpu.memory_space<semaphore_mem>>) src(%dma_wait3A_213 : memref<2048xi32, #tpu.memory_space<vmem_shared>>) dst(%arg11 : memref<2048xi32, #tpu.memory_space<vmem>>)
        tpu.yield
      }) : () -> ()
      %scan3A_195 = arith.constant 0 : i32
      %scan3A_196 = arith.constant 0 : i32
      %scan3A_197 = arith.constant 128 : i32
      %scan3A_198 = arith.addi %scan3A_196, %scan3A_197 : i32
      %scan3A_199 = arith.constant 1 : i32
      %scan3A_200 = scf.for %scan3A_203 = %scan3A_196 to %scan3A_198 step %scan3A_199 iter_args(%scan3A_204 = %scan3A_195) -> (i32)  : i32 {
        %mul3A_205 = arith.constant 16 : i32
        %mul3A_206 = arith.muli %scan3A_203, %mul3A_205 : i32
        %get3A_207 = arith.index_cast %mul3A_206 : i32 to index
        %get3A_208 = tpu.vector_load %arg12[%get3A_207] {strides = array<i32>} : memref<2048xi32, #tpu.memory_space<vmem>>, vector<16xi32>,
        %get3A_209 = arith.index_cast %mul3A_206 : i32 to index
        %get3A_210 = tpu.vector_load %arg11[%get3A_209] {strides = array<i32>} : memref<2048xi32, #tpu.memory_space<vmem>>, vector<16xi32>,
        %add3A_211 = arith.addi %get3A_208, %get3A_210 : vector<16xi32>
        %swap3A_212 = arith.index_cast %mul3A_206 : i32 to index
        %swap3A_213 = tpu.vector_load %arg12[%swap3A_212] {strides = array<i32>} : memref<2048xi32, #tpu.memory_space<vmem>>, vector<16xi32>,
        tpu.vector_store %arg12[%swap3A_212], %add3A_211 {strides = array<i32>} : memref<2048xi32, #tpu.memory_space<vmem>>, vector<16xi32>,
        %scan3A_214 = arith.constant 0 : i32
        scf.yield %scan3A_214 : i32
      }
      %scan3A_201 = arith.constant 128 : i32
      %scan3A_202 = arith.constant 0 : i32
      scf.yield %scan3A_202 : i32
    }
    %scan3A_40 = arith.constant 15 : i32
    %scan3A_41 = arith.constant 0 : i32
    %scan3A_42 = arith.constant 0 : i32
    %scan3A_43 = arith.constant 0 : i32
    %scan3A_44 = arith.constant 0 : i32
    %scan3A_45 = arith.constant 128 : i32
    %scan3A_46 = arith.addi %scan3A_44, %scan3A_45 : i32
    %scan3A_47 = arith.constant 1 : i32
    %scan3A_48:3 = scf.for %scan3A_193 = %scan3A_44 to %scan3A_46 step %scan3A_47 iter_args(%scan3A_194 = %scan3A_41, %scan3A_195 = %scan3A_42, %scan3A_196 = %scan3A_43) -> (i32, i32, i32)  : i32 {
      %sub3A_197 = arith.constant 127 : i32
      %sub3A_198 = arith.subi %sub3A_197, %scan3A_193 : i32
      %mul3A_199 = arith.constant 16 : i32
      %mul3A_200 = arith.muli %sub3A_198, %mul3A_199 : i32
      %get3A_201 = arith.index_cast %mul3A_200 : i32 to index
      %get3A_202 = tpu.vector_load %arg12[%get3A_201] {strides = array<i32>} : memref<2048xi32, #tpu.memory_space<vmem>>, vector<16xi32>,
      %reduce_sum3A = arith.constant true
      %reduce_sum3A_203 = vector.broadcast %reduce_sum3A : i1 to vector<16xi1>
      %reduce_sum3A_204 = tpu.scan <sum>, %get3A_202 masked %reduce_sum3A_203 : vector<16xi32>, vector<16xi1> -> vector<16xi32>
      %reduce_sum3A_205 = vector.extract %reduce_sum3A_204[15] : i32 from vector<16xi32>
      %add3A_206 = arith.addi %scan3A_194, %reduce_sum3A_205 : i32
      %ge3A_207 = arith.constant 20000 : i32
      %ge3A_208 = arith.cmpi sge, %add3A_206, %ge3A_207 : i32
      %lt3A = arith.constant 20000 : i32
      %lt3A_209 = arith.cmpi slt, %scan3A_194, %lt3A : i32
      %and3A = arith.andi %ge3A_208, %lt3A_209 : i1
      %select_n3A_210 = arith.select %and3A, %sub3A_198, %scan3A_195 : i32
      %select_n3A_211 = arith.select %and3A, %scan3A_194, %scan3A_196 : i32
      scf.yield %add3A_206, %select_n3A_210, %select_n3A_211 : i32, i32, i32
    }
    %scan3A_49 = arith.constant 128 : i32
    %mul3A_50 = arith.constant 16 : i32
    %mul3A_51 = arith.muli %scan3A_48#1, %mul3A_50 : i32
    %get3A_52 = arith.index_cast %mul3A_51 : i32 to index
    %get3A_53 = tpu.vector_load %arg12[%get3A_52] {strides = array<i32>} : memref<2048xi32, #tpu.memory_space<vmem>>, vector<16xi32>,
    %rev3A = arith.constant 15 : i32
    %rev3A_54 = vector.broadcast %rev3A : i32 to vector<16xi32>
    %rev3A_55 = tpu.iota {dimensions = array<i32: 0>} : vector<16xi32>
    %rev3A_56 = arith.subi %rev3A_54, %rev3A_55 : vector<16xi32>
    %rev3A_57 = tpu.dynamic_gather %get3A_53[%rev3A_56] in [0] : vector<16xi32>, vector<16xi32> -> vector<16xi32>
    %cumsum3A = arith.constant true
    %cumsum3A_58 = vector.broadcast %cumsum3A : i1 to vector<16xi1>
    %cumsum3A_59 = tpu.scan <sum>, %rev3A_57 masked %cumsum3A_58 : vector<16xi32>, vector<16xi1> -> vector<16xi32>
    %rev3A_60 = arith.constant 15 : i32
    %rev3A_61 = vector.broadcast %rev3A_60 : i32 to vector<16xi32>
    %rev3A_62 = tpu.iota {dimensions = array<i32: 0>} : vector<16xi32>
    %rev3A_63 = arith.subi %rev3A_61, %rev3A_62 : vector<16xi32>
    %rev3A_64 = tpu.dynamic_gather %cumsum3A_59[%rev3A_63] in [0] : vector<16xi32>, vector<16xi32> -> vector<16xi32>
    %add3A_65 = vector.broadcast %scan3A_48#2 : i32 to vector<16xi32>
    %add3A_66 = arith.addi %rev3A_64, %add3A_65 : vector<16xi32>
    %ge3A = arith.constant 20000 : i32
    %ge3A_67 = vector.broadcast %ge3A : i32 to vector<16xi32>
    %ge3A_68 = arith.cmpi sge, %add3A_66, %ge3A_67 : vector<16xi32>
    %all_reduce_population_count3A = tpu.all_reduce %ge3A_68 {dim = 0 : i64, kind = #tpu.reduction_kind<sum>} : vector<16xi1> -> vector<16xi32>
    %reduce_max3A = arith.constant true
    %reduce_max3A_69 = vector.broadcast %reduce_max3A : i1 to vector<16xi1>
    %reduce_max3A_70 = arith.constant -2147483648 : i32
    %reduce_max3A_71 = vector.broadcast %reduce_max3A_70 : i32 to vector<16xi32>
    %reduce_max3A_72 = arith.xori %all_reduce_population_count3A, %reduce_max3A_71 : vector<16xi32>
    %reduce_max3A_73 = tpu.scan <max>, %reduce_max3A_72 masked %reduce_max3A_69 : vector<16xi32>, vector<16xi1> -> vector<16xi32>
    %reduce_max3A_74 = arith.xori %reduce_max3A_73, %reduce_max3A_71 : vector<16xi32>
    %reduce_max3A_75 = vector.extract %reduce_max3A_74[15] : i32 from vector<16xi32>
    %sub3A = arith.constant 1 : i32
    %sub3A_76 = arith.subi %reduce_max3A_75, %sub3A : i32
    %mul3A_77 = arith.constant 16 : i32
    %mul3A_78 = arith.muli %scan3A_48#1, %mul3A_77 : i32
    %add3A_79 = arith.addi %mul3A_78, %sub3A_76 : i32
    %shift_left3A = arith.constant 20 : i32
    %shift_left3A_80 = arith.shli %add3A_79, %shift_left3A : i32
    %scan3A_81 = arith.constant 0 : i32
    %scan3A_82 = arith.constant 0 : i32
    %scan3A_83 = arith.constant 32 : i32
    %scan3A_84 = arith.addi %scan3A_82, %scan3A_83 : i32
    %scan3A_85 = arith.constant 1 : i32
    %scan3A_86 = scf.for %scan3A_193 = %scan3A_82 to %scan3A_84 step %scan3A_85 iter_args(%scan3A_194 = %scan3A_81) -> (i32)  : i32 {
      %mul3A_195 = arith.constant 4096 : i32
      %mul3A_196 = arith.muli %scan3A_193, %mul3A_195 : i32
      %add3A_197 = arith.addi %mul3A_2, %mul3A_196 : i32
      "tpu.region"() ({
        %run_scoped3A_227 = tpu.sem_alloc : memref<!tpu.dma_semaphore, #tpu.memory_space<semaphore_mem>>
        %dma_start3A = tpu.memref_slice %arg2[%arg0, %add3A_197] : memref<2x2097152xf32, #tpu.memory_space<hbm>> -> memref<1x4096xf32, #tpu.memory_space<hbm>>
        %dma_start3A_228 = tpu.memref_squeeze %dma_start3A : memref<1x4096xf32, #tpu.memory_space<hbm>> -> memref<4096xf32, #tpu.memory_space<hbm>>
        %dma_start3A_229 = tpu.memref_slice %arg2[%arg0, %add3A_197] : memref<2x2097152xf32, #tpu.memory_space<hbm>> -> memref<1x4096xf32, #tpu.memory_space<hbm>>
        %dma_start3A_230 = tpu.memref_squeeze %dma_start3A_229 : memref<1x4096xf32, #tpu.memory_space<hbm>> -> memref<4096xf32, #tpu.memory_space<hbm>>
        tpu.enqueue_dma source(%dma_start3A_230 : memref<4096xf32, #tpu.memory_space<hbm>>) target(%arg10 : memref<4096xf32, #tpu.memory_space<vmem>>) target_semaphore(%run_scoped3A_227 : memref<!tpu.dma_semaphore, #tpu.memory_space<semaphore_mem>>)
        %dma_wait3A = tpu.memref_slice %arg2[%arg0, %add3A_197] : memref<2x2097152xf32, #tpu.memory_space<hbm>> -> memref<1x4096xf32, #tpu.memory_space<hbm>>
        %dma_wait3A_231 = tpu.memref_squeeze %dma_wait3A : memref<1x4096xf32, #tpu.memory_space<hbm>> -> memref<4096xf32, #tpu.memory_space<hbm>>
        %dma_wait3A_232 = tpu.memref_slice %arg2[%arg0, %add3A_197] : memref<2x2097152xf32, #tpu.memory_space<hbm>> -> memref<1x4096xf32, #tpu.memory_space<hbm>>
        %dma_wait3A_233 = tpu.memref_squeeze %dma_wait3A_232 : memref<1x4096xf32, #tpu.memory_space<hbm>> -> memref<4096xf32, #tpu.memory_space<hbm>>
        tpu.wait_dma2 semaphore(%run_scoped3A_227 : memref<!tpu.dma_semaphore, #tpu.memory_space<semaphore_mem>>) src(%dma_wait3A_233 : memref<4096xf32, #tpu.memory_space<hbm>>) dst(%arg10 : memref<4096xf32, #tpu.memory_space<vmem>>)
        tpu.yield
      }) : () -> ()
      %mul3A_198 = arith.constant 1048576 : i32
      %mul3A_199 = arith.muli %arg0, %mul3A_198 : i32
      %jit3A_200 = arith.constant 2 : i32
      %div3A_201 = arith.divsi %add3A_197, %jit3A_200 : i32
      %sign3A = arith.constant 0 : i32
      %sign3A_202 = arith.cmpi sgt, %add3A_197, %sign3A : i32
      %sign3A_203 = arith.extui %sign3A_202 : i1 to i32
      %sign3A_204 = arith.constant 0 : i32
      %sign3A_205 = arith.cmpi slt, %add3A_197, %sign3A_204 : i32
      %sign3A_206 = arith.extui %sign3A_205 : i1 to i32
      %sign3A_207 = arith.subi %sign3A_203, %sign3A_206 : i32
      %sign3A_208 = arith.constant 0 : i32
      %sign3A_209 = arith.cmpi sgt, %jit3A_200, %sign3A_208 : i32
      %sign3A_210 = arith.extui %sign3A_209 : i1 to i32
      %sign3A_211 = arith.constant 0 : i32
      %sign3A_212 = arith.cmpi slt, %jit3A_200, %sign3A_211 : i32
      %sign3A_213 = arith.extui %sign3A_212 : i1 to i32
      %sign3A_214 = arith.subi %sign3A_210, %sign3A_213 : i32
      %ne3A = arith.cmpi ne, %sign3A_207, %sign3A_214 : i32
      %rem3A = arith.remsi %add3A_197, %jit3A_200 : i32
      %ne3A_215 = arith.constant 0 : i32
      %ne3A_216 = arith.cmpi ne, %rem3A, %ne3A_215 : i32
      %and3A = arith.andi %ne3A, %ne3A_216 : i1
      %sub3A_217 = arith.constant 1 : i32
      %sub3A_218 = arith.subi %div3A_201, %sub3A_217 : i32
      %select_n3A_219 = arith.select %and3A, %sub3A_218, %div3A_201 : i32
      %add3A_220 = arith.addi %mul3A_199, %select_n3A_219 : i32
      %multiple_of3A = tpu.assume_multiple %add3A_220, 1024 : i32
      "tpu.region"() ({
        %run_scoped3A_227 = tpu.sem_alloc : memref<!tpu.dma_semaphore, #tpu.memory_space<semaphore_mem>>
        %dma_start3A = tpu.memref_slice %arg3[%multiple_of3A] : memref<2097152xi32, #tpu.memory_space<hbm>> -> memref<2048xi32, #tpu.memory_space<hbm>>
        %dma_start3A_228 = tpu.memref_slice %arg3[%multiple_of3A] : memref<2097152xi32, #tpu.memory_space<hbm>> -> memref<2048xi32, #tpu.memory_space<hbm>>
        tpu.enqueue_dma source(%dma_start3A_228 : memref<2048xi32, #tpu.memory_space<hbm>>) target(%arg11 : memref<2048xi32, #tpu.memory_space<vmem>>) target_semaphore(%run_scoped3A_227 : memref<!tpu.dma_semaphore, #tpu.memory_space<semaphore_mem>>)
        %dma_wait3A = tpu.memref_slice %arg3[%multiple_of3A] : memref<2097152xi32, #tpu.memory_space<hbm>> -> memref<2048xi32, #tpu.memory_space<hbm>>
        %dma_wait3A_229 = tpu.memref_slice %arg3[%multiple_of3A] : memref<2097152xi32, #tpu.memory_space<hbm>> -> memref<2048xi32, #tpu.memory_space<hbm>>
        tpu.wait_dma2 semaphore(%run_scoped3A_227 : memref<!tpu.dma_semaphore, #tpu.memory_space<semaphore_mem>>) src(%dma_wait3A_229 : memref<2048xi32, #tpu.memory_space<hbm>>) dst(%arg11 : memref<2048xi32, #tpu.memory_space<vmem>>)
        tpu.yield
      }) : () -> ()
      %scan3A_221 = arith.constant 0 : i32
      %scan3A_222 = arith.constant 128 : i32
      %scan3A_223 = arith.addi %scan3A_221, %scan3A_222 : i32
      %scan3A_224 = arith.constant 1 : i32
      %scan3A_225 = scf.for %scan3A_227 = %scan3A_221 to %scan3A_223 step %scan3A_224 iter_args(%scan3A_228 = %scan3A_194) -> (i32)  : i32 {
        %mul3A_229 = arith.constant 16 : i32
        %mul3A_230 = arith.muli %scan3A_227, %mul3A_229 : i32
        %get3A_231 = arith.index_cast %mul3A_230 : i32 to index
        %get3A_232 = tpu.vector_load %arg11[%get3A_231] {strides = array<i32>} : memref<2048xi32, #tpu.memory_space<vmem>>, vector<16xi32>,
        %shift_left3A_233 = arith.constant 16 : i32
        %shift_left3A_234 = vector.broadcast %shift_left3A_233 : i32 to vector<16xi32>
        %shift_left3A_235 = arith.shli %get3A_232, %shift_left3A_234 : vector<16xi32>
        %bitcast_convert_type3A = tpu.bitcast %shift_left3A_235 : vector<16xi32> -> vector<16xf32>
        %and3A_236 = arith.constant -65536 : i32
        %and3A_237 = vector.broadcast %and3A_236 : i32 to vector<16xi32>
        %and3A_238 = arith.andi %get3A_232, %and3A_237 : vector<16xi32>
        %bitcast_convert_type3A_239 = tpu.bitcast %and3A_238 : vector<16xi32> -> vector<16xf32>
        %mul3A_240 = arith.constant 2 : i32
        %mul3A_241 = arith.muli %scan3A_227, %mul3A_240 : i32
        %add3A_242 = arith.constant 0 : i32
        %add3A_243 = arith.addi %mul3A_241, %add3A_242 : i32
        %mul3A_244 = arith.constant 16 : i32
        %mul3A_245 = arith.muli %add3A_243, %mul3A_244 : i32
        %get3A_246 = arith.index_cast %mul3A_245 : i32 to index
        %get3A_247 = tpu.vector_load %arg10[%get3A_246] {strides = array<i32>} : memref<4096xf32, #tpu.memory_space<vmem>>, vector<16xf32>,
        %mul3A_248 = arith.mulf %get3A_247, %get3A_6 : vector<16xf32>
        %add3A_249 = arith.constant 9.99999974E-5 : f32
        %add3A_250 = vector.broadcast %add3A_249 : f32 to vector<16xf32>
        %add3A_251 = arith.addf %mul3A_248, %add3A_250 : vector<16xf32>
        %mul3A_252 = arith.mulf %add3A_251, %bitcast_convert_type3A : vector<16xf32>
        %bitcast_convert_type3A_253 = tpu.bitcast %mul3A_252 : vector<16xf32> -> vector<16xi32>
        %ge3A_254 = vector.broadcast %shift_left3A_80 : i32 to vector<16xi32>
        %ge3A_255 = arith.cmpi sge, %bitcast_convert_type3A_253, %ge3A_254 : vector<16xi32>
        %mul3A_256 = arith.constant 2 : i32
        %mul3A_257 = arith.muli %scan3A_227, %mul3A_256 : i32
        %add3A_258 = arith.constant 0 : i32
        %add3A_259 = arith.addi %mul3A_257, %add3A_258 : i32
        %mul3A_260 = arith.constant 16 : i32
        %mul3A_261 = arith.muli %add3A_259, %mul3A_260 : i32
        %add3A_262 = arith.addi %add3A_197, %mul3A_261 : i32
        %add3A_263 = vector.broadcast %add3A_262 : i32 to vector<16xi32>
        %add3A_264 = arith.addi %iota3A, %add3A_263 : vector<16xi32>
        %swap3A_265 = arith.index_cast %scan3A_228 : i32 to index
        %swap3A_266 = tpu.vector_load %arg13[%swap3A_265] masked %ge3A_255 {strides = array<i32>} : memref<2000xf32, #tpu.memory_space<vmem>>, vector<16xf32>, vector<16xi1>
        tpu.vector_store %arg13[%swap3A_265], %mul3A_252 masked %ge3A_255 {strides = array<i32>} : memref<2000xf32, #tpu.memory_space<vmem>>, vector<16xf32>, vector<16xi1>
        %swap3A_267 = arith.index_cast %scan3A_228 : i32 to index
        %swap3A_268 = tpu.vector_load %arg14[%swap3A_267] masked %ge3A_255 {strides = array<i32>} : memref<2000xi32, #tpu.memory_space<vmem>>, vector<16xi32>, vector<16xi1>
        tpu.vector_store %arg14[%swap3A_267], %add3A_264 masked %ge3A_255 {strides = array<i32>} : memref<2000xi32, #tpu.memory_space<vmem>>, vector<16xi32>, vector<16xi1>
        %all_reduce_population_count3A_269 = tpu.all_reduce %ge3A_255 {dim = 0 : i64, kind = #tpu.reduction_kind<sum>} : vector<16xi1> -> vector<16xi32>
        %reduce_max3A_270 = arith.constant true
        %reduce_max3A_271 = vector.broadcast %reduce_max3A_270 : i1 to vector<16xi1>
        %reduce_max3A_272 = arith.constant -2147483648 : i32
        %reduce_max3A_273 = vector.broadcast %reduce_max3A_272 : i32 to vector<16xi32>
        %reduce_max3A_274 = arith.xori %all_reduce_population_count3A_269, %reduce_max3A_273 : vector<16xi32>
        %reduce_max3A_275 = tpu.scan <max>, %reduce_max3A_274 masked %reduce_max3A_271 : vector<16xi32>, vector<16xi1> -> vector<16xi32>
        %reduce_max3A_276 = arith.xori %reduce_max3A_275, %reduce_max3A_273 : vector<16xi32>
        %reduce_max3A_277 = vector.extract %reduce_max3A_276[15] : i32 from vector<16xi32>
        %add3A_278 = arith.addi %scan3A_228, %reduce_max3A_277 : i32
        %min3A_279 = arith.constant 1968 : i32
        %min3A_280 = arith.minsi %add3A_278, %min3A_279 : i32
        %mul3A_281 = arith.constant 2 : i32
        %mul3A_282 = arith.muli %scan3A_227, %mul3A_281 : i32
        %add3A_283 = arith.constant 1 : i32
        %add3A_284 = arith.addi %mul3A_282, %add3A_283 : i32
        %mul3A_285 = arith.constant 16 : i32
        %mul3A_286 = arith.muli %add3A_284, %mul3A_285 : i32
        %get3A_287 = arith.index_cast %mul3A_286 : i32 to index
        %get3A_288 = tpu.vector_load %arg10[%get3A_287] {strides = array<i32>} : memref<4096xf32, #tpu.memory_space<vmem>>, vector<16xf32>,
        %mul3A_289 = arith.mulf %get3A_288, %get3A_6 : vector<16xf32>
        %add3A_290 = arith.constant 9.99999974E-5 : f32
        %add3A_291 = vector.broadcast %add3A_290 : f32 to vector<16xf32>
        %add3A_292 = arith.addf %mul3A_289, %add3A_291 : vector<16xf32>
        %mul3A_293 = arith.mulf %add3A_292, %bitcast_convert_type3A_239 : vector<16xf32>
        %bitcast_convert_type3A_294 = tpu.bitcast %mul3A_293 : vector<16xf32> -> vector<16xi32>
        %ge3A_295 = vector.broadcast %shift_left3A_80 : i32 to vector<16xi32>
        %ge3A_296 = arith.cmpi sge, %bitcast_convert_type3A_294, %ge3A_295 : vector<16xi32>
        %mul3A_297 = arith.constant 2 : i32
        %mul3A_298 = arith.muli %scan3A_227, %mul3A_297 : i32
        %add3A_299 = arith.constant 1 : i32
        %add3A_300 = arith.addi %mul3A_298, %add3A_299 : i32
        %mul3A_301 = arith.constant 16 : i32
        %mul3A_302 = arith.muli %add3A_300, %mul3A_301 : i32
        %add3A_303 = arith.addi %add3A_197, %mul3A_302 : i32
        %add3A_304 = vector.broadcast %add3A_303 : i32 to vector<16xi32>
        %add3A_305 = arith.addi %iota3A, %add3A_304 : vector<16xi32>
        %swap3A_306 = arith.index_cast %min3A_280 : i32 to index
        %swap3A_307 = tpu.vector_load %arg13[%swap3A_306] masked %ge3A_296 {strides = array<i32>} : memref<2000xf32, #tpu.memory_space<vmem>>, vector<16xf32>, vector<16xi1>
        tpu.vector_store %arg13[%swap3A_306], %mul3A_293 masked %ge3A_296 {strides = array<i32>} : memref<2000xf32, #tpu.memory_space<vmem>>, vector<16xf32>, vector<16xi1>
        %swap3A_308 = arith.index_cast %min3A_280 : i32 to index
        %swap3A_309 = tpu.vector_load %arg14[%swap3A_308] masked %ge3A_296 {strides = array<i32>} : memref<2000xi32, #tpu.memory_space<vmem>>, vector<16xi32>, vector<16xi1>
        tpu.vector_store %arg14[%swap3A_308], %add3A_305 masked %ge3A_296 {strides = array<i32>} : memref<2000xi32, #tpu.memory_space<vmem>>, vector<16xi32>, vector<16xi1>
        %all_reduce_population_count3A_310 = tpu.all_reduce %ge3A_296 {dim = 0 : i64, kind = #tpu.reduction_kind<sum>} : vector<16xi1> -> vector<16xi32>
        %reduce_max3A_311 = arith.constant true
        %reduce_max3A_312 = vector.broadcast %reduce_max3A_311 : i1 to vector<16xi1>
        %reduce_max3A_313 = arith.constant -2147483648 : i32
        %reduce_max3A_314 = vector.broadcast %reduce_max3A_313 : i32 to vector<16xi32>
        %reduce_max3A_315 = arith.xori %all_reduce_population_count3A_310, %reduce_max3A_314 : vector<16xi32>
        %reduce_max3A_316 = tpu.scan <max>, %reduce_max3A_315 masked %reduce_max3A_312 : vector<16xi32>, vector<16xi1> -> vector<16xi32>
        %reduce_max3A_317 = arith.xori %reduce_max3A_316, %reduce_max3A_314 : vector<16xi32>
        %reduce_max3A_318 = vector.extract %reduce_max3A_317[15] : i32 from vector<16xi32>
        %add3A_319 = arith.addi %min3A_280, %reduce_max3A_318 : i32
        %min3A_320 = arith.constant 1968 : i32
        %min3A_321 = arith.minsi %add3A_319, %min3A_320 : i32
        scf.yield %min3A_321 : i32
      }
      %scan3A_226 = arith.constant 128 : i32
      scf.yield %scan3A_225 : i32
    }
    %scan3A_87 = arith.constant 32 : i32
    %add3A_88 = arith.constant 15 : i32
    %add3A_89 = arith.addi %scan3A_86, %add3A_88 : i32
    %div3A = arith.constant 16 : i32
    %div3A_90 = arith.divsi %add3A_89, %div3A : i32
    %add3A_91 = arith.constant 1 : i32
    %add3A_92 = arith.addi %add3A_79, %add3A_91 : i32
    %shift_left3A_93 = arith.constant 20 : i32
    %shift_left3A_94 = arith.shli %add3A_92, %shift_left3A_93 : i32
    %scan3A_95 = arith.constant 0 : i32
    %scan3A_96 = arith.constant 14 : i32
    %scan3A_97 = arith.addi %scan3A_95, %scan3A_96 : i32
    %scan3A_98 = arith.constant 1 : i32
    %scan3A_99:2 = scf.for %scan3A_193 = %scan3A_95 to %scan3A_97 step %scan3A_98 iter_args(%scan3A_194 = %shift_left3A_80, %scan3A_195 = %shift_left3A_94) -> (i32, i32)  : i32 {
      %add3A_196 = arith.addi %scan3A_194, %scan3A_195 : i32
      %shift_right_logical3A = arith.constant 1 : i32
      %shift_right_logical3A_197 = arith.shrui %add3A_196, %shift_right_logical3A : i32
      %while3A_198 = arith.constant 0 : i32
      %while3A_199 = arith.constant 0 : i32
      %while3A_200 = arith.subi %div3A_90, %while3A_198 : i32
      %while3A_201 = arith.addi %while3A_198, %while3A_200 : i32
      %while3A_202 = arith.constant 1 : i32
      %while3A_203 = arith.divsi %while3A_200, %while3A_202 : i32
      %while3A_204 = arith.muli %while3A_203, %while3A_202 : i32
      %while3A_205 = arith.addi %while3A_198, %while3A_204 : i32
      %while3A_206 = arith.constant 1 : i32
      %while3A_207 = scf.for %while3A_228 = %while3A_198 to %while3A_205 step %while3A_206 iter_args(%while3A_229 = %while3A_199) -> (i32)  : i32 {
        %mul3A_230 = arith.constant 16 : i32
        %mul3A_231 = arith.muli %while3A_228, %mul3A_230 : i32
        %get3A_232 = arith.index_cast %mul3A_231 : i32 to index
        %get3A_233 = tpu.vector_load %arg13[%get3A_232] {strides = array<i32>} : memref<2000xf32, #tpu.memory_space<vmem>>, vector<16xf32>,
        %bitcast_convert_type3A = tpu.bitcast %get3A_233 : vector<16xf32> -> vector<16xi32>
        %ge3A_234 = vector.broadcast %shift_right_logical3A_197 : i32 to vector<16xi32>
        %ge3A_235 = arith.cmpi sge, %bitcast_convert_type3A, %ge3A_234 : vector<16xi32>
        %all_reduce_population_count3A_236 = tpu.all_reduce %ge3A_235 {dim = 0 : i64, kind = #tpu.reduction_kind<sum>} : vector<16xi1> -> vector<16xi32>
        %reduce_max3A_237 = arith.constant true
        %reduce_max3A_238 = vector.broadcast %reduce_max3A_237 : i1 to vector<16xi1>
        %reduce_max3A_239 = arith.constant -2147483648 : i32
        %reduce_max3A_240 = vector.broadcast %reduce_max3A_239 : i32 to vector<16xi32>
        %reduce_max3A_241 = arith.xori %all_reduce_population_count3A_236, %reduce_max3A_240 : vector<16xi32>
        %reduce_max3A_242 = tpu.scan <max>, %reduce_max3A_241 masked %reduce_max3A_238 : vector<16xi32>, vector<16xi1> -> vector<16xi32>
        %reduce_max3A_243 = arith.xori %reduce_max3A_242, %reduce_max3A_240 : vector<16xi32>
        %reduce_max3A_244 = vector.extract %reduce_max3A_243[15] : i32 from vector<16xi32>
        %add3A_245 = arith.addi %while3A_229, %reduce_max3A_244 : i32
        scf.yield %add3A_245 : i32
      }
      %while3A_208 = arith.constant 1 : i32
      %while3A_209 = scf.for %while3A_228 = %while3A_205 to %while3A_201 step %while3A_208 iter_args(%while3A_229 = %while3A_207) -> (i32)  : i32 {
        %mul3A_230 = arith.constant 16 : i32
        %mul3A_231 = arith.muli %while3A_228, %mul3A_230 : i32
        %get3A_232 = arith.index_cast %mul3A_231 : i32 to index
        %get3A_233 = tpu.vector_load %arg13[%get3A_232] {strides = array<i32>} : memref<2000xf32, #tpu.memory_space<vmem>>, vector<16xf32>,
        %bitcast_convert_type3A = tpu.bitcast %get3A_233 : vector<16xf32> -> vector<16xi32>
        %ge3A_234 = vector.broadcast %shift_right_logical3A_197 : i32 to vector<16xi32>
        %ge3A_235 = arith.cmpi sge, %bitcast_convert_type3A, %ge3A_234 : vector<16xi32>
        %all_reduce_population_count3A_236 = tpu.all_reduce %ge3A_235 {dim = 0 : i64, kind = #tpu.reduction_kind<sum>} : vector<16xi1> -> vector<16xi32>
        %reduce_max3A_237 = arith.constant true
        %reduce_max3A_238 = vector.broadcast %reduce_max3A_237 : i1 to vector<16xi1>
        %reduce_max3A_239 = arith.constant -2147483648 : i32
        %reduce_max3A_240 = vector.broadcast %reduce_max3A_239 : i32 to vector<16xi32>
        %reduce_max3A_241 = arith.xori %all_reduce_population_count3A_236, %reduce_max3A_240 : vector<16xi32>
        %reduce_max3A_242 = tpu.scan <max>, %reduce_max3A_241 masked %reduce_max3A_238 : vector<16xi32>, vector<16xi1> -> vector<16xi32>
        %reduce_max3A_243 = arith.xori %reduce_max3A_242, %reduce_max3A_240 : vector<16xi32>
        %reduce_max3A_244 = vector.extract %reduce_max3A_243[15] : i32 from vector<16xi32>
        %add3A_245 = arith.addi %while3A_229, %reduce_max3A_244 : i32
        scf.yield %add3A_245 : i32
      }
      %broadcast_in_dim3A_210 = vector.broadcast %while3A_209 : i32 to vector<16xi32>
      %swap3A_211 = arith.constant 0 : index
      %swap3A_212 = tpu.vector_load %arg16[%swap3A_211] {strides = array<i32>} : memref<16xi32, #tpu.memory_space<vmem>>, vector<16xi32>,
      tpu.vector_store %arg16[%swap3A_211], %broadcast_in_dim3A_210 {strides = array<i32>} : memref<16xi32, #tpu.memory_space<vmem>>, vector<16xi32>,
      %mul3A_213 = arith.constant 16 : i32
      %mul3A_214 = arith.muli %arg1, %mul3A_213 : i32
      "tpu.region"() ({
        %run_scoped3A_228 = tpu.sem_alloc : memref<!tpu.dma_semaphore, #tpu.memory_space<semaphore_mem>>
        %dma_start3A = tpu.memref_slice %arg26[%mul3A_214] : memref<256xi32, #tpu.memory_space<vmem_shared>> -> memref<16xi32, #tpu.memory_space<vmem_shared>>
        %dma_start3A_229 = tpu.memref_slice %arg26[%mul3A_214] : memref<256xi32, #tpu.memory_space<vmem_shared>> -> memref<16xi32, #tpu.memory_space<vmem_shared>>
        tpu.enqueue_dma source(%arg16 : memref<16xi32, #tpu.memory_space<vmem>>) target(%dma_start3A_229 : memref<16xi32, #tpu.memory_space<vmem_shared>>) target_semaphore(%run_scoped3A_228 : memref<!tpu.dma_semaphore, #tpu.memory_space<semaphore_mem>>)
        %dma_wait3A = tpu.memref_slice %arg26[%mul3A_214] : memref<256xi32, #tpu.memory_space<vmem_shared>> -> memref<16xi32, #tpu.memory_space<vmem_shared>>
        %dma_wait3A_230 = tpu.memref_slice %arg26[%mul3A_214] : memref<256xi32, #tpu.memory_space<vmem_shared>> -> memref<16xi32, #tpu.memory_space<vmem_shared>>
        tpu.wait_dma2 semaphore(%run_scoped3A_228 : memref<!tpu.dma_semaphore, #tpu.memory_space<semaphore_mem>>) src(%arg16 : memref<16xi32, #tpu.memory_space<vmem>>) dst(%dma_wait3A_230 : memref<16xi32, #tpu.memory_space<vmem_shared>>)
        tpu.yield
      }) : () -> ()
      %barrier3A_215 = arith.constant 0 : index
      tpu.barrier barrier_id(%barrier3A_215)
      "tpu.region"() ({
        %run_scoped3A_228 = tpu.sem_alloc : memref<!tpu.dma_semaphore, #tpu.memory_space<semaphore_mem>>
        tpu.enqueue_dma source(%arg26 : memref<256xi32, #tpu.memory_space<vmem_shared>>) target(%arg17 : memref<256xi32, #tpu.memory_space<vmem>>) target_semaphore(%run_scoped3A_228 : memref<!tpu.dma_semaphore, #tpu.memory_space<semaphore_mem>>)
        tpu.wait_dma2 semaphore(%run_scoped3A_228 : memref<!tpu.dma_semaphore, #tpu.memory_space<semaphore_mem>>) src(%arg26 : memref<256xi32, #tpu.memory_space<vmem_shared>>) dst(%arg17 : memref<256xi32, #tpu.memory_space<vmem>>)
        tpu.yield
      }) : () -> ()
      %barrier3A_216 = arith.constant 0 : index
      tpu.barrier barrier_id(%barrier3A_216)
      %scan3A_217 = arith.constant 0 : i32
      %scan3A_218 = arith.constant 0 : i32
      %scan3A_219 = arith.constant 16 : i32
      %scan3A_220 = arith.addi %scan3A_218, %scan3A_219 : i32
      %scan3A_221 = arith.constant 1 : i32
      %scan3A_222 = scf.for %scan3A_228 = %scan3A_218 to %scan3A_220 step %scan3A_221 iter_args(%scan3A_229 = %scan3A_217) -> (i32)  : i32 {
        %mul3A_230 = arith.constant 16 : i32
        %mul3A_231 = arith.muli %scan3A_228, %mul3A_230 : i32
        %get3A_232 = arith.index_cast %mul3A_231 : i32 to index
        %get3A_233 = tpu.vector_load %arg17[%get3A_232] {strides = array<i32>} : memref<256xi32, #tpu.memory_space<vmem>>, vector<16xi32>,
        %reduce_max3A_234 = arith.constant true
        %reduce_max3A_235 = vector.broadcast %reduce_max3A_234 : i1 to vector<16xi1>
        %reduce_max3A_236 = arith.constant -2147483648 : i32
        %reduce_max3A_237 = vector.broadcast %reduce_max3A_236 : i32 to vector<16xi32>
        %reduce_max3A_238 = arith.xori %get3A_233, %reduce_max3A_237 : vector<16xi32>
        %reduce_max3A_239 = tpu.scan <max>, %reduce_max3A_238 masked %reduce_max3A_235 : vector<16xi32>, vector<16xi1> -> vector<16xi32>
        %reduce_max3A_240 = arith.xori %reduce_max3A_239, %reduce_max3A_237 : vector<16xi32>
        %reduce_max3A_241 = vector.extract %reduce_max3A_240[15] : i32 from vector<16xi32>
        %add3A_242 = arith.addi %scan3A_229, %reduce_max3A_241 : i32
        scf.yield %add3A_242 : i32
      }
      %scan3A_223 = arith.constant 16 : i32
      %ge3A_224 = arith.constant 20000 : i32
      %ge3A_225 = arith.cmpi sge, %scan3A_222, %ge3A_224 : i32
      %select_n3A_226 = arith.select %ge3A_225, %shift_right_logical3A_197, %scan3A_194 : i32
      %select_n3A_227 = arith.select %ge3A_225, %scan3A_195, %shift_right_logical3A_197 : i32
      scf.yield %select_n3A_226, %select_n3A_227 : i32, i32
    }
    %scan3A_100 = arith.constant 14 : i32
    %while3A = arith.constant 0 : i32
    %while3A_101 = arith.constant 0 : i32
    %while3A_102 = arith.subi %div3A_90, %while3A : i32
    %while3A_103 = arith.addi %while3A, %while3A_102 : i32
    %while3A_104 = arith.constant 1 : i32
    %while3A_105 = arith.divsi %while3A_102, %while3A_104 : i32
    %while3A_106 = arith.muli %while3A_105, %while3A_104 : i32
    %while3A_107 = arith.addi %while3A, %while3A_106 : i32
    %while3A_108 = arith.constant 1 : i32
    %while3A_109 = scf.for %while3A_193 = %while3A to %while3A_107 step %while3A_108 iter_args(%while3A_194 = %while3A_101) -> (i32)  : i32 {
      %mul3A_195 = arith.constant 16 : i32
      %mul3A_196 = arith.muli %while3A_193, %mul3A_195 : i32
      %get3A_197 = arith.index_cast %mul3A_196 : i32 to index
      %get3A_198 = tpu.vector_load %arg13[%get3A_197] {strides = array<i32>} : memref<2000xf32, #tpu.memory_space<vmem>>, vector<16xf32>,
      %bitcast_convert_type3A = tpu.bitcast %get3A_198 : vector<16xf32> -> vector<16xi32>
      %ge3A_199 = vector.broadcast %scan3A_99#0 : i32 to vector<16xi32>
      %ge3A_200 = arith.cmpi sge, %bitcast_convert_type3A, %ge3A_199 : vector<16xi32>
      %mul3A_201 = arith.constant 16 : i32
      %mul3A_202 = arith.muli %while3A_193, %mul3A_201 : i32
      %get3A_203 = arith.index_cast %mul3A_202 : i32 to index
      %get3A_204 = tpu.vector_load %arg14[%get3A_203] {strides = array<i32>} : memref<2000xi32, #tpu.memory_space<vmem>>, vector<16xi32>,
      %swap3A_205 = arith.index_cast %while3A_194 : i32 to index
      %swap3A_206 = tpu.vector_load %arg15[%swap3A_205] masked %ge3A_200 {strides = array<i32>} : memref<1680xi32, #tpu.memory_space<vmem>>, vector<16xi32>, vector<16xi1>
      tpu.vector_store %arg15[%swap3A_205], %get3A_204 masked %ge3A_200 {strides = array<i32>} : memref<1680xi32, #tpu.memory_space<vmem>>, vector<16xi32>, vector<16xi1>
      %all_reduce_population_count3A_207 = tpu.all_reduce %ge3A_200 {dim = 0 : i64, kind = #tpu.reduction_kind<sum>} : vector<16xi1> -> vector<16xi32>
      %reduce_max3A_208 = arith.constant true
      %reduce_max3A_209 = vector.broadcast %reduce_max3A_208 : i1 to vector<16xi1>
      %reduce_max3A_210 = arith.constant -2147483648 : i32
      %reduce_max3A_211 = vector.broadcast %reduce_max3A_210 : i32 to vector<16xi32>
      %reduce_max3A_212 = arith.xori %all_reduce_population_count3A_207, %reduce_max3A_211 : vector<16xi32>
      %reduce_max3A_213 = tpu.scan <max>, %reduce_max3A_212 masked %reduce_max3A_209 : vector<16xi32>, vector<16xi1> -> vector<16xi32>
      %reduce_max3A_214 = arith.xori %reduce_max3A_213, %reduce_max3A_211 : vector<16xi32>
      %reduce_max3A_215 = vector.extract %reduce_max3A_214[15] : i32 from vector<16xi32>
      %add3A_216 = arith.addi %while3A_194, %reduce_max3A_215 : i32
      %min3A_217 = arith.constant 1664 : i32
      %min3A_218 = arith.minsi %add3A_216, %min3A_217 : i32
      scf.yield %min3A_218 : i32
    }
    %while3A_110 = arith.constant 1 : i32
    %while3A_111 = scf.for %while3A_193 = %while3A_107 to %while3A_103 step %while3A_110 iter_args(%while3A_194 = %while3A_109) -> (i32)  : i32 {
      %mul3A_195 = arith.constant 16 : i32
      %mul3A_196 = arith.muli %while3A_193, %mul3A_195 : i32
      %get3A_197 = arith.index_cast %mul3A_196 : i32 to index
      %get3A_198 = tpu.vector_load %arg13[%get3A_197] {strides = array<i32>} : memref<2000xf32, #tpu.memory_space<vmem>>, vector<16xf32>,
      %bitcast_convert_type3A = tpu.bitcast %get3A_198 : vector<16xf32> -> vector<16xi32>
      %ge3A_199 = vector.broadcast %scan3A_99#0 : i32 to vector<16xi32>
      %ge3A_200 = arith.cmpi sge, %bitcast_convert_type3A, %ge3A_199 : vector<16xi32>
      %mul3A_201 = arith.constant 16 : i32
      %mul3A_202 = arith.muli %while3A_193, %mul3A_201 : i32
      %get3A_203 = arith.index_cast %mul3A_202 : i32 to index
      %get3A_204 = tpu.vector_load %arg14[%get3A_203] {strides = array<i32>} : memref<2000xi32, #tpu.memory_space<vmem>>, vector<16xi32>,
      %swap3A_205 = arith.index_cast %while3A_194 : i32 to index
      %swap3A_206 = tpu.vector_load %arg15[%swap3A_205] masked %ge3A_200 {strides = array<i32>} : memref<1680xi32, #tpu.memory_space<vmem>>, vector<16xi32>, vector<16xi1>
      tpu.vector_store %arg15[%swap3A_205], %get3A_204 masked %ge3A_200 {strides = array<i32>} : memref<1680xi32, #tpu.memory_space<vmem>>, vector<16xi32>, vector<16xi1>
      %all_reduce_population_count3A_207 = tpu.all_reduce %ge3A_200 {dim = 0 : i64, kind = #tpu.reduction_kind<sum>} : vector<16xi1> -> vector<16xi32>
      %reduce_max3A_208 = arith.constant true
      %reduce_max3A_209 = vector.broadcast %reduce_max3A_208 : i1 to vector<16xi1>
      %reduce_max3A_210 = arith.constant -2147483648 : i32
      %reduce_max3A_211 = vector.broadcast %reduce_max3A_210 : i32 to vector<16xi32>
      %reduce_max3A_212 = arith.xori %all_reduce_population_count3A_207, %reduce_max3A_211 : vector<16xi32>
      %reduce_max3A_213 = tpu.scan <max>, %reduce_max3A_212 masked %reduce_max3A_209 : vector<16xi32>, vector<16xi1> -> vector<16xi32>
      %reduce_max3A_214 = arith.xori %reduce_max3A_213, %reduce_max3A_211 : vector<16xi32>
      %reduce_max3A_215 = vector.extract %reduce_max3A_214[15] : i32 from vector<16xi32>
      %add3A_216 = arith.addi %while3A_194, %reduce_max3A_215 : i32
      %min3A_217 = arith.constant 1664 : i32
      %min3A_218 = arith.minsi %add3A_216, %min3A_217 : i32
      scf.yield %min3A_218 : i32
    }
    %broadcast_in_dim3A_112 = vector.broadcast %while3A_111 : i32 to vector<16xi32>
    %swap3A = arith.constant 0 : index
    %swap3A_113 = tpu.vector_load %arg16[%swap3A] {strides = array<i32>} : memref<16xi32, #tpu.memory_space<vmem>>, vector<16xi32>,
    tpu.vector_store %arg16[%swap3A], %broadcast_in_dim3A_112 {strides = array<i32>} : memref<16xi32, #tpu.memory_space<vmem>>, vector<16xi32>,
    %mul3A_114 = arith.constant 16 : i32
    %mul3A_115 = arith.muli %arg1, %mul3A_114 : i32
    "tpu.region"() ({
      %run_scoped3A_193 = tpu.sem_alloc : memref<!tpu.dma_semaphore, #tpu.memory_space<semaphore_mem>>
      %dma_start3A = tpu.memref_slice %arg26[%mul3A_115] : memref<256xi32, #tpu.memory_space<vmem_shared>> -> memref<16xi32, #tpu.memory_space<vmem_shared>>
      %dma_start3A_194 = tpu.memref_slice %arg26[%mul3A_115] : memref<256xi32, #tpu.memory_space<vmem_shared>> -> memref<16xi32, #tpu.memory_space<vmem_shared>>
      tpu.enqueue_dma source(%arg16 : memref<16xi32, #tpu.memory_space<vmem>>) target(%dma_start3A_194 : memref<16xi32, #tpu.memory_space<vmem_shared>>) target_semaphore(%run_scoped3A_193 : memref<!tpu.dma_semaphore, #tpu.memory_space<semaphore_mem>>)
      %dma_wait3A = tpu.memref_slice %arg26[%mul3A_115] : memref<256xi32, #tpu.memory_space<vmem_shared>> -> memref<16xi32, #tpu.memory_space<vmem_shared>>
      %dma_wait3A_195 = tpu.memref_slice %arg26[%mul3A_115] : memref<256xi32, #tpu.memory_space<vmem_shared>> -> memref<16xi32, #tpu.memory_space<vmem_shared>>
      tpu.wait_dma2 semaphore(%run_scoped3A_193 : memref<!tpu.dma_semaphore, #tpu.memory_space<semaphore_mem>>) src(%arg16 : memref<16xi32, #tpu.memory_space<vmem>>) dst(%dma_wait3A_195 : memref<16xi32, #tpu.memory_space<vmem_shared>>)
      tpu.yield
    }) : () -> ()
    %barrier3A_116 = arith.constant 0 : index
    tpu.barrier barrier_id(%barrier3A_116)
    "tpu.region"() ({
      %run_scoped3A_193 = tpu.sem_alloc : memref<!tpu.dma_semaphore, #tpu.memory_space<semaphore_mem>>
      tpu.enqueue_dma source(%arg26 : memref<256xi32, #tpu.memory_space<vmem_shared>>) target(%arg17 : memref<256xi32, #tpu.memory_space<vmem>>) target_semaphore(%run_scoped3A_193 : memref<!tpu.dma_semaphore, #tpu.memory_space<semaphore_mem>>)
      tpu.wait_dma2 semaphore(%run_scoped3A_193 : memref<!tpu.dma_semaphore, #tpu.memory_space<semaphore_mem>>) src(%arg26 : memref<256xi32, #tpu.memory_space<vmem_shared>>) dst(%arg17 : memref<256xi32, #tpu.memory_space<vmem>>)
      tpu.yield
    }) : () -> ()
    %scan3A_117 = arith.constant 0 : i32
    %scan3A_118 = arith.constant 0 : i32
    %scan3A_119 = arith.constant 16 : i32
    %scan3A_120 = arith.addi %scan3A_118, %scan3A_119 : i32
    %scan3A_121 = arith.constant 1 : i32
    %scan3A_122 = scf.for %scan3A_193 = %scan3A_118 to %scan3A_120 step %scan3A_121 iter_args(%scan3A_194 = %scan3A_117) -> (i32)  : i32 {
      %mul3A_195 = arith.constant 16 : i32
      %mul3A_196 = arith.muli %scan3A_193, %mul3A_195 : i32
      %get3A_197 = arith.index_cast %mul3A_196 : i32 to index
      %get3A_198 = tpu.vector_load %arg17[%get3A_197] {strides = array<i32>} : memref<256xi32, #tpu.memory_space<vmem>>, vector<16xi32>,
      %reduce_max3A_199 = arith.constant true
      %reduce_max3A_200 = vector.broadcast %reduce_max3A_199 : i1 to vector<16xi1>
      %reduce_max3A_201 = arith.constant -2147483648 : i32
      %reduce_max3A_202 = vector.broadcast %reduce_max3A_201 : i32 to vector<16xi32>
      %reduce_max3A_203 = arith.xori %get3A_198, %reduce_max3A_202 : vector<16xi32>
      %reduce_max3A_204 = tpu.scan <max>, %reduce_max3A_203 masked %reduce_max3A_200 : vector<16xi32>, vector<16xi1> -> vector<16xi32>
      %reduce_max3A_205 = arith.xori %reduce_max3A_204, %reduce_max3A_202 : vector<16xi32>
      %reduce_max3A_206 = vector.extract %reduce_max3A_205[15] : i32 from vector<16xi32>
      %lt3A = arith.cmpi slt, %scan3A_193, %arg1 : i32
      %jit3A_207 = arith.constant 0 : i32
      %select_n3A_208 = arith.select %lt3A, %reduce_max3A_206, %jit3A_207 : i32
      %add3A_209 = arith.addi %scan3A_194, %select_n3A_208 : i32
      scf.yield %add3A_209 : i32
    }
    %scan3A_123 = arith.constant 16 : i32
    %sub3A_124 = arith.constant 20000 : i32
    %sub3A_125 = arith.subi %sub3A_124, %scan3A_122 : i32
    %max3A = arith.constant 0 : i32
    %max3A_126 = arith.maxsi %sub3A_125, %max3A : i32
    %min3A = arith.minsi %while3A_111, %max3A_126 : i32
    %scan3A_127 = arith.constant 0 : i32
    %scan3A_128 = arith.constant 0 : i32
    %scan3A_129 = arith.constant 104 : i32
    %scan3A_130 = arith.addi %scan3A_128, %scan3A_129 : i32
    %scan3A_131 = arith.constant 1 : i32
    %scan3A_132 = scf.for %scan3A_193 = %scan3A_128 to %scan3A_130 step %scan3A_131 iter_args(%scan3A_194 = %scan3A_127) -> (i32)  : i32 {
      %mul3A_195 = arith.constant 16 : i32
      %mul3A_196 = arith.muli %scan3A_193, %mul3A_195 : i32
      %swap3A_197 = arith.index_cast %mul3A_196 : i32 to index
      %swap3A_198 = tpu.vector_load %arg18[%swap3A_197] {strides = array<i32>} : memref<1664xf32, #tpu.memory_space<vmem>>, vector<16xf32>,
      tpu.vector_store %arg18[%swap3A_197], %broadcast_in_dim3A_5 {strides = array<i32>} : memref<1664xf32, #tpu.memory_space<vmem>>, vector<16xf32>,
      %scan3A_199 = arith.constant 0 : i32
      scf.yield %scan3A_199 : i32
    }
    %scan3A_133 = arith.constant 104 : i32
    %scan3A_134 = arith.constant 0 : i32
    %scan3A_135 = arith.constant 1 : i32
    %scan3A_136 = arith.constant 7 : i32
    %scan3A_137 = arith.addi %scan3A_135, %scan3A_136 : i32
    %scan3A_138 = arith.constant 1 : i32
    %scan3A_139 = scf.for %scan3A_193 = %scan3A_135 to %scan3A_137 step %scan3A_138 iter_args(%scan3A_194 = %scan3A_134) -> (i32)  : i32 {
      %mul3A_195 = arith.constant 8 : i32
      %mul3A_196 = arith.muli %arg1, %mul3A_195 : i32
      %add3A_197 = arith.addi %mul3A_196, %scan3A_193 : i32
      %mul3A_198 = arith.constant 16384 : i32
      %mul3A_199 = arith.muli %add3A_197, %mul3A_198 : i32
      %scan3A_200 = arith.constant 0 : i32
      %scan3A_201 = arith.constant 0 : i32
      %scan3A_202 = arith.constant 11 : i32
      %scan3A_203 = arith.addi %scan3A_201, %scan3A_202 : i32
      %scan3A_204 = arith.constant 1 : i32
      %scan3A_205:2 = scf.for %scan3A_218 = %scan3A_201 to %scan3A_203 step %scan3A_204 iter_args(%scan3A_219 = %scan3A_200, %scan3A_220 = %min3A) -> (i32, i32)  : i32 {
        %add3A_221 = arith.addi %scan3A_219, %scan3A_220 : i32
        %div3A_222 = arith.constant 2 : i32
        %div3A_223 = arith.divsi %add3A_221, %div3A_222 : i32
        %broadcast_in_dim3A_224 = vector.broadcast %div3A_223 : i32 to vector<16xi32>
        %gather3A = tpu.vector_load_idx %arg15[%broadcast_in_dim3A_224] : memref<1680xi32, #tpu.memory_space<vmem>>[vector<16xi32>], vector<16xi32>,
        %reduce_max3A_225 = arith.constant true
        %reduce_max3A_226 = vector.broadcast %reduce_max3A_225 : i1 to vector<16xi1>
        %reduce_max3A_227 = arith.constant -2147483648 : i32
        %reduce_max3A_228 = vector.broadcast %reduce_max3A_227 : i32 to vector<16xi32>
        %reduce_max3A_229 = arith.xori %gather3A, %reduce_max3A_228 : vector<16xi32>
        %reduce_max3A_230 = tpu.scan <max>, %reduce_max3A_229 masked %reduce_max3A_226 : vector<16xi32>, vector<16xi1> -> vector<16xi32>
        %reduce_max3A_231 = arith.xori %reduce_max3A_230, %reduce_max3A_228 : vector<16xi32>
        %reduce_max3A_232 = vector.extract %reduce_max3A_231[15] : i32 from vector<16xi32>
        %lt3A = arith.cmpi slt, %reduce_max3A_232, %mul3A_199 : i32
        %add3A_233 = arith.constant 1 : i32
        %add3A_234 = arith.addi %div3A_223, %add3A_233 : i32
        %select_n3A_235 = arith.select %lt3A, %add3A_234, %scan3A_219 : i32
        %select_n3A_236 = arith.select %lt3A, %scan3A_220, %div3A_223 : i32
        scf.yield %select_n3A_235, %select_n3A_236 : i32, i32
      }
      %scan3A_206 = arith.constant 11 : i32
      %add3A_207 = arith.constant 8 : i32
      %add3A_208 = arith.addi %scan3A_193, %add3A_207 : i32
      %eq3A_209 = vector.broadcast %add3A_208 : i32 to vector<16xi32>
      %eq3A_210 = arith.cmpi eq, %iota3A, %eq3A_209 : vector<16xi32>
      %get3A_211 = arith.constant 0 : index
      %get3A_212 = tpu.vector_load %arg23[%get3A_211] {strides = array<i32>} : memref<16xi32, #tpu.memory_space<vmem>>, vector<16xi32>,
      %broadcast_in_dim3A_213 = vector.broadcast %scan3A_205#0 : i32 to vector<16xi32>
      %select_n3A_214 = arith.select %eq3A_210, %broadcast_in_dim3A_213, %get3A_212 : vector<16xi1>, vector<16xi32>
      %swap3A_215 = arith.constant 0 : index
      %swap3A_216 = tpu.vector_load %arg23[%swap3A_215] {strides = array<i32>} : memref<16xi32, #tpu.memory_space<vmem>>, vector<16xi32>,
      tpu.vector_store %arg23[%swap3A_215], %select_n3A_214 {strides = array<i32>} : memref<16xi32, #tpu.memory_space<vmem>>, vector<16xi32>,
      %scan3A_217 = arith.constant 0 : i32
      scf.yield %scan3A_217 : i32
    }
    %scan3A_140 = arith.constant 7 : i32
    %eq3A = arith.constant 8 : i32
    %eq3A_141 = vector.broadcast %eq3A : i32 to vector<16xi32>
    %eq3A_142 = arith.cmpi eq, %iota3A, %eq3A_141 : vector<16xi32>
    %eq3A_143 = arith.constant 16 : i32
    %eq3A_144 = vector.broadcast %eq3A_143 : i32 to vector<16xi32>
    %eq3A_145 = arith.cmpi eq, %iota3A, %eq3A_144 : vector<16xi32>
    %get3A_146 = arith.constant 0 : index
    %get3A_147 = tpu.vector_load %arg23[%get3A_146] {strides = array<i32>} : memref<16xi32, #tpu.memory_space<vmem>>, vector<16xi32>,
    %jit3A = arith.constant 0 : i32
    %broadcast_in_dim3A_148 = vector.broadcast %jit3A : i32 to vector<16xi32>
    %select_n3A = arith.select %eq3A_145, %broadcast_in_dim3A_148, %get3A_147 : vector<16xi1>, vector<16xi32>
    %jit3A_149 = arith.constant 0 : i32
    %broadcast_in_dim3A_150 = vector.broadcast %jit3A_149 : i32 to vector<16xi32>
    %select_n3A_151 = arith.select %eq3A_142, %broadcast_in_dim3A_150, %select_n3A : vector<16xi1>, vector<16xi32>
    %swap3A_152 = arith.constant 0 : index
    %swap3A_153 = tpu.vector_load %arg23[%swap3A_152] {strides = array<i32>} : memref<16xi32, #tpu.memory_space<vmem>>, vector<16xi32>,
    tpu.vector_store %arg23[%swap3A_152], %select_n3A_151 {strides = array<i32>} : memref<16xi32, #tpu.memory_space<vmem>>, vector<16xi32>,
    %scan3A_154 = arith.constant 0 : i32
    %scan3A_155 = arith.constant 8 : i32
    %scan3A_156 = arith.addi %scan3A_154, %scan3A_155 : i32
    %scan3A_157 = arith.constant 1 : i32
    %scan3A_158 = scf.for %scan3A_193 = %scan3A_154 to %scan3A_156 step %scan3A_157 iter_args(%scan3A_194 = %broadcast_in_dim3A_5) -> (vector<16xf32>)  : i32 {
      %mul3A_195 = arith.constant 8 : i32
      %mul3A_196 = arith.muli %arg1, %mul3A_195 : i32
      %add3A_197 = arith.addi %mul3A_196, %scan3A_193 : i32
      %sub3A_198 = arith.constant 1 : i32
      %sub3A_199 = arith.subi %add3A_197, %sub3A_198 : i32
      %jit3A_200 = arith.constant 0 : i32
      %jit3A_201 = arith.constant 125 : i32
      %max3A_202 = arith.maxsi %jit3A_200, %sub3A_199 : i32
      %min3A_203 = arith.minsi %jit3A_201, %max3A_202 : i32
      %mul3A_204 = arith.constant 16384 : i32
      %mul3A_205 = arith.muli %min3A_203, %mul3A_204 : i32
      "tpu.region"() ({
        %run_scoped3A_260 = tpu.sem_alloc : memref<!tpu.dma_semaphore, #tpu.memory_space<semaphore_mem>>
        %dma_start3A = tpu.memref_slice %arg2[%arg0, %mul3A_205] : memref<2x2097152xf32, #tpu.memory_space<hbm>> -> memref<1x49152xf32, #tpu.memory_space<hbm>>
        %dma_start3A_261 = tpu.memref_squeeze %dma_start3A : memref<1x49152xf32, #tpu.memory_space<hbm>> -> memref<49152xf32, #tpu.memory_space<hbm>>
        %dma_start3A_262 = tpu.memref_slice %arg2[%arg0, %mul3A_205] : memref<2x2097152xf32, #tpu.memory_space<hbm>> -> memref<1x49152xf32, #tpu.memory_space<hbm>>
        %dma_start3A_263 = tpu.memref_squeeze %dma_start3A_262 : memref<1x49152xf32, #tpu.memory_space<hbm>> -> memref<49152xf32, #tpu.memory_space<hbm>>
        tpu.enqueue_dma source(%dma_start3A_263 : memref<49152xf32, #tpu.memory_space<hbm>>) target(%arg19 : memref<49152xf32, #tpu.memory_space<vmem>>) target_semaphore(%run_scoped3A_260 : memref<!tpu.dma_semaphore, #tpu.memory_space<semaphore_mem>>)
        %dma_wait3A = tpu.memref_slice %arg2[%arg0, %mul3A_205] : memref<2x2097152xf32, #tpu.memory_space<hbm>> -> memref<1x49152xf32, #tpu.memory_space<hbm>>
        %dma_wait3A_264 = tpu.memref_squeeze %dma_wait3A : memref<1x49152xf32, #tpu.memory_space<hbm>> -> memref<49152xf32, #tpu.memory_space<hbm>>
        %dma_wait3A_265 = tpu.memref_slice %arg2[%arg0, %mul3A_205] : memref<2x2097152xf32, #tpu.memory_space<hbm>> -> memref<1x49152xf32, #tpu.memory_space<hbm>>
        %dma_wait3A_266 = tpu.memref_squeeze %dma_wait3A_265 : memref<1x49152xf32, #tpu.memory_space<hbm>> -> memref<49152xf32, #tpu.memory_space<hbm>>
        tpu.wait_dma2 semaphore(%run_scoped3A_260 : memref<!tpu.dma_semaphore, #tpu.memory_space<semaphore_mem>>) src(%dma_wait3A_266 : memref<49152xf32, #tpu.memory_space<hbm>>) dst(%arg19 : memref<49152xf32, #tpu.memory_space<vmem>>)
        tpu.yield
      }) : () -> ()
      %mul3A_206 = arith.constant 16384 : i32
      %mul3A_207 = arith.muli %add3A_197, %mul3A_206 : i32
      "tpu.region"() ({
        %run_scoped3A_260 = tpu.sem_alloc : memref<!tpu.dma_semaphore, #tpu.memory_space<semaphore_mem>>
        %dma_start3A = tpu.memref_slice %arg4[%arg0, %mul3A_207] : memref<2x2097152xf32, #tpu.memory_space<hbm>> -> memref<1x16384xf32, #tpu.memory_space<hbm>>
        %dma_start3A_261 = tpu.memref_squeeze %dma_start3A : memref<1x16384xf32, #tpu.memory_space<hbm>> -> memref<16384xf32, #tpu.memory_space<hbm>>
        %dma_start3A_262 = tpu.memref_slice %arg4[%arg0, %mul3A_207] : memref<2x2097152xf32, #tpu.memory_space<hbm>> -> memref<1x16384xf32, #tpu.memory_space<hbm>>
        %dma_start3A_263 = tpu.memref_squeeze %dma_start3A_262 : memref<1x16384xf32, #tpu.memory_space<hbm>> -> memref<16384xf32, #tpu.memory_space<hbm>>
        tpu.enqueue_dma source(%dma_start3A_263 : memref<16384xf32, #tpu.memory_space<hbm>>) target(%arg20 : memref<16384xf32, #tpu.memory_space<vmem>>) target_semaphore(%run_scoped3A_260 : memref<!tpu.dma_semaphore, #tpu.memory_space<semaphore_mem>>)
        %dma_wait3A = tpu.memref_slice %arg4[%arg0, %mul3A_207] : memref<2x2097152xf32, #tpu.memory_space<hbm>> -> memref<1x16384xf32, #tpu.memory_space<hbm>>
        %dma_wait3A_264 = tpu.memref_squeeze %dma_wait3A : memref<1x16384xf32, #tpu.memory_space<hbm>> -> memref<16384xf32, #tpu.memory_space<hbm>>
        %dma_wait3A_265 = tpu.memref_slice %arg4[%arg0, %mul3A_207] : memref<2x2097152xf32, #tpu.memory_space<hbm>> -> memref<1x16384xf32, #tpu.memory_space<hbm>>
        %dma_wait3A_266 = tpu.memref_squeeze %dma_wait3A_265 : memref<1x16384xf32, #tpu.memory_space<hbm>> -> memref<16384xf32, #tpu.memory_space<hbm>>
        tpu.wait_dma2 semaphore(%run_scoped3A_260 : memref<!tpu.dma_semaphore, #tpu.memory_space<semaphore_mem>>) src(%dma_wait3A_266 : memref<16384xf32, #tpu.memory_space<hbm>>) dst(%arg20 : memref<16384xf32, #tpu.memory_space<vmem>>)
        tpu.yield
      }) : () -> ()
      %mul3A_208 = arith.constant 16384 : i32
      %mul3A_209 = arith.muli %add3A_197, %mul3A_208 : i32
      "tpu.region"() ({
        %run_scoped3A_260 = tpu.sem_alloc : memref<!tpu.dma_semaphore, #tpu.memory_space<semaphore_mem>>
        %dma_start3A = tpu.memref_slice %arg5[%arg0, %mul3A_209] : memref<2x2097152xf32, #tpu.memory_space<hbm>> -> memref<1x16384xf32, #tpu.memory_space<hbm>>
        %dma_start3A_261 = tpu.memref_squeeze %dma_start3A : memref<1x16384xf32, #tpu.memory_space<hbm>> -> memref<16384xf32, #tpu.memory_space<hbm>>
        %dma_start3A_262 = tpu.memref_slice %arg5[%arg0, %mul3A_209] : memref<2x2097152xf32, #tpu.memory_space<hbm>> -> memref<1x16384xf32, #tpu.memory_space<hbm>>
        %dma_start3A_263 = tpu.memref_squeeze %dma_start3A_262 : memref<1x16384xf32, #tpu.memory_space<hbm>> -> memref<16384xf32, #tpu.memory_space<hbm>>
        tpu.enqueue_dma source(%dma_start3A_263 : memref<16384xf32, #tpu.memory_space<hbm>>) target(%arg21 : memref<16384xf32, #tpu.memory_space<vmem>>) target_semaphore(%run_scoped3A_260 : memref<!tpu.dma_semaphore, #tpu.memory_space<semaphore_mem>>)
        %dma_wait3A = tpu.memref_slice %arg5[%arg0, %mul3A_209] : memref<2x2097152xf32, #tpu.memory_space<hbm>> -> memref<1x16384xf32, #tpu.memory_space<hbm>>
        %dma_wait3A_264 = tpu.memref_squeeze %dma_wait3A : memref<1x16384xf32, #tpu.memory_space<hbm>> -> memref<16384xf32, #tpu.memory_space<hbm>>
        %dma_wait3A_265 = tpu.memref_slice %arg5[%arg0, %mul3A_209] : memref<2x2097152xf32, #tpu.memory_space<hbm>> -> memref<1x16384xf32, #tpu.memory_space<hbm>>
        %dma_wait3A_266 = tpu.memref_squeeze %dma_wait3A_265 : memref<1x16384xf32, #tpu.memory_space<hbm>> -> memref<16384xf32, #tpu.memory_space<hbm>>
        tpu.wait_dma2 semaphore(%run_scoped3A_260 : memref<!tpu.dma_semaphore, #tpu.memory_space<semaphore_mem>>) src(%dma_wait3A_266 : memref<16384xf32, #tpu.memory_space<hbm>>) dst(%arg21 : memref<16384xf32, #tpu.memory_space<vmem>>)
        tpu.yield
      }) : () -> ()
      %mul3A_210 = arith.constant 16384 : i32
      %mul3A_211 = arith.muli %min3A_203, %mul3A_210 : i32
      %add3A_212 = arith.constant 8 : i32
      %add3A_213 = arith.addi %scan3A_193, %add3A_212 : i32
      %broadcast_in_dim3A_214 = vector.broadcast %add3A_213 : i32 to vector<16xi32>
      %gather3A = tpu.vector_load_idx %arg23[%broadcast_in_dim3A_214] : memref<16xi32, #tpu.memory_space<vmem>>[vector<16xi32>], vector<16xi32>,
      %reduce_max3A_215 = arith.constant true
      %reduce_max3A_216 = vector.broadcast %reduce_max3A_215 : i1 to vector<16xi1>
      %reduce_max3A_217 = arith.constant -2147483648 : i32
      %reduce_max3A_218 = vector.broadcast %reduce_max3A_217 : i32 to vector<16xi32>
      %reduce_max3A_219 = arith.xori %gather3A, %reduce_max3A_218 : vector<16xi32>
      %reduce_max3A_220 = tpu.scan <max>, %reduce_max3A_219 masked %reduce_max3A_216 : vector<16xi32>, vector<16xi1> -> vector<16xi32>
      %reduce_max3A_221 = arith.xori %reduce_max3A_220, %reduce_max3A_218 : vector<16xi32>
      %reduce_max3A_222 = vector.extract %reduce_max3A_221[15] : i32 from vector<16xi32>
      %div3A_223 = arith.constant 16 : i32
      %div3A_224 = arith.divsi %reduce_max3A_222, %div3A_223 : i32
      %eq3A_225 = arith.constant 7 : i32
      %eq3A_226 = arith.cmpi eq, %scan3A_193, %eq3A_225 : i32
      %add3A_227 = arith.constant 15 : i32
      %add3A_228 = arith.addi %min3A, %add3A_227 : i32
      %div3A_229 = arith.constant 16 : i32
      %div3A_230 = arith.divsi %add3A_228, %div3A_229 : i32
      %add3A_231 = arith.constant 1 : i32
      %add3A_232 = arith.addi %scan3A_193, %add3A_231 : i32
      %add3A_233 = arith.constant 8 : i32
      %add3A_234 = arith.addi %add3A_232, %add3A_233 : i32
      %broadcast_in_dim3A_235 = vector.broadcast %add3A_234 : i32 to vector<16xi32>
      %gather3A_236 = tpu.vector_load_idx %arg23[%broadcast_in_dim3A_235] : memref<16xi32, #tpu.memory_space<vmem>>[vector<16xi32>], vector<16xi32>,
      %reduce_max3A_237 = arith.constant true
      %reduce_max3A_238 = vector.broadcast %reduce_max3A_237 : i1 to vector<16xi1>
      %reduce_max3A_239 = arith.constant -2147483648 : i32
      %reduce_max3A_240 = vector.broadcast %reduce_max3A_239 : i32 to vector<16xi32>
      %reduce_max3A_241 = arith.xori %gather3A_236, %reduce_max3A_240 : vector<16xi32>
      %reduce_max3A_242 = tpu.scan <max>, %reduce_max3A_241 masked %reduce_max3A_238 : vector<16xi32>, vector<16xi1> -> vector<16xi32>
      %reduce_max3A_243 = arith.xori %reduce_max3A_242, %reduce_max3A_240 : vector<16xi32>
      %reduce_max3A_244 = vector.extract %reduce_max3A_243[15] : i32 from vector<16xi32>
      %add3A_245 = arith.constant 15 : i32
      %add3A_246 = arith.addi %reduce_max3A_244, %add3A_245 : i32
      %div3A_247 = arith.constant 16 : i32
      %div3A_248 = arith.divsi %add3A_246, %div3A_247 : i32
      %select_n3A_249 = arith.select %eq3A_226, %div3A_230, %div3A_248 : i32
      %while3A_250 = arith.subi %select_n3A_249, %div3A_224 : i32
      %while3A_251 = arith.addi %div3A_224, %while3A_250 : i32
      %while3A_252 = arith.constant 1 : i32
      %while3A_253 = arith.divsi %while3A_250, %while3A_252 : i32
      %while3A_254 = arith.muli %while3A_253, %while3A_252 : i32
      %while3A_255 = arith.addi %div3A_224, %while3A_254 : i32
      %while3A_256 = arith.constant 1 : i32
      %while3A_257 = scf.for %while3A_260 = %div3A_224 to %while3A_255 step %while3A_256 iter_args(%while3A_261 = %scan3A_194) -> (vector<16xf32>)  : i32 {
        %mul3A_262 = arith.constant 16 : i32
        %mul3A_263 = arith.muli %while3A_260, %mul3A_262 : i32
        %mul3A_264 = arith.constant 16 : i32
        %mul3A_265 = arith.muli %while3A_260, %mul3A_264 : i32
        %add3A_266 = vector.broadcast %mul3A_265 : i32 to vector<16xi32>
        %add3A_267 = arith.addi %iota3A, %add3A_266 : vector<16xi32>
        %get3A_268 = arith.index_cast %mul3A_263 : i32 to index
        %get3A_269 = tpu.vector_load %arg15[%get3A_268] {strides = array<i32>} : memref<1680xi32, #tpu.memory_space<vmem>>, vector<16xi32>,
        %shift_right_logical3A = arith.constant 14 : i32
        %shift_right_logical3A_270 = vector.broadcast %shift_right_logical3A : i32 to vector<16xi32>
        %shift_right_logical3A_271 = arith.shrui %get3A_269, %shift_right_logical3A_270 : vector<16xi32>
        %lt3A = vector.broadcast %min3A : i32 to vector<16xi32>
        %lt3A_272 = arith.cmpi slt, %add3A_267, %lt3A : vector<16xi32>
        %eq3A_273 = vector.broadcast %add3A_197 : i32 to vector<16xi32>
        %eq3A_274 = arith.cmpi eq, %shift_right_logical3A_271, %eq3A_273 : vector<16xi32>
        %and3A = arith.andi %lt3A_272, %eq3A_274 : vector<16xi1>
        %and3A_275 = arith.constant 127 : i32
        %and3A_276 = vector.broadcast %and3A_275 : i32 to vector<16xi32>
        %and3A_277 = arith.andi %get3A_269, %and3A_276 : vector<16xi32>
        %shift_right_logical3A_278 = arith.constant 7 : i32
        %shift_right_logical3A_279 = vector.broadcast %shift_right_logical3A_278 : i32 to vector<16xi32>
        %shift_right_logical3A_280 = arith.shrui %get3A_269, %shift_right_logical3A_279 : vector<16xi32>
        %and3A_281 = arith.constant 127 : i32
        %and3A_282 = vector.broadcast %and3A_281 : i32 to vector<16xi32>
        %and3A_283 = arith.andi %shift_right_logical3A_280, %and3A_282 : vector<16xi32>
        %sub3A_284 = vector.broadcast %mul3A_211 : i32 to vector<16xi32>
        %sub3A_285 = arith.subi %get3A_269, %sub3A_284 : vector<16xi32>
        %jit3A_286 = arith.constant 0 : i32
        %jit3A_287 = arith.constant 49151 : i32
        %max3A_288 = vector.broadcast %jit3A_286 : i32 to vector<16xi32>
        %max3A_289 = arith.maxsi %max3A_288, %sub3A_285 : vector<16xi32>
        %min3A_290 = vector.broadcast %jit3A_287 : i32 to vector<16xi32>
        %min3A_291 = arith.minsi %min3A_290, %max3A_289 : vector<16xi32>
        %add3A_292 = arith.constant 0 : i32
        %add3A_293 = vector.broadcast %add3A_292 : i32 to vector<16xi32>
        %add3A_294 = arith.addi %min3A_291, %add3A_293 : vector<16xi32>
        %jit3A_295 = arith.constant 0 : i32
        %jit3A_296 = arith.constant 49151 : i32
        %max3A_297 = vector.broadcast %jit3A_295 : i32 to vector<16xi32>
        %max3A_298 = arith.maxsi %max3A_297, %add3A_294 : vector<16xi32>
        %min3A_299 = vector.broadcast %jit3A_296 : i32 to vector<16xi32>
        %min3A_300 = arith.minsi %min3A_299, %max3A_298 : vector<16xi32>
        %gather3A_301 = tpu.vector_load_idx %arg19[%min3A_300] : memref<49152xf32, #tpu.memory_space<vmem>>[vector<16xi32>], vector<16xf32>,
        %mul3A_302 = arith.constant -6.000000e+00 : f32
        %mul3A_303 = vector.broadcast %mul3A_302 : f32 to vector<16xf32>
        %mul3A_304 = arith.mulf %mul3A_303, %gather3A_301 : vector<16xf32>
        %gt3A = arith.constant 0 : i32
        %gt3A_305 = vector.broadcast %gt3A : i32 to vector<16xi32>
        %gt3A_306 = arith.cmpi sgt, %and3A_277, %gt3A_305 : vector<16xi32>
        %add3A_307 = arith.constant -1 : i32
        %add3A_308 = vector.broadcast %add3A_307 : i32 to vector<16xi32>
        %add3A_309 = arith.addi %min3A_291, %add3A_308 : vector<16xi32>
        %jit3A_310 = arith.constant 0 : i32
        %jit3A_311 = arith.constant 49151 : i32
        %max3A_312 = vector.broadcast %jit3A_310 : i32 to vector<16xi32>
        %max3A_313 = arith.maxsi %max3A_312, %add3A_309 : vector<16xi32>
        %min3A_314 = vector.broadcast %jit3A_311 : i32 to vector<16xi32>
        %min3A_315 = arith.minsi %min3A_314, %max3A_313 : vector<16xi32>
        %gather3A_316 = tpu.vector_load_idx %arg19[%min3A_315] : memref<49152xf32, #tpu.memory_space<vmem>>[vector<16xi32>], vector<16xf32>,
        %jit3A_317 = arith.constant 0.000000e+00 : f32
        %broadcast_in_dim3A_318 = vector.broadcast %jit3A_317 : f32 to vector<16xf32>
        %select_n3A_319 = arith.select %gt3A_306, %gather3A_316, %broadcast_in_dim3A_318 : vector<16xi1>, vector<16xf32>
        %add3A_320 = arith.addf %mul3A_304, %select_n3A_319 : vector<16xf32>
        %lt3A_321 = arith.constant 127 : i32
        %lt3A_322 = vector.broadcast %lt3A_321 : i32 to vector<16xi32>
        %lt3A_323 = arith.cmpi slt, %and3A_277, %lt3A_322 : vector<16xi32>
        %add3A_324 = arith.constant 1 : i32
        %add3A_325 = vector.broadcast %add3A_324 : i32 to vector<16xi32>
        %add3A_326 = arith.addi %min3A_291, %add3A_325 : vector<16xi32>
        %jit3A_327 = arith.constant 0 : i32
        %jit3A_328 = arith.constant 49151 : i32
        %max3A_329 = vector.broadcast %jit3A_327 : i32 to vector<16xi32>
        %max3A_330 = arith.maxsi %max3A_329, %add3A_326 : vector<16xi32>
        %min3A_331 = vector.broadcast %jit3A_328 : i32 to vector<16xi32>
        %min3A_332 = arith.minsi %min3A_331, %max3A_330 : vector<16xi32>
        %gather3A_333 = tpu.vector_load_idx %arg19[%min3A_332] : memref<49152xf32, #tpu.memory_space<vmem>>[vector<16xi32>], vector<16xf32>,
        %jit3A_334 = arith.constant 0.000000e+00 : f32
        %broadcast_in_dim3A_335 = vector.broadcast %jit3A_334 : f32 to vector<16xf32>
        %select_n3A_336 = arith.select %lt3A_323, %gather3A_333, %broadcast_in_dim3A_335 : vector<16xi1>, vector<16xf32>
        %add3A_337 = arith.addf %add3A_320, %select_n3A_336 : vector<16xf32>
        %gt3A_338 = arith.constant 0 : i32
        %gt3A_339 = vector.broadcast %gt3A_338 : i32 to vector<16xi32>
        %gt3A_340 = arith.cmpi sgt, %and3A_283, %gt3A_339 : vector<16xi32>
        %add3A_341 = arith.constant -128 : i32
        %add3A_342 = vector.broadcast %add3A_341 : i32 to vector<16xi32>
        %add3A_343 = arith.addi %min3A_291, %add3A_342 : vector<16xi32>
        %jit3A_344 = arith.constant 0 : i32
        %jit3A_345 = arith.constant 49151 : i32
        %max3A_346 = vector.broadcast %jit3A_344 : i32 to vector<16xi32>
        %max3A_347 = arith.maxsi %max3A_346, %add3A_343 : vector<16xi32>
        %min3A_348 = vector.broadcast %jit3A_345 : i32 to vector<16xi32>
        %min3A_349 = arith.minsi %min3A_348, %max3A_347 : vector<16xi32>
        %gather3A_350 = tpu.vector_load_idx %arg19[%min3A_349] : memref<49152xf32, #tpu.memory_space<vmem>>[vector<16xi32>], vector<16xf32>,
        %jit3A_351 = arith.constant 0.000000e+00 : f32
        %broadcast_in_dim3A_352 = vector.broadcast %jit3A_351 : f32 to vector<16xf32>
        %select_n3A_353 = arith.select %gt3A_340, %gather3A_350, %broadcast_in_dim3A_352 : vector<16xi1>, vector<16xf32>
        %add3A_354 = arith.addf %add3A_337, %select_n3A_353 : vector<16xf32>
        %lt3A_355 = arith.constant 127 : i32
        %lt3A_356 = vector.broadcast %lt3A_355 : i32 to vector<16xi32>
        %lt3A_357 = arith.cmpi slt, %and3A_283, %lt3A_356 : vector<16xi32>
        %add3A_358 = arith.constant 128 : i32
        %add3A_359 = vector.broadcast %add3A_358 : i32 to vector<16xi32>
        %add3A_360 = arith.addi %min3A_291, %add3A_359 : vector<16xi32>
        %jit3A_361 = arith.constant 0 : i32
        %jit3A_362 = arith.constant 49151 : i32
        %max3A_363 = vector.broadcast %jit3A_361 : i32 to vector<16xi32>
        %max3A_364 = arith.maxsi %max3A_363, %add3A_360 : vector<16xi32>
        %min3A_365 = vector.broadcast %jit3A_362 : i32 to vector<16xi32>
        %min3A_366 = arith.minsi %min3A_365, %max3A_364 : vector<16xi32>
        %gather3A_367 = tpu.vector_load_idx %arg19[%min3A_366] : memref<49152xf32, #tpu.memory_space<vmem>>[vector<16xi32>], vector<16xf32>,
        %jit3A_368 = arith.constant 0.000000e+00 : f32
        %broadcast_in_dim3A_369 = vector.broadcast %jit3A_368 : f32 to vector<16xf32>
        %select_n3A_370 = arith.select %lt3A_357, %gather3A_367, %broadcast_in_dim3A_369 : vector<16xi1>, vector<16xf32>
        %add3A_371 = arith.addf %add3A_354, %select_n3A_370 : vector<16xf32>
        %gt3A_372 = arith.constant 0 : i32
        %gt3A_373 = vector.broadcast %gt3A_372 : i32 to vector<16xi32>
        %gt3A_374 = arith.cmpi sgt, %shift_right_logical3A_271, %gt3A_373 : vector<16xi32>
        %add3A_375 = arith.constant -16384 : i32
        %add3A_376 = vector.broadcast %add3A_375 : i32 to vector<16xi32>
        %add3A_377 = arith.addi %min3A_291, %add3A_376 : vector<16xi32>
        %jit3A_378 = arith.constant 0 : i32
        %jit3A_379 = arith.constant 49151 : i32
        %max3A_380 = vector.broadcast %jit3A_378 : i32 to vector<16xi32>
        %max3A_381 = arith.maxsi %max3A_380, %add3A_377 : vector<16xi32>
        %min3A_382 = vector.broadcast %jit3A_379 : i32 to vector<16xi32>
        %min3A_383 = arith.minsi %min3A_382, %max3A_381 : vector<16xi32>
        %gather3A_384 = tpu.vector_load_idx %arg19[%min3A_383] : memref<49152xf32, #tpu.memory_space<vmem>>[vector<16xi32>], vector<16xf32>,
        %jit3A_385 = arith.constant 0.000000e+00 : f32
        %broadcast_in_dim3A_386 = vector.broadcast %jit3A_385 : f32 to vector<16xf32>
        %select_n3A_387 = arith.select %gt3A_374, %gather3A_384, %broadcast_in_dim3A_386 : vector<16xi1>, vector<16xf32>
        %add3A_388 = arith.addf %add3A_371, %select_n3A_387 : vector<16xf32>
        %lt3A_389 = arith.constant 127 : i32
        %lt3A_390 = vector.broadcast %lt3A_389 : i32 to vector<16xi32>
        %lt3A_391 = arith.cmpi slt, %shift_right_logical3A_271, %lt3A_390 : vector<16xi32>
        %add3A_392 = arith.constant 16384 : i32
        %add3A_393 = vector.broadcast %add3A_392 : i32 to vector<16xi32>
        %add3A_394 = arith.addi %min3A_291, %add3A_393 : vector<16xi32>
        %jit3A_395 = arith.constant 0 : i32
        %jit3A_396 = arith.constant 49151 : i32
        %max3A_397 = vector.broadcast %jit3A_395 : i32 to vector<16xi32>
        %max3A_398 = arith.maxsi %max3A_397, %add3A_394 : vector<16xi32>
        %min3A_399 = vector.broadcast %jit3A_396 : i32 to vector<16xi32>
        %min3A_400 = arith.minsi %min3A_399, %max3A_398 : vector<16xi32>
        %gather3A_401 = tpu.vector_load_idx %arg19[%min3A_400] : memref<49152xf32, #tpu.memory_space<vmem>>[vector<16xi32>], vector<16xf32>,
        %jit3A_402 = arith.constant 0.000000e+00 : f32
        %broadcast_in_dim3A_403 = vector.broadcast %jit3A_402 : f32 to vector<16xf32>
        %select_n3A_404 = arith.select %lt3A_391, %gather3A_401, %broadcast_in_dim3A_403 : vector<16xi1>, vector<16xf32>
        %add3A_405 = arith.addf %add3A_388, %select_n3A_404 : vector<16xf32>
        %mul3A_406 = arith.constant 16384 : i32
        %mul3A_407 = arith.muli %add3A_197, %mul3A_406 : i32
        %sub3A_408 = vector.broadcast %mul3A_407 : i32 to vector<16xi32>
        %sub3A_409 = arith.subi %get3A_269, %sub3A_408 : vector<16xi32>
        %jit3A_410 = arith.constant 0 : i32
        %jit3A_411 = arith.constant 16383 : i32
        %max3A_412 = vector.broadcast %jit3A_410 : i32 to vector<16xi32>
        %max3A_413 = arith.maxsi %max3A_412, %sub3A_409 : vector<16xi32>
        %min3A_414 = vector.broadcast %jit3A_411 : i32 to vector<16xi32>
        %min3A_415 = arith.minsi %min3A_414, %max3A_413 : vector<16xi32>
        %gather3A_416 = tpu.vector_load_idx %arg20[%min3A_415] : memref<16384xf32, #tpu.memory_space<vmem>>[vector<16xi32>], vector<16xf32>,
        %gather3A_417 = tpu.vector_load_idx %arg21[%min3A_415] : memref<16384xf32, #tpu.memory_space<vmem>>[vector<16xi32>], vector<16xf32>,
        %mul3A_418 = arith.mulf %gather3A_301, %get3A_6 : vector<16xf32>
        %neg3A = arith.constant 0.000000e+00 : f32
        %neg3A_419 = vector.broadcast %neg3A : f32 to vector<16xf32>
        %neg3A_420 = arith.subf %neg3A_419, %gather3A_416 : vector<16xf32>
        %mul3A_421 = arith.mulf %neg3A_420, %add3A_405 : vector<16xf32>
        %mul3A_422 = arith.mulf %mul3A_421, %get3A_6 : vector<16xf32>
        %mul3A_423 = arith.mulf %gather3A_417, %mul3A_418 : vector<16xf32>
        %sub3A_424 = arith.constant 1.000000e+00 : f32
        %sub3A_425 = vector.broadcast %sub3A_424 : f32 to vector<16xf32>
        %sub3A_426 = arith.subf %sub3A_425, %mul3A_418 : vector<16xf32>
        %mul3A_427 = arith.mulf %mul3A_423, %sub3A_426 : vector<16xf32>
        %sub3A_428 = arith.subf %mul3A_422, %mul3A_427 : vector<16xf32>
        %get3A_429 = arith.index_cast %mul3A_263 : i32 to index
        %get3A_430 = tpu.vector_load %arg18[%get3A_429] {strides = array<i32>} : memref<1664xf32, #tpu.memory_space<vmem>>, vector<16xf32>,
        %select_n3A_431 = arith.select %and3A, %sub3A_428, %get3A_430 : vector<16xi1>, vector<16xf32>
        %swap3A_432 = arith.index_cast %mul3A_263 : i32 to index
        %swap3A_433 = tpu.vector_load %arg18[%swap3A_432] {strides = array<i32>} : memref<1664xf32, #tpu.memory_space<vmem>>, vector<16xf32>,
        tpu.vector_store %arg18[%swap3A_432], %select_n3A_431 {strides = array<i32>} : memref<1664xf32, #tpu.memory_space<vmem>>, vector<16xf32>,
        %jit3A_434 = arith.constant 0.000000e+00 : f32
        %broadcast_in_dim3A_435 = vector.broadcast %jit3A_434 : f32 to vector<16xf32>
        %select_n3A_436 = arith.select %and3A, %gather3A_301, %broadcast_in_dim3A_435 : vector<16xi1>, vector<16xf32>
        %add3A_437 = arith.addf %while3A_261, %select_n3A_436 : vector<16xf32>
        scf.yield %add3A_437 : vector<16xf32>
      }
      %while3A_258 = arith.constant 1 : i32
      %while3A_259 = scf.for %while3A_260 = %while3A_255 to %while3A_251 step %while3A_258 iter_args(%while3A_261 = %while3A_257) -> (vector<16xf32>)  : i32 {
        %mul3A_262 = arith.constant 16 : i32
        %mul3A_263 = arith.muli %while3A_260, %mul3A_262 : i32
        %mul3A_264 = arith.constant 16 : i32
        %mul3A_265 = arith.muli %while3A_260, %mul3A_264 : i32
        %add3A_266 = vector.broadcast %mul3A_265 : i32 to vector<16xi32>
        %add3A_267 = arith.addi %iota3A, %add3A_266 : vector<16xi32>
        %get3A_268 = arith.index_cast %mul3A_263 : i32 to index
        %get3A_269 = tpu.vector_load %arg15[%get3A_268] {strides = array<i32>} : memref<1680xi32, #tpu.memory_space<vmem>>, vector<16xi32>,
        %shift_right_logical3A = arith.constant 14 : i32
        %shift_right_logical3A_270 = vector.broadcast %shift_right_logical3A : i32 to vector<16xi32>
        %shift_right_logical3A_271 = arith.shrui %get3A_269, %shift_right_logical3A_270 : vector<16xi32>
        %lt3A = vector.broadcast %min3A : i32 to vector<16xi32>
        %lt3A_272 = arith.cmpi slt, %add3A_267, %lt3A : vector<16xi32>
        %eq3A_273 = vector.broadcast %add3A_197 : i32 to vector<16xi32>
        %eq3A_274 = arith.cmpi eq, %shift_right_logical3A_271, %eq3A_273 : vector<16xi32>
        %and3A = arith.andi %lt3A_272, %eq3A_274 : vector<16xi1>
        %and3A_275 = arith.constant 127 : i32
        %and3A_276 = vector.broadcast %and3A_275 : i32 to vector<16xi32>
        %and3A_277 = arith.andi %get3A_269, %and3A_276 : vector<16xi32>
        %shift_right_logical3A_278 = arith.constant 7 : i32
        %shift_right_logical3A_279 = vector.broadcast %shift_right_logical3A_278 : i32 to vector<16xi32>
        %shift_right_logical3A_280 = arith.shrui %get3A_269, %shift_right_logical3A_279 : vector<16xi32>
        %and3A_281 = arith.constant 127 : i32
        %and3A_282 = vector.broadcast %and3A_281 : i32 to vector<16xi32>
        %and3A_283 = arith.andi %shift_right_logical3A_280, %and3A_282 : vector<16xi32>
        %sub3A_284 = vector.broadcast %mul3A_211 : i32 to vector<16xi32>
        %sub3A_285 = arith.subi %get3A_269, %sub3A_284 : vector<16xi32>
        %jit3A_286 = arith.constant 0 : i32
        %jit3A_287 = arith.constant 49151 : i32
        %max3A_288 = vector.broadcast %jit3A_286 : i32 to vector<16xi32>
        %max3A_289 = arith.maxsi %max3A_288, %sub3A_285 : vector<16xi32>
        %min3A_290 = vector.broadcast %jit3A_287 : i32 to vector<16xi32>
        %min3A_291 = arith.minsi %min3A_290, %max3A_289 : vector<16xi32>
        %add3A_292 = arith.constant 0 : i32
        %add3A_293 = vector.broadcast %add3A_292 : i32 to vector<16xi32>
        %add3A_294 = arith.addi %min3A_291, %add3A_293 : vector<16xi32>
        %jit3A_295 = arith.constant 0 : i32
        %jit3A_296 = arith.constant 49151 : i32
        %max3A_297 = vector.broadcast %jit3A_295 : i32 to vector<16xi32>
        %max3A_298 = arith.maxsi %max3A_297, %add3A_294 : vector<16xi32>
        %min3A_299 = vector.broadcast %jit3A_296 : i32 to vector<16xi32>
        %min3A_300 = arith.minsi %min3A_299, %max3A_298 : vector<16xi32>
        %gather3A_301 = tpu.vector_load_idx %arg19[%min3A_300] : memref<49152xf32, #tpu.memory_space<vmem>>[vector<16xi32>], vector<16xf32>,
        %mul3A_302 = arith.constant -6.000000e+00 : f32
        %mul3A_303 = vector.broadcast %mul3A_302 : f32 to vector<16xf32>
        %mul3A_304 = arith.mulf %mul3A_303, %gather3A_301 : vector<16xf32>
        %gt3A = arith.constant 0 : i32
        %gt3A_305 = vector.broadcast %gt3A : i32 to vector<16xi32>
        %gt3A_306 = arith.cmpi sgt, %and3A_277, %gt3A_305 : vector<16xi32>
        %add3A_307 = arith.constant -1 : i32
        %add3A_308 = vector.broadcast %add3A_307 : i32 to vector<16xi32>
        %add3A_309 = arith.addi %min3A_291, %add3A_308 : vector<16xi32>
        %jit3A_310 = arith.constant 0 : i32
        %jit3A_311 = arith.constant 49151 : i32
        %max3A_312 = vector.broadcast %jit3A_310 : i32 to vector<16xi32>
        %max3A_313 = arith.maxsi %max3A_312, %add3A_309 : vector<16xi32>
        %min3A_314 = vector.broadcast %jit3A_311 : i32 to vector<16xi32>
        %min3A_315 = arith.minsi %min3A_314, %max3A_313 : vector<16xi32>
        %gather3A_316 = tpu.vector_load_idx %arg19[%min3A_315] : memref<49152xf32, #tpu.memory_space<vmem>>[vector<16xi32>], vector<16xf32>,
        %jit3A_317 = arith.constant 0.000000e+00 : f32
        %broadcast_in_dim3A_318 = vector.broadcast %jit3A_317 : f32 to vector<16xf32>
        %select_n3A_319 = arith.select %gt3A_306, %gather3A_316, %broadcast_in_dim3A_318 : vector<16xi1>, vector<16xf32>
        %add3A_320 = arith.addf %mul3A_304, %select_n3A_319 : vector<16xf32>
        %lt3A_321 = arith.constant 127 : i32
        %lt3A_322 = vector.broadcast %lt3A_321 : i32 to vector<16xi32>
        %lt3A_323 = arith.cmpi slt, %and3A_277, %lt3A_322 : vector<16xi32>
        %add3A_324 = arith.constant 1 : i32
        %add3A_325 = vector.broadcast %add3A_324 : i32 to vector<16xi32>
        %add3A_326 = arith.addi %min3A_291, %add3A_325 : vector<16xi32>
        %jit3A_327 = arith.constant 0 : i32
        %jit3A_328 = arith.constant 49151 : i32
        %max3A_329 = vector.broadcast %jit3A_327 : i32 to vector<16xi32>
        %max3A_330 = arith.maxsi %max3A_329, %add3A_326 : vector<16xi32>
        %min3A_331 = vector.broadcast %jit3A_328 : i32 to vector<16xi32>
        %min3A_332 = arith.minsi %min3A_331, %max3A_330 : vector<16xi32>
        %gather3A_333 = tpu.vector_load_idx %arg19[%min3A_332] : memref<49152xf32, #tpu.memory_space<vmem>>[vector<16xi32>], vector<16xf32>,
        %jit3A_334 = arith.constant 0.000000e+00 : f32
        %broadcast_in_dim3A_335 = vector.broadcast %jit3A_334 : f32 to vector<16xf32>
        %select_n3A_336 = arith.select %lt3A_323, %gather3A_333, %broadcast_in_dim3A_335 : vector<16xi1>, vector<16xf32>
        %add3A_337 = arith.addf %add3A_320, %select_n3A_336 : vector<16xf32>
        %gt3A_338 = arith.constant 0 : i32
        %gt3A_339 = vector.broadcast %gt3A_338 : i32 to vector<16xi32>
        %gt3A_340 = arith.cmpi sgt, %and3A_283, %gt3A_339 : vector<16xi32>
        %add3A_341 = arith.constant -128 : i32
        %add3A_342 = vector.broadcast %add3A_341 : i32 to vector<16xi32>
        %add3A_343 = arith.addi %min3A_291, %add3A_342 : vector<16xi32>
        %jit3A_344 = arith.constant 0 : i32
        %jit3A_345 = arith.constant 49151 : i32
        %max3A_346 = vector.broadcast %jit3A_344 : i32 to vector<16xi32>
        %max3A_347 = arith.maxsi %max3A_346, %add3A_343 : vector<16xi32>
        %min3A_348 = vector.broadcast %jit3A_345 : i32 to vector<16xi32>
        %min3A_349 = arith.minsi %min3A_348, %max3A_347 : vector<16xi32>
        %gather3A_350 = tpu.vector_load_idx %arg19[%min3A_349] : memref<49152xf32, #tpu.memory_space<vmem>>[vector<16xi32>], vector<16xf32>,
        %jit3A_351 = arith.constant 0.000000e+00 : f32
        %broadcast_in_dim3A_352 = vector.broadcast %jit3A_351 : f32 to vector<16xf32>
        %select_n3A_353 = arith.select %gt3A_340, %gather3A_350, %broadcast_in_dim3A_352 : vector<16xi1>, vector<16xf32>
        %add3A_354 = arith.addf %add3A_337, %select_n3A_353 : vector<16xf32>
        %lt3A_355 = arith.constant 127 : i32
        %lt3A_356 = vector.broadcast %lt3A_355 : i32 to vector<16xi32>
        %lt3A_357 = arith.cmpi slt, %and3A_283, %lt3A_356 : vector<16xi32>
        %add3A_358 = arith.constant 128 : i32
        %add3A_359 = vector.broadcast %add3A_358 : i32 to vector<16xi32>
        %add3A_360 = arith.addi %min3A_291, %add3A_359 : vector<16xi32>
        %jit3A_361 = arith.constant 0 : i32
        %jit3A_362 = arith.constant 49151 : i32
        %max3A_363 = vector.broadcast %jit3A_361 : i32 to vector<16xi32>
        %max3A_364 = arith.maxsi %max3A_363, %add3A_360 : vector<16xi32>
        %min3A_365 = vector.broadcast %jit3A_362 : i32 to vector<16xi32>
        %min3A_366 = arith.minsi %min3A_365, %max3A_364 : vector<16xi32>
        %gather3A_367 = tpu.vector_load_idx %arg19[%min3A_366] : memref<49152xf32, #tpu.memory_space<vmem>>[vector<16xi32>], vector<16xf32>,
        %jit3A_368 = arith.constant 0.000000e+00 : f32
        %broadcast_in_dim3A_369 = vector.broadcast %jit3A_368 : f32 to vector<16xf32>
        %select_n3A_370 = arith.select %lt3A_357, %gather3A_367, %broadcast_in_dim3A_369 : vector<16xi1>, vector<16xf32>
        %add3A_371 = arith.addf %add3A_354, %select_n3A_370 : vector<16xf32>
        %gt3A_372 = arith.constant 0 : i32
        %gt3A_373 = vector.broadcast %gt3A_372 : i32 to vector<16xi32>
        %gt3A_374 = arith.cmpi sgt, %shift_right_logical3A_271, %gt3A_373 : vector<16xi32>
        %add3A_375 = arith.constant -16384 : i32
        %add3A_376 = vector.broadcast %add3A_375 : i32 to vector<16xi32>
        %add3A_377 = arith.addi %min3A_291, %add3A_376 : vector<16xi32>
        %jit3A_378 = arith.constant 0 : i32
        %jit3A_379 = arith.constant 49151 : i32
        %max3A_380 = vector.broadcast %jit3A_378 : i32 to vector<16xi32>
        %max3A_381 = arith.maxsi %max3A_380, %add3A_377 : vector<16xi32>
        %min3A_382 = vector.broadcast %jit3A_379 : i32 to vector<16xi32>
        %min3A_383 = arith.minsi %min3A_382, %max3A_381 : vector<16xi32>
        %gather3A_384 = tpu.vector_load_idx %arg19[%min3A_383] : memref<49152xf32, #tpu.memory_space<vmem>>[vector<16xi32>], vector<16xf32>,
        %jit3A_385 = arith.constant 0.000000e+00 : f32
        %broadcast_in_dim3A_386 = vector.broadcast %jit3A_385 : f32 to vector<16xf32>
        %select_n3A_387 = arith.select %gt3A_374, %gather3A_384, %broadcast_in_dim3A_386 : vector<16xi1>, vector<16xf32>
        %add3A_388 = arith.addf %add3A_371, %select_n3A_387 : vector<16xf32>
        %lt3A_389 = arith.constant 127 : i32
        %lt3A_390 = vector.broadcast %lt3A_389 : i32 to vector<16xi32>
        %lt3A_391 = arith.cmpi slt, %shift_right_logical3A_271, %lt3A_390 : vector<16xi32>
        %add3A_392 = arith.constant 16384 : i32
        %add3A_393 = vector.broadcast %add3A_392 : i32 to vector<16xi32>
        %add3A_394 = arith.addi %min3A_291, %add3A_393 : vector<16xi32>
        %jit3A_395 = arith.constant 0 : i32
        %jit3A_396 = arith.constant 49151 : i32
        %max3A_397 = vector.broadcast %jit3A_395 : i32 to vector<16xi32>
        %max3A_398 = arith.maxsi %max3A_397, %add3A_394 : vector<16xi32>
        %min3A_399 = vector.broadcast %jit3A_396 : i32 to vector<16xi32>
        %min3A_400 = arith.minsi %min3A_399, %max3A_398 : vector<16xi32>
        %gather3A_401 = tpu.vector_load_idx %arg19[%min3A_400] : memref<49152xf32, #tpu.memory_space<vmem>>[vector<16xi32>], vector<16xf32>,
        %jit3A_402 = arith.constant 0.000000e+00 : f32
        %broadcast_in_dim3A_403 = vector.broadcast %jit3A_402 : f32 to vector<16xf32>
        %select_n3A_404 = arith.select %lt3A_391, %gather3A_401, %broadcast_in_dim3A_403 : vector<16xi1>, vector<16xf32>
        %add3A_405 = arith.addf %add3A_388, %select_n3A_404 : vector<16xf32>
        %mul3A_406 = arith.constant 16384 : i32
        %mul3A_407 = arith.muli %add3A_197, %mul3A_406 : i32
        %sub3A_408 = vector.broadcast %mul3A_407 : i32 to vector<16xi32>
        %sub3A_409 = arith.subi %get3A_269, %sub3A_408 : vector<16xi32>
        %jit3A_410 = arith.constant 0 : i32
        %jit3A_411 = arith.constant 16383 : i32
        %max3A_412 = vector.broadcast %jit3A_410 : i32 to vector<16xi32>
        %max3A_413 = arith.maxsi %max3A_412, %sub3A_409 : vector<16xi32>
        %min3A_414 = vector.broadcast %jit3A_411 : i32 to vector<16xi32>
        %min3A_415 = arith.minsi %min3A_414, %max3A_413 : vector<16xi32>
        %gather3A_416 = tpu.vector_load_idx %arg20[%min3A_415] : memref<16384xf32, #tpu.memory_space<vmem>>[vector<16xi32>], vector<16xf32>,
        %gather3A_417 = tpu.vector_load_idx %arg21[%min3A_415] : memref<16384xf32, #tpu.memory_space<vmem>>[vector<16xi32>], vector<16xf32>,
        %mul3A_418 = arith.mulf %gather3A_301, %get3A_6 : vector<16xf32>
        %neg3A = arith.constant 0.000000e+00 : f32
        %neg3A_419 = vector.broadcast %neg3A : f32 to vector<16xf32>
        %neg3A_420 = arith.subf %neg3A_419, %gather3A_416 : vector<16xf32>
        %mul3A_421 = arith.mulf %neg3A_420, %add3A_405 : vector<16xf32>
        %mul3A_422 = arith.mulf %mul3A_421, %get3A_6 : vector<16xf32>
        %mul3A_423 = arith.mulf %gather3A_417, %mul3A_418 : vector<16xf32>
        %sub3A_424 = arith.constant 1.000000e+00 : f32
        %sub3A_425 = vector.broadcast %sub3A_424 : f32 to vector<16xf32>
        %sub3A_426 = arith.subf %sub3A_425, %mul3A_418 : vector<16xf32>
        %mul3A_427 = arith.mulf %mul3A_423, %sub3A_426 : vector<16xf32>
        %sub3A_428 = arith.subf %mul3A_422, %mul3A_427 : vector<16xf32>
        %get3A_429 = arith.index_cast %mul3A_263 : i32 to index
        %get3A_430 = tpu.vector_load %arg18[%get3A_429] {strides = array<i32>} : memref<1664xf32, #tpu.memory_space<vmem>>, vector<16xf32>,
        %select_n3A_431 = arith.select %and3A, %sub3A_428, %get3A_430 : vector<16xi1>, vector<16xf32>
        %swap3A_432 = arith.index_cast %mul3A_263 : i32 to index
        %swap3A_433 = tpu.vector_load %arg18[%swap3A_432] {strides = array<i32>} : memref<1664xf32, #tpu.memory_space<vmem>>, vector<16xf32>,
        tpu.vector_store %arg18[%swap3A_432], %select_n3A_431 {strides = array<i32>} : memref<1664xf32, #tpu.memory_space<vmem>>, vector<16xf32>,
        %jit3A_434 = arith.constant 0.000000e+00 : f32
        %broadcast_in_dim3A_435 = vector.broadcast %jit3A_434 : f32 to vector<16xf32>
        %select_n3A_436 = arith.select %and3A, %gather3A_301, %broadcast_in_dim3A_435 : vector<16xi1>, vector<16xf32>
        %add3A_437 = arith.addf %while3A_261, %select_n3A_436 : vector<16xf32>
        scf.yield %add3A_437 : vector<16xf32>
      }
      scf.yield %while3A_259 : vector<16xf32>
    }
    %scan3A_159 = arith.constant 8 : i32
    %swap3A_160 = arith.constant 0 : index
    %swap3A_161 = tpu.vector_load %arg24[%swap3A_160] {strides = array<i32>} : memref<16xf32, #tpu.memory_space<vmem>>, vector<16xf32>,
    tpu.vector_store %arg24[%swap3A_160], %scan3A_158 {strides = array<i32>} : memref<16xf32, #tpu.memory_space<vmem>>, vector<16xf32>,
    %mul3A_162 = arith.constant 16 : i32
    %mul3A_163 = arith.muli %add3A, %mul3A_162 : i32
    "tpu.region"() ({
      %run_scoped3A_193 = tpu.sem_alloc : memref<!tpu.dma_semaphore, #tpu.memory_space<semaphore_mem>>
      %dma_start3A = tpu.memref_slice %arg8[%mul3A_163] : memref<512xf32, #tpu.memory_space<hbm>> -> memref<16xf32, #tpu.memory_space<hbm>>
      %dma_start3A_194 = tpu.memref_slice %arg8[%mul3A_163] : memref<512xf32, #tpu.memory_space<hbm>> -> memref<16xf32, #tpu.memory_space<hbm>>
      tpu.enqueue_dma source(%arg24 : memref<16xf32, #tpu.memory_space<vmem>>) target(%dma_start3A_194 : memref<16xf32, #tpu.memory_space<hbm>>) target_semaphore(%run_scoped3A_193 : memref<!tpu.dma_semaphore, #tpu.memory_space<semaphore_mem>>)
      %dma_wait3A = tpu.memref_slice %arg8[%mul3A_163] : memref<512xf32, #tpu.memory_space<hbm>> -> memref<16xf32, #tpu.memory_space<hbm>>
      %dma_wait3A_195 = tpu.memref_slice %arg8[%mul3A_163] : memref<512xf32, #tpu.memory_space<hbm>> -> memref<16xf32, #tpu.memory_space<hbm>>
      tpu.wait_dma2 semaphore(%run_scoped3A_193 : memref<!tpu.dma_semaphore, #tpu.memory_space<semaphore_mem>>) src(%arg24 : memref<16xf32, #tpu.memory_space<vmem>>) dst(%dma_wait3A_195 : memref<16xf32, #tpu.memory_space<hbm>>)
      tpu.yield
    }) : () -> ()
    "tpu.region"() ({
      %run_scoped3A_193 = tpu.sem_alloc : memref<!tpu.dma_semaphore, #tpu.memory_space<semaphore_mem>>
      %dma_start3A = arith.constant 0 : i32
      %dma_start3A_194 = tpu.memref_slice %arg27[%arg1, %dma_start3A] : memref<16x1664xf32, #tpu.memory_space<vmem_shared>> -> memref<1x1664xf32, #tpu.memory_space<vmem_shared>>
      %dma_start3A_195 = tpu.memref_squeeze %dma_start3A_194 : memref<1x1664xf32, #tpu.memory_space<vmem_shared>> -> memref<1664xf32, #tpu.memory_space<vmem_shared>>
      %dma_start3A_196 = arith.constant 0 : i32
      %dma_start3A_197 = tpu.memref_slice %arg27[%arg1, %dma_start3A_196] : memref<16x1664xf32, #tpu.memory_space<vmem_shared>> -> memref<1x1664xf32, #tpu.memory_space<vmem_shared>>
      %dma_start3A_198 = tpu.memref_squeeze %dma_start3A_197 : memref<1x1664xf32, #tpu.memory_space<vmem_shared>> -> memref<1664xf32, #tpu.memory_space<vmem_shared>>
      tpu.enqueue_dma source(%arg18 : memref<1664xf32, #tpu.memory_space<vmem>>) target(%dma_start3A_198 : memref<1664xf32, #tpu.memory_space<vmem_shared>>) target_semaphore(%run_scoped3A_193 : memref<!tpu.dma_semaphore, #tpu.memory_space<semaphore_mem>>)
      %dma_wait3A = arith.constant 0 : i32
      %dma_wait3A_199 = tpu.memref_slice %arg27[%arg1, %dma_wait3A] : memref<16x1664xf32, #tpu.memory_space<vmem_shared>> -> memref<1x1664xf32, #tpu.memory_space<vmem_shared>>
      %dma_wait3A_200 = tpu.memref_squeeze %dma_wait3A_199 : memref<1x1664xf32, #tpu.memory_space<vmem_shared>> -> memref<1664xf32, #tpu.memory_space<vmem_shared>>
      %dma_wait3A_201 = arith.constant 0 : i32
      %dma_wait3A_202 = tpu.memref_slice %arg27[%arg1, %dma_wait3A_201] : memref<16x1664xf32, #tpu.memory_space<vmem_shared>> -> memref<1x1664xf32, #tpu.memory_space<vmem_shared>>
      %dma_wait3A_203 = tpu.memref_squeeze %dma_wait3A_202 : memref<1x1664xf32, #tpu.memory_space<vmem_shared>> -> memref<1664xf32, #tpu.memory_space<vmem_shared>>
      tpu.wait_dma2 semaphore(%run_scoped3A_193 : memref<!tpu.dma_semaphore, #tpu.memory_space<semaphore_mem>>) src(%arg18 : memref<1664xf32, #tpu.memory_space<vmem>>) dst(%dma_wait3A_203 : memref<1664xf32, #tpu.memory_space<vmem_shared>>)
      tpu.yield
    }) : () -> ()
    %barrier3A_164 = arith.constant 0 : index
    tpu.barrier barrier_id(%barrier3A_164)
    %scan3A_165 = arith.constant 0 : i32
    %scan3A_166 = arith.constant 0 : i32
    %scan3A_167 = arith.constant 16 : i32
    %scan3A_168 = arith.addi %scan3A_166, %scan3A_167 : i32
    %scan3A_169 = arith.constant 1 : i32
    %scan3A_170 = scf.for %scan3A_193 = %scan3A_166 to %scan3A_168 step %scan3A_169 iter_args(%scan3A_194 = %scan3A_165) -> (i32)  : i32 {
      %mul3A_195 = arith.constant 1664 : i32
      %mul3A_196 = arith.muli %scan3A_193, %mul3A_195 : i32
      "tpu.region"() ({
        %run_scoped3A_198 = tpu.sem_alloc : memref<!tpu.dma_semaphore, #tpu.memory_space<semaphore_mem>>
        %dma_start3A = tpu.memref_slice %arg22[%mul3A_196] : memref<26624xf32, #tpu.memory_space<vmem>> -> memref<1664xf32, #tpu.memory_space<vmem>>
        %dma_start3A_199 = arith.constant 0 : i32
        %dma_start3A_200 = tpu.memref_slice %arg27[%scan3A_193, %dma_start3A_199] : memref<16x1664xf32, #tpu.memory_space<vmem_shared>> -> memref<1x1664xf32, #tpu.memory_space<vmem_shared>>
        %dma_start3A_201 = tpu.memref_squeeze %dma_start3A_200 : memref<1x1664xf32, #tpu.memory_space<vmem_shared>> -> memref<1664xf32, #tpu.memory_space<vmem_shared>>
        %dma_start3A_202 = tpu.memref_slice %arg22[%mul3A_196] : memref<26624xf32, #tpu.memory_space<vmem>> -> memref<1664xf32, #tpu.memory_space<vmem>>
        %dma_start3A_203 = arith.constant 0 : i32
        %dma_start3A_204 = tpu.memref_slice %arg27[%scan3A_193, %dma_start3A_203] : memref<16x1664xf32, #tpu.memory_space<vmem_shared>> -> memref<1x1664xf32, #tpu.memory_space<vmem_shared>>
        %dma_start3A_205 = tpu.memref_squeeze %dma_start3A_204 : memref<1x1664xf32, #tpu.memory_space<vmem_shared>> -> memref<1664xf32, #tpu.memory_space<vmem_shared>>
        tpu.enqueue_dma source(%dma_start3A_205 : memref<1664xf32, #tpu.memory_space<vmem_shared>>) target(%dma_start3A_202 : memref<1664xf32, #tpu.memory_space<vmem>>) target_semaphore(%run_scoped3A_198 : memref<!tpu.dma_semaphore, #tpu.memory_space<semaphore_mem>>)
        %dma_wait3A = tpu.memref_slice %arg22[%mul3A_196] : memref<26624xf32, #tpu.memory_space<vmem>> -> memref<1664xf32, #tpu.memory_space<vmem>>
        %dma_wait3A_206 = arith.constant 0 : i32
        %dma_wait3A_207 = tpu.memref_slice %arg27[%scan3A_193, %dma_wait3A_206] : memref<16x1664xf32, #tpu.memory_space<vmem_shared>> -> memref<1x1664xf32, #tpu.memory_space<vmem_shared>>
        %dma_wait3A_208 = tpu.memref_squeeze %dma_wait3A_207 : memref<1x1664xf32, #tpu.memory_space<vmem_shared>> -> memref<1664xf32, #tpu.memory_space<vmem_shared>>
        %dma_wait3A_209 = tpu.memref_slice %arg22[%mul3A_196] : memref<26624xf32, #tpu.memory_space<vmem>> -> memref<1664xf32, #tpu.memory_space<vmem>>
        %dma_wait3A_210 = arith.constant 0 : i32
        %dma_wait3A_211 = tpu.memref_slice %arg27[%scan3A_193, %dma_wait3A_210] : memref<16x1664xf32, #tpu.memory_space<vmem_shared>> -> memref<1x1664xf32, #tpu.memory_space<vmem_shared>>
        %dma_wait3A_212 = tpu.memref_squeeze %dma_wait3A_211 : memref<1x1664xf32, #tpu.memory_space<vmem_shared>> -> memref<1664xf32, #tpu.memory_space<vmem_shared>>
        tpu.wait_dma2 semaphore(%run_scoped3A_198 : memref<!tpu.dma_semaphore, #tpu.memory_space<semaphore_mem>>) src(%dma_wait3A_212 : memref<1664xf32, #tpu.memory_space<vmem_shared>>) dst(%dma_wait3A_209 : memref<1664xf32, #tpu.memory_space<vmem>>)
        tpu.yield
      }) : () -> ()
      %scan3A_197 = arith.constant 0 : i32
      scf.yield %scan3A_197 : i32
    }
    %scan3A_171 = arith.constant 16 : i32
    %scan3A_172 = arith.constant 0 : i32
    %scan3A_173 = arith.constant 0 : i32
    %scan3A_174 = arith.constant 16 : i32
    %scan3A_175 = arith.addi %scan3A_173, %scan3A_174 : i32
    %scan3A_176 = arith.constant 1 : i32
    %scan3A_177 = scf.for %scan3A_193 = %scan3A_173 to %scan3A_175 step %scan3A_176 iter_args(%scan3A_194 = %scan3A_172) -> (i32)  : i32 {
      %mul3A_195 = arith.constant 16 : i32
      %mul3A_196 = arith.muli %scan3A_193, %mul3A_195 : i32
      %get3A_197 = arith.index_cast %mul3A_196 : i32 to index
      %get3A_198 = tpu.vector_load %arg17[%get3A_197] {strides = array<i32>} : memref<256xi32, #tpu.memory_space<vmem>>, vector<16xi32>,
      %reduce_max3A_199 = arith.constant true
      %reduce_max3A_200 = vector.broadcast %reduce_max3A_199 : i1 to vector<16xi1>
      %reduce_max3A_201 = arith.constant -2147483648 : i32
      %reduce_max3A_202 = vector.broadcast %reduce_max3A_201 : i32 to vector<16xi32>
      %reduce_max3A_203 = arith.xori %get3A_198, %reduce_max3A_202 : vector<16xi32>
      %reduce_max3A_204 = tpu.scan <max>, %reduce_max3A_203 masked %reduce_max3A_200 : vector<16xi32>, vector<16xi1> -> vector<16xi32>
      %reduce_max3A_205 = arith.xori %reduce_max3A_204, %reduce_max3A_202 : vector<16xi32>
      %reduce_max3A_206 = vector.extract %reduce_max3A_205[15] : i32 from vector<16xi32>
      %eq3A_207 = vector.broadcast %scan3A_193 : i32 to vector<16xi32>
      %eq3A_208 = arith.cmpi eq, %iota3A, %eq3A_207 : vector<16xi32>
      %get3A_209 = arith.constant 0 : index
      %get3A_210 = tpu.vector_load %arg23[%get3A_209] {strides = array<i32>} : memref<16xi32, #tpu.memory_space<vmem>>, vector<16xi32>,
      %broadcast_in_dim3A_211 = vector.broadcast %scan3A_194 : i32 to vector<16xi32>
      %select_n3A_212 = arith.select %eq3A_208, %broadcast_in_dim3A_211, %get3A_210 : vector<16xi1>, vector<16xi32>
      %swap3A_213 = arith.constant 0 : index
      %swap3A_214 = tpu.vector_load %arg23[%swap3A_213] {strides = array<i32>} : memref<16xi32, #tpu.memory_space<vmem>>, vector<16xi32>,
      tpu.vector_store %arg23[%swap3A_213], %select_n3A_212 {strides = array<i32>} : memref<16xi32, #tpu.memory_space<vmem>>, vector<16xi32>,
      %sub3A_215 = arith.constant 20000 : i32
      %sub3A_216 = arith.subi %sub3A_215, %scan3A_194 : i32
      %max3A_217 = arith.constant 0 : i32
      %max3A_218 = arith.maxsi %sub3A_216, %max3A_217 : i32
      %min3A_219 = arith.minsi %reduce_max3A_206, %max3A_218 : i32
      %add3A_220 = arith.addi %scan3A_194, %min3A_219 : i32
      scf.yield %add3A_220 : i32
    }
    %scan3A_178 = arith.constant 16 : i32
    %get3A_179 = arith.constant 0 : index
    %get3A_180 = tpu.vector_load %arg23[%get3A_179] {strides = array<i32>} : memref<16xi32, #tpu.memory_space<vmem>>, vector<16xi32>,
    %scan3A_181 = arith.constant 0 : i32
    %scan3A_182 = arith.constant 0 : i32
    %scan3A_183 = arith.constant 80 : i32
    %scan3A_184 = arith.addi %scan3A_182, %scan3A_183 : i32
    %scan3A_185 = arith.constant 1 : i32
    %scan3A_186 = scf.for %scan3A_193 = %scan3A_182 to %scan3A_184 step %scan3A_185 iter_args(%scan3A_194 = %scan3A_181) -> (i32)  : i32 {
      %mul3A_195 = arith.constant 1280 : i32
      %mul3A_196 = arith.muli %arg1, %mul3A_195 : i32
      %mul3A_197 = arith.constant 16 : i32
      %mul3A_198 = arith.muli %scan3A_193, %mul3A_197 : i32
      %add3A_199 = arith.addi %mul3A_196, %mul3A_198 : i32
      %add3A_200 = vector.broadcast %add3A_199 : i32 to vector<16xi32>
      %add3A_201 = arith.addi %iota3A, %add3A_200 : vector<16xi32>
      %broadcast_in_dim3A_202 = arith.constant 0 : i32
      %broadcast_in_dim3A_203 = vector.broadcast %broadcast_in_dim3A_202 : i32 to vector<16xi32>
      %scan3A_204 = arith.constant 0 : i32
      %scan3A_205 = arith.constant 16 : i32
      %scan3A_206 = arith.addi %scan3A_204, %scan3A_205 : i32
      %scan3A_207 = arith.constant 1 : i32
      %scan3A_208 = scf.for %scan3A_221 = %scan3A_204 to %scan3A_206 step %scan3A_207 iter_args(%scan3A_222 = %broadcast_in_dim3A_203) -> (vector<16xi32>)  : i32 {
        %broadcast_in_dim3A_223 = vector.broadcast %scan3A_221 : i32 to vector<16xi32>
        %gather3A_224 = tpu.vector_load_idx %arg23[%broadcast_in_dim3A_223] : memref<16xi32, #tpu.memory_space<vmem>>[vector<16xi32>], vector<16xi32>,
        %ge3A_225 = arith.cmpi sge, %add3A_201, %gather3A_224 : vector<16xi32>
        %mul3A_226 = arith.constant 1664 : i32
        %mul3A_227 = arith.muli %scan3A_221, %mul3A_226 : i32
        %add3A_228 = vector.broadcast %mul3A_227 : i32 to vector<16xi32>
        %add3A_229 = arith.addi %add3A_228, %add3A_201 : vector<16xi32>
        %sub3A_230 = arith.subi %add3A_229, %gather3A_224 : vector<16xi32>
        %select_n3A_231 = arith.select %ge3A_225, %sub3A_230, %scan3A_222 : vector<16xi1>, vector<16xi32>
        scf.yield %select_n3A_231 : vector<16xi32>
      }
      %scan3A_209 = arith.constant 16 : i32
      %jit3A_210 = arith.constant 0 : i32
      %jit3A_211 = arith.constant 26623 : i32
      %max3A_212 = vector.broadcast %jit3A_210 : i32 to vector<16xi32>
      %max3A_213 = arith.maxsi %max3A_212, %scan3A_208 : vector<16xi32>
      %min3A_214 = vector.broadcast %jit3A_211 : i32 to vector<16xi32>
      %min3A_215 = arith.minsi %min3A_214, %max3A_213 : vector<16xi32>
      %gather3A = tpu.vector_load_idx %arg22[%min3A_215] : memref<26624xf32, #tpu.memory_space<vmem>>[vector<16xi32>], vector<16xf32>,
      %mul3A_216 = arith.constant 16 : i32
      %mul3A_217 = arith.muli %scan3A_193, %mul3A_216 : i32
      %swap3A_218 = arith.index_cast %mul3A_217 : i32 to index
      %swap3A_219 = tpu.vector_load %arg18[%swap3A_218] {strides = array<i32>} : memref<1664xf32, #tpu.memory_space<vmem>>, vector<16xf32>,
      tpu.vector_store %arg18[%swap3A_218], %gather3A {strides = array<i32>} : memref<1664xf32, #tpu.memory_space<vmem>>, vector<16xf32>,
      %scan3A_220 = arith.constant 0 : i32
      scf.yield %scan3A_220 : i32
    }
    %scan3A_187 = arith.constant 80 : i32
    %mul3A_188 = arith.constant 20512 : i32
    %mul3A_189 = arith.muli %arg0, %mul3A_188 : i32
    %mul3A_190 = arith.constant 1280 : i32
    %mul3A_191 = arith.muli %arg1, %mul3A_190 : i32
    %add3A_192 = arith.addi %mul3A_189, %mul3A_191 : i32
    "tpu.region"() ({
      %run_scoped3A_193 = tpu.sem_alloc : memref<!tpu.dma_semaphore, #tpu.memory_space<semaphore_mem>>
      %dma_start3A = arith.constant 0 : i32
      %dma_start3A_194 = tpu.memref_slice %arg18[%dma_start3A] : memref<1664xf32, #tpu.memory_space<vmem>> -> memref<1280xf32, #tpu.memory_space<vmem>>
      %dma_start3A_195 = tpu.memref_slice %arg7[%add3A_192] : memref<41536xf32, #tpu.memory_space<hbm>> -> memref<1280xf32, #tpu.memory_space<hbm>>
      %dma_start3A_196 = tpu.memref_slice %arg7[%add3A_192] : memref<41536xf32, #tpu.memory_space<hbm>> -> memref<1280xf32, #tpu.memory_space<hbm>>
      %dma_start3A_197 = arith.constant 0 : i32
      %dma_start3A_198 = tpu.memref_slice %arg18[%dma_start3A_197] : memref<1664xf32, #tpu.memory_space<vmem>> -> memref<1280xf32, #tpu.memory_space<vmem>>
      tpu.enqueue_dma source(%dma_start3A_198 : memref<1280xf32, #tpu.memory_space<vmem>>) target(%dma_start3A_196 : memref<1280xf32, #tpu.memory_space<hbm>>) target_semaphore(%run_scoped3A_193 : memref<!tpu.dma_semaphore, #tpu.memory_space<semaphore_mem>>)
      %dma_wait3A = arith.constant 0 : i32
      %dma_wait3A_199 = tpu.memref_slice %arg18[%dma_wait3A] : memref<1664xf32, #tpu.memory_space<vmem>> -> memref<1280xf32, #tpu.memory_space<vmem>>
      %dma_wait3A_200 = tpu.memref_slice %arg7[%add3A_192] : memref<41536xf32, #tpu.memory_space<hbm>> -> memref<1280xf32, #tpu.memory_space<hbm>>
      %dma_wait3A_201 = tpu.memref_slice %arg7[%add3A_192] : memref<41536xf32, #tpu.memory_space<hbm>> -> memref<1280xf32, #tpu.memory_space<hbm>>
      %dma_wait3A_202 = arith.constant 0 : i32
      %dma_wait3A_203 = tpu.memref_slice %arg18[%dma_wait3A_202] : memref<1664xf32, #tpu.memory_space<vmem>> -> memref<1280xf32, #tpu.memory_space<vmem>>
      tpu.wait_dma2 semaphore(%run_scoped3A_193 : memref<!tpu.dma_semaphore, #tpu.memory_space<semaphore_mem>>) src(%dma_wait3A_203 : memref<1280xf32, #tpu.memory_space<vmem>>) dst(%dma_wait3A_201 : memref<1280xf32, #tpu.memory_space<hbm>>)
      tpu.yield
    }) : () -> ()
    return
  }
}

</mosaic_0001>

<sc_bundles>
// kernel: kernel.3.cloned.1.call-start
scs
__scs_entry_jumppad:
0x0: {  	(pc) =	sbr.rel $0x88, $3  }
0x1: {  	(tag) =	ssettag $0x0;
	lr =	simm.s32 $0x1  }
0x2: {  	[smem:$0x3F9D] =	sst lr;
	_ =	strace $0xD0000000  }
0x3: {  	_ = 	snop  }
0x4: {  	_ = 	snop  }
0x5: {  	_ = 	snop  }
0x6: {  	_ = 	snop  }
0x7: {  	_ = 	snop  }
__scs_overlays_trampoline_lowered:
0x8: {  	[smem:$0x3FAC] =	sst s0  }
0x9: {  	[smem:$0x3FAD] =	sst s1  }
0xa: {  	[smem:$0x3FAE] =	sst s2  }
0xb: {  	[smem:$0x3FAF] =	sst s3  }
0xc: {  	[smem:$0x3FB0] =	sst s4  }
0xd: {  	[smem:$0x3FB1] =	sst s5  }
0xe: {  	[smem:$0x3FB2] =	sst s6  }
0xf: {  	[smem:$0x3FB3] =	sst s7  }
0x10: {  	[smem:$0x3FB4] =	sst s8  }
0x11: {  	[smem:$0x3FB5] =	sst s9;
	s0 =	simm.s32 @!p0 $0x0  }
0x12: {  	s1 =	sld [smem:$0x3F9B];
	s0 =	simm.s32 @p0 $0x1  }
0x13: {  	[smem:$0x3FB6] =	sst s0;
	s0 =	simm.s32 @!p1 $0x0  }
0x14: {  	s2 =	sld [smem:$0x3F9A];
	s0 =	simm.s32 @p1 $0x1  }
0x15: {  	[smem:$0x3FB7] =	sst s0;
	s0 =	simm.s32 @!p2 $0x0  }
0x16: {  	s3 =	sld [smem:$0x3FDB];
	s0 =	simm.s32 @p2 $0x1  }
0x17: {  	s4 =	simm.s32 $0x1BF5;
	[smem:$0x3FB9] =	sst s0  }
0x18: {  	s0 =	sld [smem:$0x3F9C];
	_ =	swait.ge [sflag:s4], $0x0  }
0x19: {  	s7 =	sld [smem:$0x3F9D]  }
0x1a: {  	s8 =	sadd.s32 $0xFFFFE003, lr  }
0x1b: {  	s9 =	sadd.s32 $0xFFFFFEF7, lr;
	s5 =	simm.s32 $0xFFFFFFFF;
	p2 =	slt.u32 s8, $0xFFFFF086  }
0x1c: {  	p1 =	slt.u32 s9, $0xF7A;
	s5 =	simm.s32 @!p2 $0x0  }
0x1d: {  	s5 =	simm.s32 @p1 $0x1;
	p0 =	seq.s32 s7, s2  }
0x1e: {  	s7 =	smul.u32 @!p0 $0xF7A, s2;
	p2 =	seq.s32 @!p0 s5, $0x0  }
0x1f: {  	s9 =	smul.u32 $0xF7A, s1;
	s8 =	simm.s32 @!p0 $0x1BF5;
	p2 =	por !p2, p0  }
0x20: {  	[sflag:s8] =	ssyncset.s32 @!p0 $0xFFFFF086;
	s6 =	sadd.s32 @!p0 s3, s7;
	s7 =	simm.s32 @!p0 $0x108  }
0x21: {  	s3 =	sadd.s32 s3, s9;
	s6 =	sadd.s32 @!p0 $0x88, s6;
	s7 =	simm.s32 @p2 $0x1082  }
0x22: {  	[simem:s7], [sflag:s8] =	dma.local @!p0 [hbm:s6], $0xF7A  }
0x23: {  	s9 =	sor.u32 $0xD0000000, s2;
	s6 =	simm.s32 $0x108;
	_ =	swait.ge @!p0 [sflag:s8], $0x0  }
0x24: {  	s3 =	sadd.s32 $0x88, s3;
	s6 =	simm.s32 @!p1 $0x1082;
	[sflag:s4] =	ssyncset.s32 $0xFFFFF086  }
0x25: {  	[simem:s6], [sflag:s4] =	dma.local [hbm:s3], $0xF7A  }
0x26: {  	[smem:$0x3F9D] =	sst s1;
	(tag) =	ssettag s2;
	_ =	strace s9  }
0x27: {  	s1 =	sld [smem:$0x3FAD]  }
0x28: {  	s2 =	sld [smem:$0x3FAE]  }
0x29: {  	s4 =	sld [smem:$0x3FB0]  }
0x2a: {  	p0 =	seq.s32 s5, $0x0;
	s5 =	sld [smem:$0x3FB1]  }
0x2b: {  	s6 =	sld [smem:$0x3FB2]  }
0x2c: {  	s7 =	sld [smem:$0x3FB3]  }
0x2d: {  	s3 =	simm.s32 $0x108;
	s8 =	sld [smem:$0x3FB4]  }
0x2e: {  	s3 =	simm.s32 @!p0 $0x1082;
	s9 =	sld [smem:$0x3FB5]  }
0x2f: {  	lr =	sadd.s32 s0, s3;
	s0 =	sld [smem:$0x3FAC]  }
0x30: {  	s3 =	sld [smem:$0x3FAF]  }
0x31: {  	[smem:$0x3FB8] =	sst s10  }
0x32: {  	s10 =	sld [smem:$0x3FB6];
	_ =	sdelay $0x3  }
0x33: {  	p0 =	seq.s32 s10, $0x1;
	s10 =	sld [smem:$0x3FB8];
	_ =	sdelay $0x3  }
0x34: {  	[smem:$0x3FB8] =	sst s10  }
0x35: {  	s10 =	sld [smem:$0x3FB7];
	_ =	sdelay $0x3  }
0x36: {  	p1 =	seq.s32 s10, $0x1;
	s10 =	sld [smem:$0x3FB8];
	_ =	sdelay $0x3  }
0x37: {  	[smem:$0x3FB8] =	sst s10  }
0x38: {  	s10 =	sld [smem:$0x3FB9]  }
0x39: {  	_ = 	snop;
	(pc) =	sbr.ind lr, $3  }
0x3a: {  	_ = 	snop  }
0x3b: {  	_ = 	snop  }
0x3c: {  	p2 =	seq.s32 s10, $0x1;
	s10 =	sld [smem:$0x3FB8]  }
0x3d: {  	_ =	shalt  }
0x3e: {  	_ =	shalt  }
0x3f: {  	_ =	shalt  }
0x40: {  	_ =	shalt  }
0x41: {  	_ =	shalt  }
0x42: {  	_ =	shalt  }
0x43: {  	_ =	shalt  }
0x44: {  	_ =	shalt  }
0x45: {  	_ =	shalt  }
0x46: {  	_ =	shalt  }
0x47: {  	_ =	shalt  }
0x48: {  	_ =	shalt  }
0x49: {  	_ =	shalt  }
0x4a: {  	_ =	shalt  }
0x4b: {  	_ =	shalt  }
0x4c: {  	_ =	shalt  }
0x4d: {  	_ =	shalt  }
0x4e: {  	_ =	shalt  }
0x4f: {  	_ =	shalt  }
0x50: {  	_ =	shalt  }
0x51: {  	_ =	shalt  }
0x52: {  	_ =	shalt  }
0x53: {  	_ =	shalt  }
0x54: {  	_ =	shalt  }
0x55: {  	_ =	shalt  }
0x56: {  	_ =	shalt  }
0x57: {  	_ =	shalt  }
0x58: {  	_ =	shalt  }
0x59: {  	_ =	shalt  }
0x5a: {  	_ =	shalt  }
0x5b: {  	_ =	shalt  }
0x5c: {  	_ =	shalt  }
0x5d: {  	_ =	shalt  }
0x5e: {  	_ =	shalt  }
0x5f: {  	_ =	shalt  }
0x60: {  	_ =	shalt  }
0x61: {  	_ =	shalt  }
0x62: {  	_ =	shalt  }
0x63: {  	_ =	shalt  }
0x64: {  	_ =	shalt  }
0x65: {  	_ =	shalt  }
0x66: {  	_ =	shalt  }
0x67: {  	_ =	shalt  }
0x68: {  	_ =	shalt  }
0x69: {  	_ =	shalt  }
0x6a: {  	_ =	shalt  }
0x6b: {  	_ =	shalt  }
0x6c: {  	_ =	shalt  }
0x6d: {  	_ =	shalt  }
0x6e: {  	_ =	shalt  }
0x6f: {  	_ =	shalt  }
0x70: {  	_ =	shalt  }
0x71: {  	_ =	shalt  }
0x72: {  	_ =	shalt  }
0x73: {  	_ =	shalt  }
0x74: {  	_ =	shalt  }
0x75: {  	_ =	shalt  }
0x76: {  	_ =	shalt  }
0x77: {  	_ =	shalt  }
0x78: {  	_ =	shalt  }
0x79: {  	_ =	shalt  }
0x7a: {  	_ =	shalt  }
0x7b: {  	_ =	shalt  }
0x7c: {  	_ =	shalt  }
0x7d: {  	_ =	shalt  }
0x7e: {  	_ =	shalt  }
0x7f: {  	_ =	shalt  }
0x80: {  	_ =	shalt  }
0x81: {  	_ =	shalt  }
0x82: {  	_ =	shalt  }
0x83: {  	_ =	shalt  }
0x84: {  	_ =	shalt  }
0x85: {  	_ =	shalt  }
0x86: {  	_ =	shalt  }
0x87: {  	_ =	shalt  }
.Lfunc_end0:
.L_simem_size_0:
called_computation_lowered:
.L_overlay_start_0:
0x88: {  	s2 =	sld [smem:$0x3FD9]  }
0x89: {  	s3 =	sld [smem:$0x3FFE];
	_ =	sdelay $0x1  }
0x8a: {  	s1 =	srdreg.scid  }
0x8b: {  	s0 =	sand.u32 $0x1, s1  }
0x8c: {  	s17 =	sshll.u32 s0, $0xA;
	s2 =	sadd.s32 s3, s2  }
0x8d: {  	s2 =	sadd.s32 s2, s17  }
0x8e: {  	[smem:$0x3FC4] =	sst s2  }
0x8f: {  	_ = 	snop  }
0x90: {  	s2 =	sld [smem:$0x3FD0];
	(tm) =	ssettm $0x1  }
0x91: {  	s18 =	sld [smem:$0x3FFB];
	_ =	sdelay $0x3  }
0x92: {  	_ =	strace s18  }
0x93: {  	s3 =	sld [smem:$0x3FFC];
	_ =	sdelay $0x3  }
0x94: {  	_ =	strace s3  }
0x95: {  	s3 =	sld [smem:$0x3FFD];
	_ =	sdelay $0x3  }
0x96: {  	_ =	strace s3  }
0x97: {  	_ =	strace $0x8FFFFFFF  }
0x98: {  	s19 =	sld [smem:$0x3FDB];
	_ =	sdelay $0x1  }
0x99: {  	s4 =	simm.s32 $_scs_section_size  }
0x9a: {  	s5 =	simm.s32 $_size__tile_overlayer_lowered;
	s6 =	simm.s32 $_tile_overlayer_lowered  }
0x9b: {  	s22 =	simm.s32 $0x1BFF;
	s21 =	sshll.u32 s6, $0x1;
	s3 =	sadd.s32 s4, s19  }
0x9c: {  	s7 =	simm.s32 $0x0;
	s20 =	sshll.u32 s5, $0x1;
	s5 =	sadd.s32 s21, s3  }
0x9d: {  	[timem:s7], [sflag:s22] =	dma.local [hbm:s5], s20  }
0x9e: {  	_ =	swait.ge [sflag:s22], s20  }
0x9f: {  	s4 =	ssub.s32 $0x0, s20;
	[sflag:s22] =	ssyncset.done $0x0  }
0xa0: {  	[sflag:s22] =	ssyncadd.s32 s4;
	_ =	sdelay $0x1  }
0xa1: {  	s23 =	simm.s32 $0x1B8B  }
0xa2: {  	_ =	swait.ge [sflag:s23], $0x1  }
0xa3: {  	[sflag:s23] =	ssyncset.done $0x0  }
0xa4: {  	s25 =	simm.s32 $0x1B8E;
	s24 =	sld [smem:$0x3FFE];
	[sflag:s23] =	ssyncadd.s32 $0xFFFFFFFF  }
0xa5: {  	s26 =	simm.s32 $execute0_lowered;
	[smem:$0x3FD2] =	sst s25  }
0xa6: {  	s5 =	sshll.u32 s26, $0x1;
	_ =	strace $0x80000046;
	[dreg:$0x1] =	wrdreg $0xFFFFFFFF  }
0xa7: {  	s28 =	simm.s32 $_size_execute0_lowered;
	s3 =	sadd.s32 s3, s5;
	[dreg:$0x0] =	wrdreg $0x0  }
0xa8: {  	s5 =	sshll.u32 s28, $0x1;
	[dreg:$0x2] =	wrdreg s3  }
0xa9: {  	[dreg:$0x3] =	wrdreg s5  }
0xaa: {  	[dreg:$0x4] =	wrdreg $0xC0  }
0xab: {  	_ =	task [dreg:s7], $0x5FFFF  }
0xac: {  	[dreg:$0x1] =	wrdreg $0xFFFFFFFF  }
0xad: {  	[dreg:$0x0] =	wrdreg $0x60  }
0xae: {  	[dreg:$0x2] =	wrdreg s24  }
0xaf: {  	[dreg:$0x3] =	wrdreg s2  }
0xb0: {  	[dreg:$0x4] =	wrdreg $0x1E8800  }
0xb1: {  	[dreg:$0x5] =	wrdreg $0x1F0800  }
0xb2: {  	[dreg:$0x6] =	wrdreg $0x1F0900  }
0xb3: {  	[dreg:$0x7] =	wrdreg $0x9  }
0xb4: {  	_ =	task.clear_ibuf [dreg:s7], $0x8FFFF;
	_ =	strace $0x90000046  }
0xb5: {  	s29 =	simm.s32 $0x9;
	_ =	strace $0x80000048  }
0xb6: {  	_ =	swait.ge [sflag:s29], $0x1  }
0xb7: {  	[sflag:s29] =	ssyncadd.s32 $0xFFFFFFFF  }
0xb8: {  	_ =	strace $0x90000048  }
0xb9: {  	_ =	sfence  }
0xba: {  	s30 =	sld [smem:$0x0];
	_ =	sdelay $0x2  }
0xbb: {  	s31 =	sshll.u32 s1, $0xD;
	s1 =	sshrl.u32 s1, $0x2  }
0xbc: {  	s3 =	sand.u32 $0x4000, s31;
	s1 =	sadd.s32 s1, s30  }
0xbd: {  	s0 =	sor.u32 s3, s0;
	s1 =	sshll.u32 s1, $0x11  }
0xbe: {  	s0 =	sor.u32 s1, s0  }
0xbf: {  	s0 =	sadd.s32 $0x8F2B, s0  }
0xc0: {  	[sflag:s0] =	ssyncadd.remote.s32 $0x1  }
0xc1: {  	_ =	sfence.sel $0xFFFF  }
0xc2: {  	[dreg:$0x0] =	wrdreg $0xFFFFFFFF;
	(pc) =	sbr.abs _section_cstart, $3  }
0xc3: {  	[dreg:$0x1] =	wrdreg $0xFFFFFFFF  }
0xc4: {  	_ =	task.clear_ibuf [dreg:s7], $0x2FFFF;
	_ =	strace $0x9FFFFFFF  }
0xc5: {  	(tm) =	ssettm $0x7FFFFFFF  }
tec
execute0_lowered:
.L_overlay_start_1:
0x0: {  	(tag) =	ssettag $0x1  }
0x1: {  	s0 =	rddreg [dreg:$0x0]  }
0x2: {  	s1 =	rddreg [dreg:$0x1]  }
0x3: {  	s9 =	rddreg [dreg:$0x2]  }
0x4: {  	s15 =	rddreg [dreg:$0x3]  }
0x5: {  	s4 =	rddreg [dreg:$0x4]  }
0x6: {  	s16 =	simm.s32 $0x0;
	s2 =	srdreg.scid;
	s3 =	stileid.u32  }
0x7: {  	s28 =	simm.s32 $0x400;
	s31 =	simm.s32 $0x3080;
	[smem:$0x7FF] =	sst s16  }
0x8: {  	s2 =	sand.u32 $0x1, s2;
	s18 =	smul.u32 $0x500, s3;
	s29 =	sadd.s32 $0x101A00, s0  }
0x9: {  	s7 =	sadd.s32 $0x1A00, s0;
	s8 =	sadd.s32 $0x81A00, s0;
	s10 =	sadd.s32 $0x181A00, s0  }
0xa: {  	s11 =	sshll.u32 s3, $0x11;
	s19 =	sshrl.u32 s3, $0x3;
	s20 =	sshll.u32 s3, $0x7  }
0xb: {  	s23 =	sshll.u32 s3, $0x1;
	s24 =	sshll.u32 s3, $0x3;
	_ =	strace $0x80000047  }
0xc: {  	s5 =	sshll.u32 s2, $0x11;
	s6 =	smul.u32 $0x5020, s2;
	[dreg:$0x8] =	wrdreg s8  }
0xd: {  	s13 =	ssub.s32 $0x2, s2;
	[dreg:$0x9] =	wrdreg s10;
	s12 =	sshll.u32 s2, $0x7  }
0xe: {  	s21 =	sand.u32 $0x380, s20;
	s22 =	sshll.u32 s19, $0xE;
	s8 =	smul.u32 $0xD000, s19  }
0xf: {  	s2 =	sshll.u32 s2, $0x5;
	s1 =	sadd.s32 s1, s23;
	[dreg:$0xb] =	wrdreg s24  }
0x10: {  	s30 =	sor.u32 $0x10, s11;
	s23 =	simm.s32 $0x100;
	s24 =	simm.s32 $0x80  }
0x11: {  	[dreg:$0x7] =	wrdreg s29;
	s5 =	sadd.s32 s5, s0;
	s14 =	sshrl.u32 s13, $0x1  }
0x12: {  	s10 =	sadd.s32 s22, s9;
	s1 =	sadd.s32 s2, s1;
	[dreg:$0x10] =	wrdreg s30  }
0x13: {  	s22 =	simm.s32 $0x1;
	s2 =	simm.s32 $0x0;
	[dreg:$0x6] =	wrdreg s18  }
0x14: {  	s6 =	sadd.s32 s18, s6;
	s17 =	ssub.s32 s13, s14;
	s13 =	sadd.s32 $0x201A00, s5  }
0x15: {  	s14 =	sshll.u32 s3, $0x4;
	s10 =	sadd.s32 s21, s10;
	s8 =	sshrl.u32 s8, $0x2  }
0x16: {  	[dreg:$0xc] =	wrdreg s1;
	s5 =	simm.s32 $0xFF80;
	s6 =	sshrl.u32 s6, $0x3  }
0x17: {  	[dreg:$0xa] =	wrdreg s10;
	s15 =	sadd.s32 s14, s15;
	s25 =	sadd.s32 s8, s4  }
0x18: {  	v0 =	vlaneseq.u32;
	s26 =	smax.u32 s17, $0x1;
	s10 =	simm.s32 $0x13F80;
	s14 =	simm.s32 $0x1E780  }
0x19: {  	v4 =	vmul.u32 $0xFFFFFFFF, v0;
	s0 =	sadd.s32 s6, s0;
	s1 =	sadd.s32 s21, s25;
	[dreg:$0xf] =	wrdreg s26  }
0x1a: {  	v1 =	vimm.s32 $0x0;
	s25 =	simm.s32 $0x1080;
	[dreg:$0xd] =	wrdreg s1;
	s0 =	sadd.s32 $0x181C00, s0  }
0x1b: {  	v2 =	vimm.f32 $0.0e+00;
	v3 =	vimm.s32 $0x1;
	v4 =	vadd.s32 $0xF, v4;
	s26 =	simm.s32 $0x1880;
	[dreg:$0xe] =	wrdreg s0;
	s0 =	simm.s32 $0x3F80  }
.LBB2_1:
0x1c: {  	[dreg:$0x11] =	wrdreg s2  }
0x1d: {  	s1 =	rddreg [dreg:$0x9]  }
0x1e: {  	[tilespmem:s16], [sflag:$0x1] =	stream.linear.gather [hbm4b:s1+s16], $0x80, $0x38;
	[tilespmem:$0x1F710] =	vst v63  }
0x1f: {  	_ =	swait.ge [sflag:s22], $0x80  }
0x20: {  	[sflag:s22] =	ssyncset.done $0x0  }
0x21: {  	[sflag:s22] =	ssyncadd.s32 $0xFFFFFF80  }
0x22: {  	s2 =	simm.s32 $0x0;
	s1 =	simm.s32 $0x40;
	v5 =	vld [tilespmem:$0x0]  }
.LBB2_2:
0x23: {  	p0 =	sne.s32 s1, $0x1FC0;
	[tilespmem:s2+$0x1880] =	vst v1;
	s2 =	smov.u32 s1;
	s1 =	sadd.s32 $0x40, s1  }
.Ltmp0:
0x24: {  	(pc) =	sbr.rel @p0 .LBB2_2-.Ltmp0, $2  }
0x25: {  	_ =	sdelay $0x2  }
0x26: {  	s2 =	sshra.s32 s2, $0x2  }
0x27: {  	[tilespmem:s2+$0x1880] =	vst v1;
	s1 =	simm.s32 $0x40;
	s2 =	simm.s32 $0x0  }
.LBB2_4:
0x28: {  	p0 =	sne.s32 s1, $0x1F00;
	[tilespmem:s2+$0x2080] =	vst v2;
	s6 =	smov.u32 s1;
	s1 =	sadd.s32 $0x40, s1  }
.Ltmp1:
0x29: {  	[tilespmem:s2+$0x2880] =	vst v1;
	(pc) =	sbr.rel @p0 .LBB2_4-.Ltmp1, $2  }
0x2a: {  	_ =	sdelay $0x2  }
0x2b: {  	s2 =	sshra.s32 s6, $0x2  }
0x2c: {  	[tilespmem:s2+$0x2080] =	vst v2  }
0x2d: {  	[tilespmem:s2+$0x2880] =	vst v1;
	s1 =	simm.s32 $0x40;
	s2 =	simm.s32 $0x0  }
.LBB2_6:
0x2e: {  	p0 =	sne.s32 s1, $0x1A00;
	[tilespmem:s2+$0x3080] =	vst v1;
	s2 =	smov.u32 s1;
	s1 =	sadd.s32 $0x40, s1  }
.Ltmp2:
0x2f: {  	(pc) =	sbr.rel @p0 .LBB2_6-.Ltmp2, $2  }
0x30: {  	_ =	sdelay $0x2  }
0x31: {  	s2 =	sshra.s32 s2, $0x2  }
0x32: {  	[tilespmem:s2+$0x3080] =	vst v1;
	s1 =	simm.s32 $0x0;
	s2 =	simm.s32 $0x0  }
.LBB2_8:
0x33: {  	s6 =	sshll.u32 s2, $0xC  }
0x34: {  	s6 =	sadd.s32 s11, s6  }
0x35: {  	s8 =	sshll.u32 s6, $0x1  }
0x36: {  	s8 =	sor.u32 s12, s8  }
0x37: {  	s8 =	sshrl.u32 s8, $0x3  }
0x38: {  	s8 =	sadd.s32 s7, s8  }
0x39: {  	[tilespmem:s24], [sflag:$0x1] =	stream.strided.gather [hbm4b:s8+s24], $0x1000, s23, s24, $0x38;
	[tilespmem:$0x1F710] =	vst v63  }
0x3a: {  	_ =	swait.ge [sflag:s22], $0x1000  }
0x3b: {  	s6 =	sshrl.u32 s6, $0x4;
	[sflag:s22] =	ssyncset.done $0x0  }
0x3c: {  	s6 =	sadd.s32 s6, s13;
	[sflag:s22] =	ssyncadd.s32 $0xFFFFF000  }
0x3d: {  	[tilespmem:s25], [sflag:$0x1] =	stream.linear.gather [hbm4b:s6+s1], $0x800, $0x38;
	[tilespmem:$0x1F710] =	vst v63  }
0x3e: {  	_ =	swait.ge [sflag:s22], $0x800  }
0x3f: {  	[sflag:s22] =	ssyncset.done $0x0  }
0x40: {  	s8 =	simm.s32 $0x0;
	s6 =	simm.s32 $0x90;
	[sflag:s22] =	ssyncadd.s32 $0xFFFFF800  }
.LBB2_9:
0x41: {  	v6 =	vld [tilespmem:s6+$0xFFFFFFF0];
	_ =	sdelay $0x1  }
0x42: {  	s17 =	sshra.s32 s8, $0x2  }
0x43: {  	v7 =	vld [tilespmem:s17+$0x1080];
	_ =	sdelay $0x1  }
0x44: {  	v6 =	vmul.f32 v6, v5;
	_ =	sdelay $0x1  }
0x45: {  	v6 =	vadd.f32 $9.999999740e-05, v6  }
0x46: {  	v8 =	vshll.u32 v7, $0x10  }
0x47: {  	v6 =	vmul.f32 v8, v6;
	_ =	sdelay $0x1  }
0x48: {  	v6 =	vshrl.u32 v6, $0x14;
	_ =	sdelay $0x4  }
0x49: {  	[tilespmem:v6+s26+$0x0] =	vst.idx.add.s32.msk $0xffff, v3  }
0x4a: {  	v6 =	vld [tilespmem:s6+$0x0];
	_ =	sdelay $0x4  }
0x4b: {  	v6 =	vmul.f32 v6, v5;
	_ =	sdelay $0x1  }
0x4c: {  	v6 =	vadd.f32 $9.999999740e-05, v6  }
0x4d: {  	v7 =	vand.u32 $0xFFFF0000, v7  }
0x4e: {  	v6 =	vmul.f32 v7, v6;
	_ =	sdelay $0x1  }
0x4f: {  	p0 =	sne.s32 s8, $0x1FC0;
	v6 =	vshrl.u32 v6, $0x14  }
.Ltmp3:
0x50: {  	_ = 	snop;
	(pc) =	sbr.rel @p0 .LBB2_9-.Ltmp3, $2  }
0x51: {  	_ =	sdelay $0x2  }
0x52: {  	s8 =	sadd.s32 $0x40, s8;
	s6 =	sadd.s32 $0x20, s6;
	[tilespmem:v6+s26+$0x0] =	vst.idx.add.s32.msk $0xffff, v3  }
0x53: {  	s2 =	sadd.s32 $0x1, s2  }
0x54: {  	p0 =	sne.s32 s2, $0x20  }
.Ltmp4:
0x55: {  	_ = 	snop;
	(pc) =	sbr.rel @p0 .LBB2_8-.Ltmp4, $1  }
0x56: {  	_ =	sdelay $0x3  }
0x57: {  	s1 =	rddreg [dreg:$0xa]  }
0x58: {  	[spmem:s1] =	stream.strided.scatter [tilespmem:s26], [sflag:$0x1], $0x800, s28, s24, $0x38;
	[tilespmem:$0x1F710] =	vst v63  }
0x59: {  	s1 =	simm.s32 $0x1  }
0x5a: {  	_ =	swait.ge [sflag:s1], $0x800  }
0x5b: {  	[sflag:s1] =	ssyncset.done $0x0  }
0x5c: {  	[sflag:s1] =	ssyncadd.s32 $0xFFFFF800  }
0x5d: {  	[bflag:$0x0] =	sbarrier.arrive $0xFFFF  }
0x5e: {  	[tilespmem:s26], [sflag:$0x1] =	stream.strided.gather [spmem:s9], $0x800, s28, s24, $0x38;
	[tilespmem:$0x1F710] =	vst v63  }
0x5f: {  	_ =	swait.ge [sflag:s1], $0x800  }
0x60: {  	[sflag:s1] =	ssyncset.done $0x0  }
0x61: {  	[sflag:s1] =	ssyncadd.s32 $0xFFFFF800  }
.LBB2_12:
0x62: {  	s2 =	sshll.u32 s1, $0xB  }
0x63: {  	s6 =	sshll.u32 s1, $0x7;
	s2 =	sand.u32 $0x4000, s2  }
0x64: {  	s6 =	sand.u32 $0x380, s6;
	s2 =	sadd.s32 s2, s9  }
0x65: {  	s2 =	sadd.s32 s6, s2  }
0x66: {  	[tilespmem:s25], [sflag:$0x1] =	stream.strided.gather [spmem:s2], $0x800, s28, s24, $0x38;
	[tilespmem:$0x1F710] =	vst v63  }
0x67: {  	_ =	swait.ge [sflag:s22], $0x800  }
0x68: {  	[sflag:s22] =	ssyncset.done $0x0  }
0x69: {  	s2 =	simm.s32 $0x0;
	[sflag:s22] =	ssyncadd.s32 $0xFFFFF800  }
0x6a: {  	s6 =	simm.s32 $0x40;
	v6 =	vld [tilespmem:s2+$0x1080]  }
.LBB2_13:
0x6b: {  	p0 =	sne.s32 s6, $0x1FC0;
	v7 =	vld [tilespmem:s2+$0x1880];
	_ =	sdelay $0x1  }
.Ltmp5:
0x6c: {  	(pc) =	sbr.rel @p0 .LBB2_13-.Ltmp5, $3  }
0x6d: {  	_ =	sdelay $0x1  }
0x6e: {  	s8 =	sshra.s32 s6, $0x2;
	v7 =	vadd.s32 v7, v6  }
0x6f: {  	s6 =	sadd.s32 $0x40, s6;
	v6 =	vld [tilespmem:s8+$0x1080];
	[tilespmem:s2+$0x1880] =	vst v7;
	s2 =	smov.u32 s8  }
0x70: {  	v7 =	vld [tilespmem:s2+$0x1880];
	s1 =	sadd.s32 $0x1, s1  }
0x71: {  	p0 =	sne.s32 s1, $0x10  }
.Ltmp6:
0x72: {  	_ = 	snop;
	(pc) =	sbr.rel @p0 .LBB2_12-.Ltmp6, $3  }
0x73: {  	_ =	sdelay $0x1  }
0x74: {  	v6 =	vadd.s32 v7, v6  }
0x75: {  	[tilespmem:s2+$0x1880] =	vst v6  }
0x76: {  	s1 =	simm.s32 $0x2070  }
0x77: {  	v6 =	vld [tilespmem:s1+$0x0];
	_ =	sdelay $0x4  }
0x78: {  	(xrf0) =	vadd.scan.msk.s32 $0xffff, v6;
	_ =	sdelay $0x5  }
0x79: {  	v6, _, _ =	vpop (xrf0)  }
0x7a: {  	(v2sf) =	vpush v6, $0xF;
	_ =	sdelay $0x1  }
0x7b: {  	s18 =	simm.s32 $0x2060  }
0x7c: {  	v6 =	vld [tilespmem:s18+$0x0]  }
0x7d: {  	s19 =	simm.s32 $0x2050  }
0x7e: {  	v7 =	vld [tilespmem:s19+$0x0];
	_ =	sdelay $0x2  }
0x7f: {  	(xrf0) =	vadd.scan.msk.s32 $0xffff, v6;
	_ =	sdelay $0x1  }
0x80: {  	(xrf0) =	vadd.scan.msk.s32 $0xffff, v7;
	_ =	sdelay $0x2  }
0x81: {  	s20 =	simm.s32 $0x2040  }
0x82: {  	v8 =	vld [tilespmem:s20+$0x0];
	v7, _, _ =	vpop (xrf0)  }
0x83: {  	s2 =	spop (v2sf);
	(v2sf) =	vpush v7, $0xF  }
0x84: {  	v7, _, _ =	vpop (xrf0)  }
0x85: {  	(v2sf) =	vpush v7, $0xF;
	_ =	sdelay $0x1  }
0x86: {  	s21 =	simm.s32 $0x2030;
	(xrf0) =	vadd.scan.msk.s32 $0xffff, v8  }
0x87: {  	v6 =	vld [tilespmem:s21+$0x0]  }
0x88: {  	s29 =	simm.s32 $0x7F  }
0x89: {  	s30 =	simm.s32 $0x7E;
	s6 =	simm.s32 $0x7A;
	s8 =	simm.s32 $0x2020  }
0x8a: {  	p2 =	por $0x1, $0x1;
	s17 =	simm.s32 $0x0;
	s1 =	simm.s32 $0x0  }
0x8b: {  	s19 =	simm.s32 $0x7D;
	s20 =	simm.s32 $0x7C;
	s2 =	sadd.s32 $0x0, s2  }
0x8c: {  	s18 =	simm.s32 $0x7B;
	s21 =	simm.s32 $0x0;
	(xrf0) =	vadd.scan.msk.s32 $0xffff, v6;
	v6, _, _ =	vpop (xrf0);
	p1 =	sgt.s32 s2, $0x4E1F  }
.LBB2_16:
0x8d: {  	p0 =	sne.s32 s6, $0x0;
	p1 =	por !p2, !p1;
	s9 =	smov.u32 s6  }
0x8e: {  	v7 =	vld [tilespmem:s8+$0x0];
	(v2sf) =	vpush v6, $0xF;
	s6 =	sadd.s32 $0xFFFFFFFF, s6;
	s16 =	smov.u32 s21;
	s21 =	smov.u32 s2  }
.Ltmp7:
0x8f: {  	p1 =	por !p1, !p1;
	(pc) =	sbr.rel @p0 .LBB2_16-.Ltmp7, $4  }
0x90: {  	s1 =	smov.u32 @p1 s29;
	s17 =	smov.u32 @p1 s16;
	s29 =	smov.u32 s30  }
0x91: {  	s30 =	smov.u32 s19;
	s19 =	smov.u32 s20;
	s16 =	spop (v2sf)  }
0x92: {  	s20 =	smov.u32 s18;
	s18 =	smov.u32 s9;
	s2 =	sadd.s32 s2, s16  }
0x93: {  	s8 =	sadd.s32 $0xFFFFFFF0, s8;
	p2 =	slt.s32 s21, $0x4E20;
	(xrf0) =	vadd.scan.msk.s32 $0xffff, v7;
	v6, _, _ =	vpop (xrf0);
	p1 =	sgt.s32 s2, $0x4E1F  }
0x94: {  	_ =	sdelay $0x4  }
0x95: {  	(v2sf) =	vpush v6, $0xF;
	v6, _, _ =	vpop (xrf0)  }
0x96: {  	(v2sf) =	vpush v6, $0xF;
	_ =	sdelay $0x8  }
0x97: {  	s6 =	spop (v2sf)  }
0x98: {  	p0 =	por !p2, !p1;
	p4 =	slt.s32 s2, $0x4E20;
	s6 =	sadd.s32 s2, s6  }
0x99: {  	p0 =	por !p0, !p0;
	p3 =	sgt.s32 s6, $0x4E1F;
	s8 =	spop (v2sf)  }
0x9a: {  	s1 =	smov.u32 @p0 s29;
	p1 =	por !p4, !p3;
	s8 =	sadd.s32 s6, s8  }
0x9b: {  	p4 =	slt.s32 s6, $0x4E20;
	p1 =	por !p1, !p1;
	p5 =	sgt.s32 s8, $0x4E1F  }
0x9c: {  	s1 =	smov.u32 @p1 s30;
	p2 =	por !p4, !p5;
	s9 =	spop (v2sf)  }
0x9d: {  	p5 =	slt.s32 s8, $0x4E20;
	s9 =	sadd.s32 s8, s9;
	s16 =	spop (v2sf)  }
0x9e: {  	p2 =	por !p2, !p2;
	p6 =	sgt.s32 s9, $0x4E1F;
	s16 =	sadd.s32 s9, s16  }
0x9f: {  	p4 =	por !p5, !p6;
	p6 =	slt.s32 s9, $0x4E20;
	p3 =	sgt.s32 s16, $0x4E1F  }
0xa0: {  	s1 =	smov.u32 @p2 s19;
	p4 =	por !p4, !p4;
	p3 =	por !p6, !p3  }
0xa1: {  	s1 =	smov.u32 @p4 s20;
	p3 =	por !p3, !p3  }
0xa2: {  	s1 =	smov.u32 @p3 s18  }
0xa3: {  	s1 =	sshll.u32 s1, $0x4  }
0xa4: {  	v6 =	vld [tilespmem:s1+$0x1880];
	_ =	sdelay $0x4  }
0xa5: {  	v6 =	vperm.xlane v6, v4;
	_ =	sdelay $0x1  }
0xa6: {  	(xrf0) =	vadd.scan.msk.s32 $0xffff, v6;
	_ =	sdelay $0x3  }
0xa7: {  	s17 =	smov.u32 @p0 s21  }
0xa8: {  	s17 =	smov.u32 @p1 s2  }
0xa9: {  	s17 =	smov.u32 @p2 s6;
	v6, _, _ =	vpop (xrf0)  }
0xaa: {  	s17 =	smov.u32 @p4 s8;
	v6 =	vperm.xlane v6, v4  }
0xab: {  	s17 =	smov.u32 @p3 s9  }
0xac: {  	v6 =	vadd.s32 s17, v6  }
0xad: {  	vm0 =	vgt.s32 v6, $0x4E1F  }
0xae: {  	v6 =	vmpcnt.ones.xlane vm0;
	_ =	sdelay $0x1  }
0xaf: {  	v6 =	vxor.u32 $0x80000000, v6  }
0xb0: {  	(xrf0) =	vmax.scan.msk.u32 $0xffff, v6;
	_ =	sdelay $0x5  }
0xb1: {  	v6, _, _ =	vpop (xrf0)  }
0xb2: {  	(v2sf) =	vpush v6, $0xF;
	_ =	sdelay $0xe  }
0xb3: {  	s30 =	spop (v2sf)  }
0xb4: {  	s1 =	sadd.s32 s30, s1  }
0xb5: {  	s1 =	sshll.u32 s1, $0x14  }
0xb6: {  	s21 =	simm.s32 $0x0;
	s19 =	sadd.s32 $0xFFF00000, s1  }
0xb7: {  	s20 =	rddreg [dreg:$0x10];
	s18 =	simm.s32 $0x0;
	s1 =	simm.s32 $0x0;
	v6 =	vmov s19  }
.LBB2_18:
0xb8: {  	s2 =	sshll.u32 s21, $0xC  }
0xb9: {  	s2 =	sadd.s32 s11, s2  }
0xba: {  	s6 =	sshll.u32 s2, $0x1  }
0xbb: {  	s6 =	sor.u32 s12, s6  }
0xbc: {  	s6 =	sshrl.u32 s6, $0x3  }
0xbd: {  	s6 =	sadd.s32 s7, s6  }
0xbe: {  	[tilespmem:s24], [sflag:$0x1] =	stream.strided.gather [hbm4b:s6+s24], $0x1000, s23, s24, $0x38;
	[tilespmem:$0x1F710] =	vst v63  }
0xbf: {  	_ =	swait.ge [sflag:s22], $0x1000  }
0xc0: {  	s2 =	sshrl.u32 s2, $0x4;
	[sflag:s22] =	ssyncset.done $0x0  }
0xc1: {  	s2 =	sadd.s32 s2, s13;
	[sflag:s22] =	ssyncadd.s32 $0xFFFFF000  }
0xc2: {  	[tilespmem:s25], [sflag:$0x1] =	stream.linear.gather [hbm4b:s2+s18], $0x800, $0x38;
	[tilespmem:$0x1F710] =	vst v63  }
0xc3: {  	_ =	swait.ge [sflag:s22], $0x800  }
0xc4: {  	[sflag:s22] =	ssyncset.done $0x0  }
0xc5: {  	s30 =	simm.s32 $0x90;
	[sflag:s22] =	ssyncadd.s32 $0xFFFFF800  }
0xc6: {  	v7 =	vld [tilespmem:s30+$0xFFFFFFF0];
	_ =	sdelay $0x1  }
0xc7: {  	s8 =	simm.s32 $0x0  }
0xc8: {  	v8 =	vld [tilespmem:s8+$0x1080];
	_ =	sdelay $0x1  }
0xc9: {  	v7 =	vmul.f32 v7, v5;
	_ =	sdelay $0x1  }
0xca: {  	v7 =	vadd.f32 $9.999999740e-05, v7  }
0xcb: {  	v9 =	vshll.u32 v8, $0x10  }
0xcc: {  	v7 =	vmul.f32 v9, v7;
	_ =	sdelay $0x1  }
0xcd: {  	s9 =	sadd.s32 $0xFFFFFFF0, s20;
	vm0 =	vle.s32 v6, v7  }
0xce: {  	v9 =	vor.u32 s9, v0;
	[tilespmem:s1+$0x2080] =	vst.msk vm0, v7  }
0xcf: {  	v7 =	vmpcnt.ones.xlane vm0;
	[tilespmem:s1+$0x2880] =	vst.msk vm0, v9  }
0xd0: {  	v9 =	vld [tilespmem:s30+$0x0]  }
0xd1: {  	v7 =	vxor.u32 $0x80000000, v7  }
0xd2: {  	(xrf0) =	vmax.scan.msk.u32 $0xffff, v7;
	_ =	sdelay $0x2  }
0xd3: {  	v7 =	vmul.f32 v9, v5;
	_ =	sdelay $0x1  }
0xd4: {  	v7 =	vadd.f32 $9.999999740e-05, v7  }
0xd5: {  	v8 =	vand.u32 $0xFFFF0000, v8;
	v9, _, _ =	vpop (xrf0)  }
0xd6: {  	(v2sf) =	vpush v9, $0xF;
	v7 =	vmul.f32 v8, v7;
	_ =	sdelay $0x1  }
0xd7: {  	vm15 =	vle.s32 v6, v7  }
0xd8: {  	v8 =	vmpcnt.ones.xlane vm15;
	_ =	sdelay $0x1  }
0xd9: {  	v8 =	vxor.u32 $0x80000000, v8  }
0xda: {  	(xrf0) =	vmax.scan.msk.u32 $0xffff, v8;
	_ =	sdelay $0x5  }
0xdb: {  	v8, _, _ =	vpop (xrf0)  }
0xdc: {  	(v2sf) =	vpush v8, $0xF;
	_ =	sdelay $0x1  }
0xdd: {  	s16 =	spop (v2sf)  }
0xde: {  	s17 =	sadd.s32 s16, s1  }
0xdf: {  	s1 =	sadd.s32 $0x80000000, s17  }
0xe0: {  	p0 =	slt.s32 s1, $0x7B0  }
0xe1: {  	s1 =	simm.s32 @!p0 $0x7B0  }
0xe2: {  	v8 =	vor.u32 s20, v0;
	[tilespmem:s1+$0x2080] =	vst.msk vm15, v7  }
0xe3: {  	s2 =	simm.s32 $0xB0;
	[tilespmem:s1+$0x2880] =	vst.msk vm15, v8  }
0xe4: {  	v8 =	vld [tilespmem:s2+$0xFFFFFFF0];
	_ =	sdelay $0x1  }
0xe5: {  	s29 =	simm.s32 $0x10  }
0xe6: {  	v7 =	vld [tilespmem:s29+$0x1080];
	_ =	sdelay $0x1  }
0xe7: {  	v8 =	vmul.f32 v8, v5  }
0xe8: {  	s30 =	spop (v2sf)  }
0xe9: {  	v8 =	vadd.f32 $9.999999740e-05, v8;
	s1 =	sadd.s32 s30, s1  }
0xea: {  	v9 =	vshll.u32 v7, $0x10;
	s17 =	sadd.s32 $0x80000000, s1  }
0xeb: {  	s6 =	simm.s32 $0x80;
	v8 =	vmul.f32 v9, v8;
	s1 =	sadd.s32 $0x20, s20;
	p1 =	slt.s32 s17, $0x7B0  }
.LBB2_19:
0xec: {  	s8 =	sadd.s32 $0xFFFFFFF0, s1  }
0xed: {  	vm0 =	vle.s32 v6, v8;
	s17 =	simm.s32 @!p1 $0x7B0;
	s29 =	smov.u32 s6;
	s30 =	sadd.s32 $0x40, s6  }
0xee: {  	p0 =	sne.s32 s6, $0x1FC0;
	v9 =	vor.u32 s8, v0;
	[tilespmem:s17+$0x2080] =	vst.msk vm0, v8;
	v8 =	vmpcnt.ones.xlane vm0  }
0xef: {  	[tilespmem:s17+$0x2880] =	vst.msk vm0, v9  }
0xf0: {  	v8 =	vxor.u32 $0x80000000, v8;
	v9 =	vld [tilespmem:s2+$0x0]  }
0xf1: {  	(xrf0) =	vmax.scan.msk.u32 $0xffff, v8;
	_ =	sdelay $0x3  }
0xf2: {  	v8 =	vmul.f32 v9, v5;
	_ =	sdelay $0x1  }
0xf3: {  	v8 =	vadd.f32 $9.999999740e-05, v8;
	v9, _, _ =	vpop (xrf0)  }
0xf4: {  	v7 =	vand.u32 $0xFFFF0000, v7;
	(v2sf) =	vpush v9, $0xF  }
0xf5: {  	v7 =	vmul.f32 v7, v8;
	_ =	sdelay $0x1  }
0xf6: {  	vm0 =	vle.s32 v6, v7  }
0xf7: {  	v8 =	vmpcnt.ones.xlane vm0;
	_ =	sdelay $0x1  }
0xf8: {  	v8 =	vxor.u32 $0x80000000, v8  }
0xf9: {  	(xrf0) =	vmax.scan.msk.u32 $0xffff, v8;
	_ =	sdelay $0x5  }
0xfa: {  	v8, _, _ =	vpop (xrf0)  }
0xfb: {  	(v2sf) =	vpush v8, $0xF  }
0xfc: {  	s6 =	spop (v2sf)  }
0xfd: {  	s6 =	sadd.s32 s6, s17  }
0xfe: {  	s6 =	sadd.s32 $0x80000000, s6  }
0xff: {  	p1 =	slt.s32 s6, $0x7B0  }
0x100: {  	s6 =	simm.s32 @!p1 $0x7B0  }
0x101: {  	v8 =	vor.u32 s1, v0;
	[tilespmem:s6+$0x2080] =	vst.msk vm0, v7  }
0x102: {  	s2 =	sadd.s32 $0x20, s2;
	[tilespmem:s6+$0x2880] =	vst.msk vm0, v8  }
0x103: {  	v8 =	vld [tilespmem:s2+$0xFFFFFFF0];
	_ =	sdelay $0x1  }
0x104: {  	s8 =	sshra.s32 s29, $0x2  }
0x105: {  	v7 =	vld [tilespmem:s8+$0x1080];
	_ =	sdelay $0x1  }
0x106: {  	v8 =	vmul.f32 v8, v5  }
.Ltmp8:
0x107: {  	(pc) =	sbr.rel @p0 .LBB2_19-.Ltmp8, $4  }
0x108: {  	v8 =	vadd.f32 $9.999999740e-05, v8;
	s8 =	spop (v2sf)  }
0x109: {  	v9 =	vshll.u32 v7, $0x10;
	s6 =	sadd.s32 s8, s6  }
0x10a: {  	v8 =	vmul.f32 v9, v8;
	s17 =	sadd.s32 $0x80000000, s6  }
0x10b: {  	s1 =	sadd.s32 $0x20, s1;
	s6 =	smov.u32 s30;
	p1 =	slt.s32 s17, $0x7B0  }
0x10c: {  	vm0 =	vle.s32 v6, v8;
	s6 =	sadd.s32 $0xFFFFFFF0, s1;
	s17 =	simm.s32 @!p1 $0x7B0  }
0x10d: {  	v9 =	vor.u32 s6, v0;
	[tilespmem:s17+$0x2080] =	vst.msk vm0, v8  }
0x10e: {  	[tilespmem:s17+$0x2880] =	vst.msk vm0, v9  }
0x10f: {  	v8 =	vld [tilespmem:s2+$0x0];
	_ =	sdelay $0x4  }
0x110: {  	v8 =	vmul.f32 v8, v5;
	_ =	sdelay $0x1  }
0x111: {  	v8 =	vadd.f32 $9.999999740e-05, v8  }
0x112: {  	v7 =	vand.u32 $0xFFFF0000, v7;
	v63 =	vmpcnt.ones.xlane vm0  }
0x113: {  	v7 =	vmul.f32 v7, v8  }
0x114: {  	v8 =	vxor.u32 $0x80000000, v63  }
0x115: {  	(xrf0) =	vmax.scan.msk.u32 $0xffff, v8;
	vm15 =	vle.s32 v6, v7  }
0x116: {  	v8 =	vmpcnt.ones.xlane vm15;
	_ =	sdelay $0x1  }
0x117: {  	v8 =	vxor.u32 $0x80000000, v8  }
0x118: {  	(xrf0) =	vmax.scan.msk.u32 $0xffff, v8;
	_ =	sdelay $0x1  }
0x119: {  	v8, _, _ =	vpop (xrf0)  }
0x11a: {  	(v2sf) =	vpush v8, $0xF;
	_ =	sdelay $0x2  }
0x11b: {  	v8, _, _ =	vpop (xrf0)  }
0x11c: {  	(v2sf) =	vpush v8, $0xF;
	_ =	sdelay $0xa  }
0x11d: {  	s29 =	spop (v2sf)  }
0x11e: {  	s2 =	sadd.s32 s29, s17  }
0x11f: {  	s21 =	sadd.s32 $0x1, s21;
	s6 =	sadd.s32 $0x80000000, s2  }
0x120: {  	p1 =	sne.s32 s21, $0x20;
	p0 =	slt.s32 s6, $0x7B0  }
.Ltmp9:
0x121: {  	s6 =	simm.s32 @!p0 $0x7B0;
	s30 =	spop (v2sf);
	(pc) =	sbr.rel @p1 .LBB2_18-.Ltmp9, $4  }
0x122: {  	s2 =	sadd.s32 s30, s6  }
0x123: {  	s2 =	sadd.s32 $0x80000000, s2  }
0x124: {  	v8 =	vor.u32 s1, v0;
	[tilespmem:s6+$0x2080] =	vst.msk vm15, v7;
	p0 =	slt.s32 s2, $0x7B0;
	s1 =	smov.u32 s2  }
0x125: {  	s20 =	sadd.s32 $0x1000, s20;
	[tilespmem:s6+$0x2880] =	vst.msk vm15, v8;
	s1 =	simm.s32 @!p0 $0x7B0  }
0x126: {  	s1 =	sadd.s32 $0xF, s1  }
0x127: {  	s6 =	sshra.s32 s1, $0x1F  }
.Ltmp10:
0x128: {  	s6 =	sshrl.u32 s6, $0x1C;
	(pc) =	sbr.rel .LBB2_22-.Ltmp10, $4  }
0x129: {  	s1 =	sadd.s32 s6, s1  }
0x12a: {  	s30 =	sadd.s32 $0x100000, s19;
	s21 =	simm.s32 $0x0;
	s20 =	sshra.s32 s1, $0x4  }
0x12b: {  	s16 =	rddreg [dreg:$0x3];
	s29 =	simm.s32 $0x3780;
	p0 =	sgt.s32 s20, $0x1  }
0x12c: {  	s17 =	simm.s32 $0x3800;
	s20 =	simm.s32 @!p0 $0x1;
	p0 =	slt.s32 s2, $0x1  }
.LBB2_24:
0x12d: {  	s2 =	simm.s32 $0x0  }
.LBB2_37:
0x12e: {  	v6 =	vmpcnt.ones.xlane vm0;
	_ =	sdelay $0x1  }
0x12f: {  	v6 =	vxor.u32 $0x80000000, v6  }
0x130: {  	(xrf0) =	vmax.scan.msk.u32 $0xffff, v6;
	_ =	sdelay $0x2  }
0x131: {  	v6, _, _ =	vpop @p1 (xrf0)  }
0x132: {  	(v2sf) =	vpush @p1 v6, $0xF;
	_ =	sdelay $0x1  }
0x133: {  	v6, _, _ =	vpop (xrf0)  }
0x134: {  	(v2sf) =	vpush v6, $0xF;
	_ =	sdelay $0x2  }
0x135: {  	s6 =	spop @p4 (v2sf)  }
0x136: {  	s2 =	sadd.s32 @p4 s6, s2  }
0x137: {  	s6 =	simm.s32 $0x0;
	s2 =	sadd.s32 @p4 $0x80000000, s2  }
0x138: {  	s6 =	smov.u32 @p4 s2;
	s2 =	spop @p3 (v2sf)  }
0x139: {  	s2 =	sadd.s32 @p3 s2, s6  }
0x13a: {  	s6 =	simm.s32 $0x0;
	s2 =	sadd.s32 @p3 $0x80000000, s2  }
0x13b: {  	s6 =	smov.u32 @p3 s2;
	s2 =	spop @p2 (v2sf)  }
0x13c: {  	s2 =	sadd.s32 @p2 s2, s6  }
0x13d: {  	s6 =	simm.s32 $0x0;
	s2 =	sadd.s32 @p2 $0x80000000, s2  }
0x13e: {  	s6 =	smov.u32 @p2 s2;
	s2 =	spop @p1 (v2sf)  }
0x13f: {  	s2 =	sadd.s32 @p1 s2, s6  }
0x140: {  	s2 =	sadd.s32 @p1 $0x80000000, s2  }
0x141: {  	s1 =	smov.u32 @p1 s2;
	s9 =	spop (v2sf)  }
0x142: {  	s1 =	sadd.s32 s9, s1  }
0x143: {  	s1 =	sadd.s32 $0x80000000, s1  }
.LBB2_38:
0x144: {  	v6 =	vmov s1  }
0x145: {  	[tilespmem:$0x3780] =	vst v6  }
0x146: {  	[spmem:s15] =	stream.linear.scatter [tilespmem:s29], [sflag:$0x1], $0x10, $0x38;
	[tilespmem:$0x1F710] =	vst v63  }
0x147: {  	_ =	swait.ge [sflag:s22], $0x10  }
0x148: {  	[sflag:s22] =	ssyncset.done $0x0  }
0x149: {  	[sflag:s22] =	ssyncadd.s32 $0xFFFFFFF0  }
0x14a: {  	[bflag:$0x0] =	sbarrier.arrive $0xFFFF  }
0x14b: {  	[tilespmem:s17], [sflag:$0x1] =	stream.linear.gather [spmem:s16], $0x100, $0x38;
	[tilespmem:$0x1F710] =	vst v63  }
0x14c: {  	_ =	swait.ge [sflag:s22], $0x100  }
0x14d: {  	[sflag:s22] =	ssyncset.done $0x0  }
0x14e: {  	[sflag:s22] =	ssyncadd.s32 $0xFFFFFF00  }
0x14f: {  	[bflag:$0x0] =	sbarrier.arrive $0xFFFF  }
0x150: {  	v6 =	vld [tilespmem:$0x3800]  }
0x151: {  	v7 =	vld [tilespmem:$0x3810]  }
0x152: {  	v8 =	vld [tilespmem:$0x3820]  }
0x153: {  	v9 =	vld [tilespmem:$0x3830]  }
0x154: {  	v10 =	vld [tilespmem:$0x3840]  }
0x155: {  	v11 =	vld [tilespmem:$0x3850];
	v6 =	vxor.u32 $0x80000000, v6  }
0x156: {  	(xrf0) =	vmax.scan.msk.u32 $0xffff, v6;
	v6 =	vxor.u32 $0x80000000, v7;
	v7 =	vld [tilespmem:$0x3860]  }
0x157: {  	v52 =	vld [tilespmem:$0x3870];
	(xrf0) =	vmax.scan.msk.u32 $0xffff, v6;
	v6 =	vxor.u32 $0x80000000, v8  }
0x158: {  	v53 =	vld [tilespmem:$0x3880];
	(xrf0) =	vmax.scan.msk.u32 $0xffff, v6;
	v6 =	vxor.u32 $0x80000000, v9  }
0x159: {  	v54 =	vld [tilespmem:$0x3890];
	(xrf0) =	vmax.scan.msk.u32 $0xffff, v6;
	v6 =	vxor.u32 $0x80000000, v10  }
0x15a: {  	v55 =	vld [tilespmem:$0x38A0];
	(xrf0) =	vmax.scan.msk.u32 $0xffff, v6;
	v6 =	vxor.u32 $0x80000000, v11  }
0x15b: {  	(xrf0) =	vmax.scan.msk.u32 $0xffff, v6;
	v6 =	vxor.u32 $0x80000000, v7;
	v7 =	vld [tilespmem:$0x38B0]  }
0x15c: {  	v56 =	vld [tilespmem:$0x38C0];
	v12, _, _ =	vpop (xrf0);
	(xrf0) =	vmax.scan.msk.u32 $0xffff, v6;
	v6 =	vxor.u32 $0x80000000, v52  }
0x15d: {  	v58 =	vld [tilespmem:$0x38D0];
	(v2sf) =	vpush v12, $0xF;
	v57, _, _ =	vpop (xrf0);
	(xrf0) =	vmax.scan.msk.u32 $0xffff, v6;
	v6 =	vxor.u32 $0x80000000, v53  }
0x15e: {  	v60 =	vld [tilespmem:$0x38E0];
	(v2sf) =	vpush v57, $0xF;
	v59, _, _ =	vpop (xrf0);
	(xrf0) =	vmax.scan.msk.u32 $0xffff, v6;
	v6 =	vxor.u32 $0x80000000, v54  }
0x15f: {  	v62 =	vld [tilespmem:$0x38F0];
	(v2sf) =	vpush v59, $0xF;
	v61, _, _ =	vpop (xrf0);
	(xrf0) =	vmax.scan.msk.u32 $0xffff, v6;
	v6 =	vxor.u32 $0x80000000, v55  }
0x160: {  	(v2sf) =	vpush v61, $0xF;
	v63, _, _ =	vpop (xrf0);
	(xrf0) =	vmax.scan.msk.u32 $0xffff, v6;
	v6 =	vxor.u32 $0x80000000, v7  }
0x161: {  	(v2sf) =	vpush v63, $0xF;
	v7, _, _ =	vpop (xrf0);
	(xrf0) =	vmax.scan.msk.u32 $0xffff, v6;
	v6 =	vxor.u32 $0x80000000, v56  }
0x162: {  	(v2sf) =	vpush v7, $0xF;
	v7, _, _ =	vpop (xrf0);
	(xrf0) =	vmax.scan.msk.u32 $0xffff, v6;
	v6 =	vxor.u32 $0x80000000, v58  }
0x163: {  	(v2sf) =	vpush v7, $0xF;
	v7, _, _ =	vpop (xrf0);
	(xrf0) =	vmax.scan.msk.u32 $0xffff, v6;
	v6 =	vxor.u32 $0x80000000, v60  }
0x164: {  	(v2sf) =	vpush v7, $0xF;
	v7, _, _ =	vpop (xrf0);
	(xrf0) =	vmax.scan.msk.u32 $0xffff, v6;
	v6 =	vxor.u32 $0x80000000, v62;
	_ =	sdelay $0x1  }
0x165: {  	(v2sf) =	vpush v7, $0xF;
	v7, _, _ =	vpop (xrf0);
	(xrf0) =	vmax.scan.msk.u32 $0xffff, v6  }
0x166: {  	(v2sf) =	vpush v7, $0xF;
	v6, _, _ =	vpop (xrf0)  }
0x167: {  	v7, _, _ =	vpop (xrf0);
	(v2sf) =	vpush v6, $0xF  }
0x168: {  	v6, _, _ =	vpop (xrf0);
	(v2sf) =	vpush v7, $0xF  }
0x169: {  	v7, _, _ =	vpop (xrf0);
	(v2sf) =	vpush v6, $0xF  }
0x16a: {  	v6, _, _ =	vpop (xrf0);
	(v2sf) =	vpush v7, $0xF  }
0x16b: {  	(v2sf) =	vpush v6, $0xF;
	v6, _, _ =	vpop (xrf0)  }
0x16c: {  	s6 =	spop (v2sf);
	(v2sf) =	vpush v6, $0xF  }
0x16d: {  	s2 =	spop (v2sf)  }
0x16e: {  	s1 =	sadd.s32 s6, s2;
	s8 =	spop (v2sf)  }
0x16f: {  	s1 =	sadd.s32 s8, s1;
	s9 =	spop (v2sf)  }
0x170: {  	s1 =	sadd.s32 s9, s1;
	s6 =	spop (v2sf)  }
0x171: {  	s1 =	sadd.s32 s6, s1;
	s8 =	spop (v2sf)  }
0x172: {  	s1 =	sadd.s32 s8, s1;
	s9 =	spop (v2sf)  }
0x173: {  	s1 =	sadd.s32 s9, s1;
	s6 =	spop (v2sf)  }
0x174: {  	s1 =	sadd.s32 s6, s1;
	s8 =	spop (v2sf)  }
0x175: {  	s1 =	sadd.s32 s8, s1;
	s9 =	spop (v2sf)  }
0x176: {  	s1 =	sadd.s32 s9, s1;
	s6 =	spop (v2sf)  }
0x177: {  	s1 =	sadd.s32 s6, s1;
	s8 =	spop (v2sf)  }
0x178: {  	s1 =	sadd.s32 s8, s1;
	s9 =	spop (v2sf)  }
0x179: {  	s1 =	sadd.s32 s9, s1;
	s6 =	spop (v2sf)  }
0x17a: {  	s1 =	sadd.s32 s6, s1;
	s8 =	spop (v2sf)  }
0x17b: {  	s1 =	sadd.s32 s8, s1;
	s9 =	spop (v2sf)  }
0x17c: {  	s1 =	sadd.s32 s9, s1  }
0x17d: {  	s21 =	sadd.s32 $0x1, s21;
	p1 =	sgt.s32 s1, $0x4E1F  }
0x17e: {  	s19 =	smov.u32 @p1 s18;
	s18 =	smov.u32 @p1 s30;
	p1 =	seq.s32 s21, $0xE  }
.Ltmp11:
0x17f: {  	_ = 	snop;
	(pc) =	sbr.rel @p1 .LBB2_25-.Ltmp11, $2  }
0x180: {  	_ =	sdelay $0x2  }
0x181: {  	s30 =	smov.u32 s18  }
.LBB2_22:
.Ltmp12:
0x182: {  	(pc) =	sbr.rel @p0 .LBB2_38-.Ltmp12, $3  }
0x183: {  	_ =	sdelay $0x1  }
0x184: {  	s1 =	sadd.s32 s19, s30  }
0x185: {  	s18 =	sshrl.u32 s1, $0x1;
	s1 =	simm.s32 $0x0  }
0x186: {  	s1 =	simm.s32 $0x2080  }
0x187: {  	p5 =	sne.s32 s20, $0x1;
	v7 =	vld [tilespmem:s1+$0x0]  }
.Ltmp13:
0x188: {  	_ = 	snop;
	(pc) =	sbr.rel @!p5 .LBB2_24-.Ltmp13, $4  }
0x189: {  	_ = 	snop  }
0x18a: {  	s2 =	sadd.s32 $0xFFFFFFFF, s20  }
0x18b: {  	v6 =	vmov s18;
	s6 =	simm.s32 $0x2090;
	p1 =	por $0x0, $0x0;
	p2 =	por $0x0, $0x0  }
0x18c: {  	p3 =	por $0x0, $0x0;
	p4 =	por $0x0, $0x0;
	s1 =	simm.s32 $0x0;
	vm0 =	vge.s32 v7, v6  }
0x18d: {  	v7 =	vld [tilespmem:s6+$0x0];
	p5 =	sne.s32 s2, $0x1  }
.Ltmp14:
0x18e: {  	_ = 	snop;
	(pc) =	sbr.rel @!p5 .LBB2_29-.Ltmp14, $3  }
0x18f: {  	v8 =	vmpcnt.ones.xlane vm0;
	_ =	sdelay $0x1  }
0x190: {  	v8 =	vxor.u32 $0x80000000, v8  }
0x191: {  	s2 =	sadd.s32 $0xFFFFFFFF, s2;
	s6 =	simm.s32 $0x20A0;
	p1 =	por $0x1, $0x1;
	(xrf0) =	vmax.scan.msk.u32 $0xffff, v8;
	vm0 =	vge.s32 v7, v6  }
0x192: {  	_ =	sdelay $0x4  }
0x193: {  	v9, _, _ =	vpop (xrf0)  }
0x194: {  	(v2sf) =	vpush v9, $0xF;
	_ =	sdelay $0x7  }
0x195: {  	v7 =	vld [tilespmem:s6+$0x0];
	p5 =	sne.s32 s2, $0x1  }
.Ltmp15:
0x196: {  	_ = 	snop;
	(pc) =	sbr.rel @!p5 .LBB2_31-.Ltmp15, $3  }
0x197: {  	v8 =	vmpcnt.ones.xlane vm0;
	_ =	sdelay $0x1  }
0x198: {  	v8 =	vxor.u32 $0x80000000, v8  }
0x199: {  	s2 =	sadd.s32 $0xFFFFFFFF, s2;
	s6 =	simm.s32 $0x20B0;
	p2 =	por $0x1, $0x1;
	(xrf0) =	vmax.scan.msk.u32 $0xffff, v8;
	vm0 =	vge.s32 v7, v6  }
0x19a: {  	_ =	sdelay $0x4  }
0x19b: {  	v7 =	vld [tilespmem:s6+$0x0];
	p5 =	sne.s32 s2, $0x1;
	v9, _, _ =	vpop (xrf0)  }
.Ltmp16:
0x19c: {  	(v2sf) =	vpush v9, $0xF;
	(pc) =	sbr.rel @!p5 .LBB2_33-.Ltmp16, $3  }
0x19d: {  	v8 =	vmpcnt.ones.xlane vm0;
	_ =	sdelay $0x1  }
0x19e: {  	v8 =	vxor.u32 $0x80000000, v8  }
0x19f: {  	s2 =	sadd.s32 $0xFFFFFFFF, s2;
	s6 =	simm.s32 $0x20C0;
	p3 =	por $0x1, $0x1;
	(xrf0) =	vmax.scan.msk.u32 $0xffff, v8;
	vm0 =	vge.s32 v7, v6  }
0x1a0: {  	_ =	sdelay $0x4  }
0x1a1: {  	v7 =	vld [tilespmem:s6+$0x0];
	v8 =	vmpcnt.ones.xlane vm0;
	p5 =	sne.s32 s2, $0x1;
	v9, _, _ =	vpop (xrf0)  }
.Ltmp17:
0x1a2: {  	(v2sf) =	vpush v9, $0xF;
	(pc) =	sbr.rel @!p5 .LBB2_35-.Ltmp17, $4  }
0x1a3: {  	v8 =	vxor.u32 $0x80000000, v8  }
0x1a4: {  	(xrf0) =	vmax.scan.msk.u32 $0xffff, v8  }
0x1a5: {  	s6 =	sadd.s32 $0xFFFFFFFF, s2  }
0x1a6: {  	s8 =	simm.s32 $0x20D0;
	p4 =	por $0x1, $0x1;
	s2 =	simm.s32 $0x0;
	vm0 =	vge.s32 v7, v6  }
.LBB2_36:
0x1a7: {  	v7 =	vld [tilespmem:s8+$0x0];
	p5 =	sne.s32 s6, $0x1;
	s6 =	sadd.s32 $0xFFFFFFFF, s6;
	v10 =	vmpcnt.ones.xlane vm0  }
.Ltmp18:
0x1a8: {  	s9 =	spop (v2sf);
	(pc) =	sbr.rel @p5 .LBB2_36-.Ltmp18, $4  }
0x1a9: {  	v9 =	vxor.u32 $0x80000000, v10;
	s2 =	sadd.s32 s9, s2  }
0x1aa: {  	(xrf0) =	vmax.scan.msk.u32 $0xffff, v9;
	v8, _, _ =	vpop (xrf0);
	s2 =	sadd.s32 $0x80000000, s2  }
0x1ab: {  	(v2sf) =	vpush v8, $0xF  }
0x1ac: {  	s8 =	sadd.s32 $0x10, s8;
	vm0 =	vge.s32 v7, v6  }
.Ltmp19:
0x1ad: {  	_ = 	snop;
	(pc) =	sbr.rel .LBB2_37-.Ltmp19, $1  }
0x1ae: {  	_ =	sdelay $0x3  }
.LBB2_29:
.Ltmp20:
0x1af: {  	(pc) =	sbr.rel .LBB2_37-.Ltmp20, $2  }
0x1b0: {  	_ =	sdelay $0x2  }
0x1b1: {  	s2 =	simm.s32 $0x0  }
.LBB2_31:
.Ltmp21:
0x1b2: {  	(pc) =	sbr.rel .LBB2_37-.Ltmp21, $2  }
0x1b3: {  	_ =	sdelay $0x2  }
0x1b4: {  	s2 =	simm.s32 $0x0  }
.LBB2_33:
.Ltmp22:
0x1b5: {  	(pc) =	sbr.rel .LBB2_37-.Ltmp22, $2  }
0x1b6: {  	_ =	sdelay $0x3  }
0x1b7: {  	s2 =	simm.s32 $0x0  }
.LBB2_35:
.Ltmp23:
0x1b8: {  	(pc) =	sbr.rel .LBB2_37-.Ltmp23, $2  }
0x1b9: {  	_ =	sdelay $0x2  }
0x1ba: {  	s2 =	simm.s32 $0x0  }
.LBB2_25:
.Ltmp24:
0x1bb: {  	(pc) =	sbr.rel @p0 .LBB2_43-.Ltmp24, $2  }
0x1bc: {  	_ =	sdelay $0x2  }
0x1bd: {  	s1 =	simm.s32 $0x0;
	s2 =	simm.s32 $0x0  }
0x1be: {  	p1 =	sne.s32 s20, $0x1  }
.Ltmp25:
0x1bf: {  	_ = 	snop;
	(pc) =	sbr.rel @!p1 .LBB2_27-.Ltmp25, $3  }
0x1c0: {  	_ =	sdelay $0x1  }
0x1c1: {  	s17 =	simm.s32 $0x0;
	s6 =	simm.s32 $0x2080  }
0x1c2: {  	v6 =	vmov s19;
	s2 =	simm.s32 $0x2880;
	p0 =	por $0x0, $0x0;
	v7 =	vld [tilespmem:s6+$0x0];
	s6 =	sadd.s32 $0xFFFFFFFF, s20  }
0x1c3: {  	_ =	sdelay $0x3  }
0x1c4: {  	vm0 =	vge.s32 v7, v6  }
0x1c5: {  	v7 =	vmpcnt.ones.xlane vm0;
	_ =	sdelay $0x1  }
0x1c6: {  	v7 =	vxor.u32 $0x80000000, v7  }
0x1c7: {  	(xrf0) =	vmax.scan.msk.u32 $0xffff, v7;
	_ =	sdelay $0x3  }
0x1c8: {  	v7 =	vld [tilespmem:s2+$0x0]  }
0x1c9: {  	p1 =	sne.s32 s6, $0x1  }
.Ltmp26:
0x1ca: {  	v8, _, _ =	vpop (xrf0);
	(pc) =	sbr.rel @!p1 .LBB2_40-.Ltmp26, $3  }
0x1cb: {  	(v2sf) =	vpush v8, $0xF;
	_ =	sdelay $0x1  }
0x1cc: {  	s20 =	simm.s32 $0x2090;
	s21 =	sadd.s32 $0xFFFFFFFF, s6;
	[tilespmem:s17+$0x3080] =	vst.msk vm0, v7  }
0x1cd: {  	p0 =	por $0x1, $0x1;
	s18 =	simm.s32 $0x2880;
	s19 =	simm.s32 $0x0;
	v7 =	vld [tilespmem:s20+$0x0]  }
.LBB2_41:
0x1ce: {  	p1 =	sne.s32 s21, $0x1;
	_ =	sdelay $0x3  }
0x1cf: {  	vm0 =	vge.s32 v7, v6  }
0x1d0: {  	v7 =	vmpcnt.ones.xlane vm0;
	_ =	sdelay $0x1  }
0x1d1: {  	v7 =	vxor.u32 $0x80000000, v7  }
0x1d2: {  	(xrf0) =	vmax.scan.msk.u32 $0xffff, v7;
	_ =	sdelay $0x1  }
0x1d3: {  	s18 =	sadd.s32 $0x10, s18  }
0x1d4: {  	v7 =	vld [tilespmem:s18+$0x0];
	s6 =	spop (v2sf)  }
0x1d5: {  	s6 =	sadd.s32 s6, s19  }
0x1d6: {  	s19 =	sadd.s32 $0x80000000, s6  }
.Ltmp27:
0x1d7: {  	v8, _, _ =	vpop (xrf0);
	p2 =	slt.s32 s19, $0x680;
	(pc) =	sbr.rel @p1 .LBB2_41-.Ltmp27, $4  }
0x1d8: {  	(v2sf) =	vpush v8, $0xF;
	s19 =	simm.s32 @!p2 $0x680  }
0x1d9: {  	[tilespmem:s19+$0x3080] =	vst.msk vm0, v7  }
0x1da: {  	s20 =	sadd.s32 $0x10, s20  }
0x1db: {  	s21 =	sadd.s32 $0xFFFFFFFF, s21;
	v7 =	vld [tilespmem:s20+$0x0]  }
.LBB2_42:
0x1dc: {  	_ =	sdelay $0x3  }
0x1dd: {  	vm0 =	vge.s32 v7, v6  }
0x1de: {  	v6 =	vmpcnt.ones.xlane vm0;
	_ =	sdelay $0x1  }
0x1df: {  	v6 =	vxor.u32 $0x80000000, v6  }
0x1e0: {  	(xrf0) =	vmax.scan.msk.u32 $0xffff, v6;
	_ =	sdelay $0x5  }
0x1e1: {  	v6, _, _ =	vpop (xrf0)  }
0x1e2: {  	(v2sf) =	vpush v6, $0xF;
	_ =	sdelay $0x8  }
0x1e3: {  	s6 =	spop @p0 (v2sf)  }
0x1e4: {  	s6 =	sadd.s32 @p0 s6, s19  }
0x1e5: {  	s6 =	sadd.s32 @p0 $0x80000000, s6  }
0x1e6: {  	s8 =	sadd.s32 @p0 $0x10, s18;
	p1 =	slt.s32 @p0 s6, $0x680  }
0x1e7: {  	s2 =	smov.u32 @p0 s8;
	p1 =	por !p1, !p0  }
0x1e8: {  	v6 =	vld [tilespmem:s2+$0x0];
	s6 =	simm.s32 @p1 $0x680  }
0x1e9: {  	s17 =	smov.u32 @p0 s6;
	s30 =	spop (v2sf)  }
0x1ea: {  	s2 =	sadd.s32 s30, s17  }
0x1eb: {  	s2 =	sadd.s32 $0x80000000, s2  }
0x1ec: {  	p0 =	slt.s32 s2, $0x680  }
0x1ed: {  	[tilespmem:s17+$0x3080] =	vst.msk vm0, v6;
	s2 =	simm.s32 @!p0 $0x680  }
.LBB2_43:
0x1ee: {  	v6 =	vmov s2  }
0x1ef: {  	[tilespmem:$0x3780] =	vst v6  }
0x1f0: {  	[spmem:s15] =	stream.linear.scatter [tilespmem:s29], [sflag:$0x1], $0x10, $0x38;
	[tilespmem:$0x1F710] =	vst v63  }
0x1f1: {  	_ =	swait.ge [sflag:s22], $0x10  }
0x1f2: {  	[sflag:s22] =	ssyncset.done $0x0  }
0x1f3: {  	[sflag:s22] =	ssyncadd.s32 $0xFFFFFFF0  }
0x1f4: {  	s6 =	simm.s32 $0x3800;
	[bflag:$0x0] =	sbarrier.arrive $0xFFFF  }
0x1f5: {  	[tilespmem:s6], [sflag:$0x1] =	stream.linear.gather [spmem:s16], $0x100, $0x38;
	[tilespmem:$0x1F710] =	vst v63  }
0x1f6: {  	_ =	swait.ge [sflag:s22], $0x100  }
0x1f7: {  	[sflag:s22] =	ssyncset.done $0x0  }
0x1f8: {  	[sflag:s22] =	ssyncadd.s32 $0xFFFFFF00  }
0x1f9: {  	v6 =	vld [tilespmem:s6+$0x0];
	_ =	sdelay $0x4  }
0x1fa: {  	v6 =	vxor.u32 $0x80000000, v6  }
0x1fb: {  	(xrf0) =	vmax.scan.msk.u32 $0xffff, v6;
	_ =	sdelay $0x5  }
0x1fc: {  	s20 =	simm.s32 $0x3810;
	v6, _, _ =	vpop (xrf0)  }
0x1fd: {  	s21 =	simm.s32 $0x3820;
	(v2sf) =	vpush v6, $0xF;
	v6 =	vld [tilespmem:s20+$0x0]  }
0x1fe: {  	v7 =	vld [tilespmem:s21+$0x0];
	_ =	sdelay $0x3  }
0x1ff: {  	v6 =	vxor.u32 $0x80000000, v6  }
0x200: {  	(xrf0) =	vmax.scan.msk.u32 $0xffff, v6;
	v6 =	vxor.u32 $0x80000000, v7  }
0x201: {  	(xrf0) =	vmax.scan.msk.u32 $0xffff, v6;
	_ =	sdelay $0x4  }
0x202: {  	v7, _, _ =	vpop (xrf0)  }
0x203: {  	s30 =	simm.s32 $0x3830;
	(v2sf) =	vpush v7, $0xF;
	v7, _, _ =	vpop (xrf0)  }
0x204: {  	v6 =	vld [tilespmem:s30+$0x0];
	(v2sf) =	vpush v7, $0xF;
	_ =	sdelay $0x4  }
0x205: {  	s19 =	simm.s32 $0x2;
	s18 =	simm.s32 $0x3;
	v6 =	vxor.u32 $0x80000000, v6  }
0x206: {  	s17 =	simm.s32 $0x4;
	s8 =	simm.s32 $0x3840;
	s21 =	simm.s32 $0x5;
	(xrf0) =	vmax.scan.msk.u32 $0xffff, v6  }
0x207: {  	s6 =	simm.s32 $0x0;
	s20 =	simm.s32 $0x1;
	v6 =	vld [tilespmem:s8+$0x0];
	s29 =	spop (v2sf)  }
.LBB2_44:
0x208: {  	p0 =	sne.s32 s21, $0xF;
	s9 =	sxor.u32 $0x80000000, s29;
	p1 =	slt.u32 s1, s3  }
0x209: {  	s1 =	smov.u32 s20;
	s20 =	smov.u32 s19;
	s9 =	simm.s32 @!p1 $0x0  }
.Ltmp28:
0x20a: {  	s19 =	smov.u32 s18;
	s6 =	sadd.s32 s6, s9;
	(pc) =	sbr.rel @p0 .LBB2_44-.Ltmp28, $4  }
0x20b: {  	s18 =	smov.u32 s17;
	s17 =	smov.u32 s21  }
0x20c: {  	v6 =	vxor.u32 $0x80000000, v6;
	v7, _, _ =	vpop (xrf0)  }
0x20d: {  	s8 =	sadd.s32 $0x10, s8;
	(xrf0) =	vmax.scan.msk.u32 $0xffff, v6;
	(v2sf) =	vpush v7, $0xF;
	_ =	sdelay $0x1  }
0x20e: {  	s21 =	sadd.s32 $0x1, s21;
	v6 =	vld [tilespmem:s8+$0x0];
	s29 =	spop (v2sf)  }
0x20f: {  	_ =	sdelay $0x2  }
0x210: {  	v6 =	vxor.u32 $0x80000000, v6  }
0x211: {  	(xrf0) =	vmax.scan.msk.u32 $0xffff, v6;
	_ =	sdelay $0x4  }
0x212: {  	v6, _, _ =	vpop (xrf0)  }
0x213: {  	(v2sf) =	vpush v6, $0xF;
	v6, _, _ =	vpop (xrf0)  }
0x214: {  	(v2sf) =	vpush v6, $0xF;
	_ =	sdelay $0x9  }
0x215: {  	s8 =	sxor.u32 $0x80000000, s29;
	p0 =	slt.u32 s1, s3;
	s16 =	spop (v2sf)  }
0x216: {  	s8 =	simm.s32 @!p0 $0x0;
	s1 =	sxor.u32 $0x80000000, s16;
	p0 =	slt.u32 s20, s3  }
0x217: {  	s6 =	sadd.s32 s6, s8;
	s1 =	simm.s32 @!p0 $0x0;
	s21 =	spop (v2sf)  }
0x218: {  	p0 =	slt.u32 s19, s3;
	s1 =	sadd.s32 s6, s1;
	s8 =	sxor.u32 $0x80000000, s21  }
0x219: {  	s8 =	simm.s32 @!p0 $0x0;
	p0 =	slt.u32 s18, s3;
	s29 =	spop (v2sf)  }
0x21a: {  	s1 =	sadd.s32 s1, s8;
	s6 =	sxor.u32 $0x80000000, s29;
	s30 =	spop (v2sf)  }
0x21b: {  	s6 =	simm.s32 @!p0 $0x0;
	p0 =	slt.u32 s17, s3;
	s8 =	sxor.u32 $0x80000000, s30  }
0x21c: {  	s1 =	sadd.s32 s1, s6;
	s8 =	simm.s32 @!p0 $0x0  }
0x21d: {  	s6 =	simm.s32 $0x40;
	s1 =	sadd.s32 s1, s8;
	s8 =	simm.s32 $0x0  }
.LBB2_46:
0x21e: {  	p0 =	sne.s32 s6, $0x19C0;
	[tilespmem:s8+$0x3900] =	vst v2;
	s8 =	smov.u32 s6;
	s6 =	sadd.s32 $0x40, s6  }
.Ltmp29:
0x21f: {  	(pc) =	sbr.rel @p0 .LBB2_46-.Ltmp29, $2  }
0x220: {  	_ =	sdelay $0x2  }
0x221: {  	s8 =	sshra.s32 s8, $0x2  }
0x222: {  	s1 =	ssub.s32 $0x4E20, s1  }
0x223: {  	p0 =	sgt.s32 s1, $0x0  }
0x224: {  	s1 =	simm.s32 @!p0 $0x0  }
0x225: {  	p0 =	slt.s32 s2, s1  }
0x226: {  	[tilespmem:s8+$0x3900] =	vst v2;
	s29 =	rddreg [dreg:$0x7];
	s1 =	smov.u32 @p0 s2;
	s2 =	simm.s32 $0x1  }
.LBB2_48:
0x227: {  	s6 =	sshll.u32 s2, $0xE;
	s17 =	simm.s32 $0x0;
	s19 =	simm.s32 $0xA  }
0x228: {  	s20 =	smov.u32 s1;
	s18 =	sadd.s32 s11, s6;
	s6 =	sadd.s32 $0x0, s1  }
.LBB2_49:
0x229: {  	s8 =	smov.u32 s20  }
0x22a: {  	p0 =	sne.s32 s19, $0x1;
	s9 =	sshrl.u32 s6, $0x1F  }
0x22b: {  	s6 =	sadd.s32 s9, s6  }
0x22c: {  	s20 =	sshra.s32 s6, $0x1  }
0x22d: {  	v6 =	vmov s20;
	_ =	sdelay $0x4  }
0x22e: {  	v6 =	vld.idx.msk [tilespmem:v6+s31+$0x0], $0xffff;
	_ =	sdelay $0x5  }
0x22f: {  	v6 =	vxor.u32 $0x80000000, v6  }
0x230: {  	(xrf0) =	vmax.scan.msk.u32 $0xffff, v6;
	_ =	sdelay $0x5  }
0x231: {  	v6, _, _ =	vpop (xrf0)  }
0x232: {  	(v2sf) =	vpush v6, $0xF;
	_ =	sdelay $0xe  }
.Ltmp30:
0x233: {  	s6 =	spop (v2sf);
	(pc) =	sbr.rel @p0 .LBB2_49-.Ltmp30, $4  }
0x234: {  	s6 =	sxor.u32 $0x80000000, s6  }
0x235: {  	p1 =	slt.s32 s6, s18;
	s6 =	sadd.s32 $0x1, s20  }
0x236: {  	s17 =	smov.u32 @p1 s6;
	s20 =	smov.u32 @p1 s8  }
0x237: {  	s19 =	sadd.s32 $0xFFFFFFFF, s19;
	s6 =	sadd.s32 s17, s20  }
0x238: {  	s8 =	sshrl.u32 s6, $0x1F  }
0x239: {  	s6 =	sadd.s32 s8, s6  }
0x23a: {  	s6 =	sshra.s32 s6, $0x1  }
0x23b: {  	v6 =	vmov s6;
	_ =	sdelay $0x4  }
0x23c: {  	v6 =	vld.idx.msk [tilespmem:v6+s31+$0x0], $0xffff;
	_ =	sdelay $0x4  }
0x23d: {  	v6 =	vxor.u32 $0x80000000, v6  }
0x23e: {  	(xrf0) =	vmax.scan.msk.u32 $0xffff, v6;
	_ =	sdelay $0x5  }
0x23f: {  	v6, _, _ =	vpop (xrf0)  }
0x240: {  	(v2sf) =	vpush v6, $0xF;
	_ =	sdelay $0xe  }
0x241: {  	s30 =	spop (v2sf)  }
0x242: {  	s9 =	sor.u32 $0x8, s2;
	s8 =	sxor.u32 $0x80000000, s30  }
0x243: {  	s2 =	sadd.s32 $0x1, s2;
	s6 =	sadd.s32 $0x1, s6;
	v6 =	vld [tilespmem:$0x1E780];
	p0 =	slt.s32 s8, s18  }
0x244: {  	s17 =	smov.u32 @p0 s6;
	p0 =	sne.s32 s2, $0x8  }
.Ltmp31:
0x245: {  	_ = 	snop;
	(pc) =	sbr.rel @p0 .LBB2_48-.Ltmp31, $4  }
0x246: {  	v7 =	vmov s9  }
0x247: {  	vm0 =	veq.s32 v7, v0  }
0x248: {  	v6 =	vsel vm0, s17, v6  }
0x249: {  	[tilespmem:$0x1E780] =	vst v6  }
.Ltmp32:
0x24a: {  	(pc) =	sbr.rel .LBB2_52-.Ltmp32, $4  }
0x24b: {  	_ = 	snop  }
0x24c: {  	vm0 =	veq.s32 v0, $0x8  }
0x24d: {  	v6 =	vsel vm0, $0x0, v6  }
0x24e: {  	s19 =	sadd.s32 $0xF, s1;
	s20 =	simm.s32 $0x0;
	v7 =	vimm.f32 $0.0e+00;
	[tilespmem:$0x1E780] =	vst v6;
	v6 =	vmov s1  }
.LBB2_54:
0x24f: {  	s21 =	smov.u32 s1;
	s30 =	smov.u32 s18  }
.LBB2_58:
0x250: {  	v10 =	vsub.s32 v11, v10  }
0x251: {  	vm0 =	vgt.s32 v10, $0x0  }
0x252: {  	v10 =	vnsel vm0, $0x0, v10  }
0x253: {  	v12 =	vmin.u32 v10, $0xBFFF  }
0x254: {  	v13 =	vmax.u32 v12, $0x1  }
0x255: {  	v13 =	vsub.s32 v13, v3  }
0x256: {  	v14 =	vmin.u32 v10, $0xBFFE  }
0x257: {  	v14 =	vadd.s32 $0x1, v14;
	v15 =	vmax.u32 v12, $0x80  }
0x258: {  	v17 =	vmin.u32 v10, $0xBF7F;
	v16 =	vand.u32 $0xFF80, v15;
	v15 =	vor.u32 $0xFFFFFF80, v15  }
0x259: {  	v53 =	vadd.s32 $0x80, v17;
	v15 =	vadd.s32 v15, v16;
	v18 =	vld.idx.msk [tilespmem:v12+s0+$0x0], $0xffff  }
0x25a: {  	v19 =	vand.u32 $0x7F, v11;
	v17 =	vand.u32 $0x7F, v17;
	v16 =	vand.u32 $0x1FF80, v53;
	v13 =	vld.idx.msk [tilespmem:v13+s0+$0x0], $0xffff  }
0x25b: {  	v9 =	vsub.s32 v11, v9;
	v55 =	vshrl.u32 v11, $0x7;
	v16 =	vor.u32 v17, v16  }
0x25c: {  	vm8 =	veq.s32 v19, $0x0;
	v10 =	vmin.u32 v10, $0x7FFF;
	v12 =	vmax.u32 v12, $0x4000;
	v14 =	vld.idx.msk [tilespmem:v14+s0+$0x0], $0xffff  }
0x25d: {  	vm1 =	vgt.s32 v9, $0x0;
	v54 =	vadd.s32 $0x4000, v10;
	v12 =	vadd.s32 $0xFFFFC000, v12  }
0x25e: {  	v10 =	vand.u32 $0x7F, v10;
	v17 =	vand.u32 $0xFF80, v54;
	v15 =	vld.idx.msk [tilespmem:v15+s0+$0x0], $0xffff;
	v20 =	vmul.f32 $-6.000000000e+00, v18  }
0x25f: {  	v9 =	vnsel vm1, $0x0, v9;
	v10 =	vor.u32 v10, v17;
	v13 =	vsel vm8, $0x0, v13  }
0x260: {  	vm9 =	veq.s32 v19, $0x7F;
	v9 =	vmin.u32 v9, $0x3FFF;
	v16 =	vld.idx.msk [tilespmem:v16+s0+$0x0], $0xffff;
	v13 =	vadd.f32 v20, v13  }
0x261: {  	v17 =	vand.u32 $0x7F, v55;
	v14 =	vsel vm9, $0x0, v14  }
0x262: {  	vm10 =	veq.s32 v17, $0x0;
	v12 =	vld.idx.msk [tilespmem:v12+s0+$0x0], $0xffff;
	v13 =	vadd.f32 v14, v13  }
0x263: {  	v56 =	vsel vm10, $0x0, v15  }
0x264: {  	vm11 =	veq.s32 v17, $0x7F;
	v10 =	vld.idx.msk [tilespmem:v10+s0+$0x0], $0xffff;
	v13 =	vadd.f32 v56, v13  }
0x265: {  	v58 =	vshrl.u32 v11, $0xE;
	v57 =	vld.idx.msk [tilespmem:v9+s5+$0x0], $0xffff;
	v16 =	vsel vm11, $0x0, v16  }
0x266: {  	vm12 =	veq.s32 v58, $0x0;
	v13 =	vadd.f32 v16, v13  }
0x267: {  	v9 =	vld.idx.msk [tilespmem:v9+s10+$0x0], $0xffff;
	v12 =	vsel vm12, $0x0, v12  }
0x268: {  	vm13 =	vlt.u32 v11, $0x1FC000;
	v12 =	vadd.f32 v12, v13  }
0x269: {  	v10 =	vnsel vm13, $0x0, v10  }
0x26a: {  	v59 =	vmul.f32 v18, v5;
	v60 =	vsub.f32 $0.0e+00, v57;
	v10 =	vadd.f32 v10, v12  }
0x26b: {  	s2 =	sadd.s32 @p0 $0x10, s21  }
0x26c: {  	s1 =	smov.u32 @p0 s2;
	v9 =	vmul.f32 v9, v59;
	v11 =	vsub.f32 $1.000000000e+00, v59;
	v10 =	vmul.f32 v10, v60  }
0x26d: {  	s2 =	sadd.s32 @p0 $0x10, s30;
	v61 =	vld [tilespmem:s1+$0x0]  }
0x26e: {  	s18 =	smov.u32 @p0 s2;
	v9 =	vmul.f32 v9, v11;
	v10 =	vmul.f32 v10, v5  }
0x26f: {  	v62 =	vor.u32 s18, v0  }
0x270: {  	vm15 =	veq.s32 v58, v8;
	vm14 =	vlt.s32 v62, v6;
	v8 =	vsub.f32 v10, v9  }
0x271: {  	vm0 =	vmand vm14, vm15  }
0x272: {  	v63 =	vnsel vm0, $0x0, v18;
	v8 =	vsel vm0, v8, v61  }
0x273: {  	v7 =	vadd.f32 v63, v7;
	[tilespmem:s1+$0x0] =	vst v8  }
.LBB2_59:
0x274: {  	s20 =	sadd.s32 $0x1, s20  }
0x275: {  	p0 =	sne.s32 s20, $0x8  }
.Ltmp33:
0x276: {  	_ = 	snop;
	(pc) =	sbr.rel @!p0 .LBB2_60-.Ltmp33, $1  }
0x277: {  	_ =	sdelay $0x3  }
.LBB2_52:
0x278: {  	s1 =	rddreg [dreg:$0xb]  }
0x279: {  	s17 =	sadd.s32 s1, s20  }
0x27a: {  	p0 =	sgt.s32 s17, $0x1;
	s1 =	smov.u32 s17  }
0x27b: {  	s1 =	simm.s32 @!p0 $0x1  }
0x27c: {  	s1 =	smin.u32 s1, $0x7E  }
0x27d: {  	s1 =	sadd.s32 $0xFFFFFFFF, s1  }
0x27e: {  	s2 =	sshll.u32 s1, $0xF  }
0x27f: {  	s2 =	sor.u32 s12, s2  }
0x280: {  	s2 =	sshrl.u32 s2, $0x3  }
0x281: {  	s21 =	sshll.u32 s17, $0xF;
	s2 =	sadd.s32 s7, s2  }
0x282: {  	[tilespmem:s0], [sflag:$0x1] =	stream.strided.gather [hbm4b:s2+s24], $0xC000, s23, s24, $0x38;
	[tilespmem:$0x1F710] =	vst v63  }
0x283: {  	s2 =	sor.u32 s12, s21;
	_ =	swait.ge [sflag:s22], $0xC000  }
0x284: {  	s2 =	sshrl.u32 s2, $0x3;
	[sflag:s22] =	ssyncset.done $0x0  }
0x285: {  	s6 =	sadd.s32 s29, s2;
	[sflag:s22] =	ssyncadd.s32 $0xFFFF4000  }
0x286: {  	[tilespmem:s5], [sflag:$0x1] =	stream.strided.gather [hbm4b:s6+s24], $0x4000, s23, s24, $0x38;
	[tilespmem:$0x1F710] =	vst v63  }
0x287: {  	_ =	swait.ge [sflag:s22], $0x4000  }
0x288: {  	s30 =	sor.u32 $0x8, s20;
	[sflag:s22] =	ssyncset.done $0x0;
	s8 =	rddreg [dreg:$0x8]  }
0x289: {  	s9 =	sadd.s32 $0x9, s20;
	v8 =	vmov s30;
	[sflag:s22] =	ssyncadd.s32 $0xFFFFC000;
	s2 =	sadd.s32 s8, s2  }
0x28a: {  	v9 =	vmov s9;
	[tilespmem:s10], [sflag:$0x1] =	stream.strided.gather [hbm4b:s2+s24], $0x4000, s23, s24, $0x38;
	[tilespmem:$0x1F710] =	vst v63  }
0x28b: {  	_ =	swait.ge [sflag:s22], $0x4000  }
0x28c: {  	[sflag:s22] =	ssyncset.done $0x0  }
0x28d: {  	[sflag:s22] =	ssyncadd.s32 $0xFFFFC000  }
0x28e: {  	v8 =	vld.idx.msk [tilespmem:v8+s14+$0x0], $0xffff  }
0x28f: {  	v9 =	vld.idx.msk [tilespmem:v9+s14+$0x0], $0xffff;
	_ =	sdelay $0x3  }
0x290: {  	v8 =	vxor.u32 $0x80000000, v8  }
0x291: {  	(xrf0) =	vmax.scan.msk.u32 $0xffff, v8;
	v8 =	vxor.u32 $0x80000000, v9  }
0x292: {  	(xrf0) =	vmax.scan.msk.u32 $0xffff, v8;
	_ =	sdelay $0x4  }
0x293: {  	v8, _, _ =	vpop (xrf0)  }
0x294: {  	(v2sf) =	vpush v8, $0xF;
	v8, _, _ =	vpop (xrf0)  }
0x295: {  	(v2sf) =	vpush v8, $0xF;
	_ =	sdelay $0xd  }
0x296: {  	s16 =	spop (v2sf)  }
0x297: {  	s18 =	spop (v2sf)  }
0x298: {  	p0 =	seq.s32 s20, $0x7;
	s6 =	sadd.s32 $0x8000000F, s18  }
0x299: {  	s2 =	sxor.u32 $0x80000000, s16;
	s6 =	smov.u32 @p0 s19  }
0x29a: {  	s21 =	sshra.s32 s2, $0x1F;
	s9 =	sshra.s32 s6, $0x1F  }
0x29b: {  	s8 =	sshrl.u32 s21, $0x1C;
	s9 =	sshrl.u32 s9, $0x1C  }
0x29c: {  	s2 =	sadd.s32 s8, s2;
	s30 =	sadd.s32 s9, s6  }
0x29d: {  	s6 =	sshra.s32 s2, $0x4;
	s2 =	sshra.s32 s30, $0x4  }
0x29e: {  	p0 =	sle.s32 s2, s6  }
.Ltmp34:
0x29f: {  	_ = 	snop;
	(pc) =	sbr.rel @p0 .LBB2_59-.Ltmp34, $1  }
0x2a0: {  	_ =	sdelay $0x3  }
0x2a1: {  	s9 =	sshll.u32 s6, $0x6  }
0x2a2: {  	s21 =	ssub.s32 s2, s6;
	s30 =	sshra.s32 s9, $0x2  }
0x2a3: {  	p1 =	sne.s32 s21, $0x1;
	s2 =	sadd.s32 $0x3080, s30  }
.Ltmp35:
0x2a4: {  	v11 =	vld [tilespmem:s2+$0x0];
	(pc) =	sbr.rel @!p1 .LBB2_54-.Ltmp35, $3  }
0x2a5: {  	_ =	sdelay $0x1  }
0x2a6: {  	s8 =	sshll.u32 s17, $0xE;
	s16 =	sshll.u32 s1, $0xE;
	s18 =	sshll.u32 s6, $0x4  }
0x2a7: {  	v8 =	vmov s17;
	p0 =	por $0x0, $0x0;
	v10 =	vmov s16;
	v9 =	vmov s8;
	s17 =	sadd.s32 $0xFFFFFFFF, s21;
	s1 =	sadd.s32 $0x3900, s30  }
0x2a8: {  	v12 =	vsub.s32 v11, v10  }
0x2a9: {  	vm0 =	vgt.s32 v12, $0x0  }
0x2aa: {  	v12 =	vnsel vm0, $0x0, v12  }
0x2ab: {  	v13 =	vmin.u32 v12, $0xBFFF  }
0x2ac: {  	v14 =	vmax.u32 v13, $0x1  }
0x2ad: {  	v14 =	vsub.s32 v14, v3  }
0x2ae: {  	v15 =	vmin.u32 v12, $0xBFFE  }
0x2af: {  	v15 =	vadd.s32 $0x1, v15;
	v16 =	vmax.u32 v13, $0x80  }
0x2b0: {  	v18 =	vmin.u32 v12, $0xBF7F;
	v17 =	vand.u32 $0xFF80, v16;
	v16 =	vor.u32 $0xFFFFFF80, v16  }
0x2b1: {  	v50 =	vadd.s32 $0x80, v18;
	v16 =	vadd.s32 v16, v17;
	v19 =	vld.idx.msk [tilespmem:v13+s0+$0x0], $0xffff  }
0x2b2: {  	v20 =	vand.u32 $0x7F, v11;
	v18 =	vand.u32 $0x7F, v18;
	v17 =	vand.u32 $0x1FF80, v50;
	v14 =	vld.idx.msk [tilespmem:v14+s0+$0x0], $0xffff  }
0x2b3: {  	v51 =	vsub.s32 v11, v9;
	v52 =	vshrl.u32 v11, $0x7;
	v17 =	vor.u32 v18, v17  }
0x2b4: {  	vm8 =	veq.s32 v20, $0x0;
	v12 =	vmin.u32 v12, $0x7FFF;
	v13 =	vmax.u32 v13, $0x4000;
	v15 =	vld.idx.msk [tilespmem:v15+s0+$0x0], $0xffff  }
0x2b5: {  	vm1 =	vgt.s32 v51, $0x0;
	v21 =	vadd.s32 $0x4000, v12;
	v13 =	vadd.s32 $0xFFFFC000, v13  }
0x2b6: {  	v12 =	vand.u32 $0x7F, v12;
	v21 =	vand.u32 $0xFF80, v21;
	v16 =	vld.idx.msk [tilespmem:v16+s0+$0x0], $0xffff;
	v22 =	vmul.f32 $-6.000000000e+00, v19  }
0x2b7: {  	v12 =	vor.u32 v12, v21;
	v18 =	vnsel vm1, $0x0, v51;
	v14 =	vsel vm8, $0x0, v14  }
0x2b8: {  	vm9 =	veq.s32 v20, $0x7F;
	v18 =	vmin.u32 v18, $0x3FFF;
	v17 =	vld.idx.msk [tilespmem:v17+s0+$0x0], $0xffff;
	v14 =	vadd.f32 v22, v14  }
0x2b9: {  	v53 =	vand.u32 $0x7F, v52;
	v15 =	vsel vm9, $0x0, v15  }
0x2ba: {  	vm10 =	veq.s32 v53, $0x0;
	v13 =	vld.idx.msk [tilespmem:v13+s0+$0x0], $0xffff;
	v14 =	vadd.f32 v15, v14  }
0x2bb: {  	v54 =	vsel vm10, $0x0, v16  }
0x2bc: {  	vm11 =	veq.s32 v53, $0x7F;
	v12 =	vld.idx.msk [tilespmem:v12+s0+$0x0], $0xffff;
	v14 =	vadd.f32 v54, v14  }
0x2bd: {  	v56 =	vshrl.u32 v11, $0xE;
	v55 =	vld.idx.msk [tilespmem:v18+s5+$0x0], $0xffff;
	v17 =	vsel vm11, $0x0, v17  }
0x2be: {  	vm12 =	veq.s32 v56, $0x0;
	v14 =	vadd.f32 v17, v14  }
0x2bf: {  	v57 =	vld.idx.msk [tilespmem:v18+s10+$0x0], $0xffff;
	v13 =	vsel vm12, $0x0, v13  }
0x2c0: {  	vm13 =	vlt.u32 v11, $0x1FC000;
	v13 =	vadd.f32 v13, v14  }
0x2c1: {  	v11 =	vnsel vm13, $0x0, v12  }
0x2c2: {  	v58 =	vmul.f32 v19, v5;
	v59 =	vsub.f32 $0.0e+00, v55;
	v11 =	vadd.f32 v11, v13;
	_ =	sdelay $0x1  }
0x2c3: {  	v12 =	vsub.f32 $1.000000000e+00, v58;
	v60 =	vmul.f32 v57, v58;
	v11 =	vmul.f32 v11, v59  }
0x2c4: {  	v61 =	vld [tilespmem:s1+$0x0]  }
0x2c5: {  	v12 =	vmul.f32 v60, v12;
	v11 =	vmul.f32 v11, v5  }
0x2c6: {  	v62 =	vor.u32 s18, v0  }
0x2c7: {  	vm14 =	vlt.s32 v62, v6;
	vm15 =	veq.s32 v56, v8;
	v11 =	vsub.f32 v11, v12  }
0x2c8: {  	vm0 =	vmand vm14, vm15  }
0x2c9: {  	v11 =	vsel vm0, v11, v61  }
0x2ca: {  	p1 =	sne.s32 s17, $0x1;
	s2 =	sadd.s32 $0x10, s2;
	[tilespmem:s1+$0x0] =	vst v11  }
.Ltmp36:
0x2cb: {  	v11 =	vld [tilespmem:s2+$0x0];
	(pc) =	sbr.rel @!p1 .LBB2_56-.Ltmp36, $3  }
0x2cc: {  	_ =	sdelay $0x1  }
0x2cd: {  	s17 =	sadd.s32 $0xFFFFFFFF, s17;
	v63 =	vnsel vm0, $0x0, v19  }
0x2ce: {  	p0 =	por $0x1, $0x1;
	s21 =	smov.u32 s1;
	s30 =	smov.u32 s18;
	v7 =	vadd.f32 v63, v7  }
.LBB2_57:
0x2cf: {  	p1 =	sne.s32 s17, $0x1;
	_ =	sdelay $0x3  }
0x2d0: {  	v12 =	vsub.s32 v11, v10  }
0x2d1: {  	vm0 =	vgt.s32 v12, $0x0  }
0x2d2: {  	v12 =	vnsel vm0, $0x0, v12  }
0x2d3: {  	v13 =	vmin.u32 v12, $0xBFFF  }
0x2d4: {  	v14 =	vmax.u32 v13, $0x1  }
0x2d5: {  	v14 =	vsub.s32 v14, v3  }
0x2d6: {  	v15 =	vmin.u32 v12, $0xBFFE  }
0x2d7: {  	v15 =	vadd.s32 $0x1, v15;
	v16 =	vmax.u32 v13, $0x80  }
0x2d8: {  	v18 =	vmin.u32 v12, $0xBF7F;
	v17 =	vand.u32 $0xFF80, v16;
	v16 =	vor.u32 $0xFFFFFF80, v16  }
0x2d9: {  	v16 =	vadd.s32 v16, v17;
	v17 =	vadd.s32 $0x80, v18;
	v19 =	vld.idx.msk [tilespmem:v13+s0+$0x0], $0xffff  }
0x2da: {  	v18 =	vand.u32 $0x7F, v18;
	v17 =	vand.u32 $0x1FF80, v17;
	v14 =	vld.idx.msk [tilespmem:v14+s0+$0x0], $0xffff  }
0x2db: {  	v20 =	vand.u32 $0x7F, v11;
	v17 =	vor.u32 v18, v17  }
0x2dc: {  	v12 =	vmin.u32 v12, $0x7FFF;
	v18 =	vsub.s32 v11, v9;
	v13 =	vmax.u32 v13, $0x4000;
	v15 =	vld.idx.msk [tilespmem:v15+s0+$0x0], $0xffff  }
0x2dd: {  	vm0 =	veq.s32 v20, $0x0;
	v21 =	vadd.s32 $0x4000, v12;
	v13 =	vadd.s32 $0xFFFFC000, v13  }
0x2de: {  	v12 =	vand.u32 $0x7F, v12;
	v21 =	vand.u32 $0xFF80, v21;
	vm1 =	vgt.s32 v18, $0x0;
	v16 =	vld.idx.msk [tilespmem:v16+s0+$0x0], $0xffff  }
0x2df: {  	v12 =	vor.u32 v12, v21;
	v18 =	vnsel vm1, $0x0, v18;
	v22 =	vmul.f32 $-6.000000000e+00, v19  }
0x2e0: {  	v18 =	vmin.u32 v18, $0x3FFF;
	v14 =	vsel vm0, $0x0, v14;
	v17 =	vld.idx.msk [tilespmem:v17+s0+$0x0], $0xffff  }
0x2e1: {  	v21 =	vshrl.u32 v11, $0x7;
	vm0 =	veq.s32 v20, $0x7F;
	v14 =	vadd.f32 v22, v14  }
0x2e2: {  	v20 =	vand.u32 $0x7F, v21;
	v15 =	vsel vm0, $0x0, v15;
	v13 =	vld.idx.msk [tilespmem:v13+s0+$0x0], $0xffff  }
0x2e3: {  	vm0 =	veq.s32 v20, $0x0;
	v14 =	vadd.f32 v15, v14  }
0x2e4: {  	v15 =	vsel vm0, $0x0, v16;
	v12 =	vld.idx.msk [tilespmem:v12+s0+$0x0], $0xffff  }
0x2e5: {  	vm0 =	veq.s32 v20, $0x7F;
	v14 =	vadd.f32 v15, v14;
	v15 =	vld.idx.msk [tilespmem:v18+s5+$0x0], $0xffff  }
0x2e6: {  	v16 =	vshrl.u32 v11, $0xE;
	v17 =	vsel vm0, $0x0, v17  }
0x2e7: {  	vm0 =	veq.s32 v16, $0x0;
	v14 =	vadd.f32 v17, v14;
	v17 =	vld.idx.msk [tilespmem:v18+s10+$0x0], $0xffff  }
0x2e8: {  	v13 =	vsel vm0, $0x0, v13  }
0x2e9: {  	vm0 =	vlt.u32 v11, $0x1FC000;
	v13 =	vadd.f32 v13, v14  }
0x2ea: {  	v11 =	vnsel vm0, $0x0, v12  }
0x2eb: {  	v12 =	vmul.f32 v19, v5;
	v11 =	vadd.f32 v11, v13;
	v13 =	vsub.f32 $0.0e+00, v15;
	_ =	sdelay $0x1  }
0x2ec: {  	s21 =	sadd.s32 $0x10, s21;
	v11 =	vmul.f32 v11, v13;
	v13 =	vmul.f32 v17, v12;
	v12 =	vsub.f32 $1.000000000e+00, v12  }
0x2ed: {  	v14 =	vld [tilespmem:s21+$0x0]  }
0x2ee: {  	s30 =	sadd.s32 $0x10, s30;
	v11 =	vmul.f32 v11, v5;
	v12 =	vmul.f32 v13, v12  }
0x2ef: {  	v13 =	vor.u32 s30, v0  }
.Ltmp37:
0x2f0: {  	vm1 =	veq.s32 v16, v8;
	vm0 =	vlt.s32 v13, v6;
	v11 =	vsub.f32 v11, v12;
	(pc) =	sbr.rel @p1 .LBB2_57-.Ltmp37, $4  }
0x2f1: {  	vm0 =	vmand vm0, vm1  }
0x2f2: {  	v12 =	vnsel vm0, $0x0, v19;
	v11 =	vsel vm0, v11, v14  }
0x2f3: {  	s2 =	sadd.s32 $0x10, s2;
	v7 =	vadd.f32 v12, v7;
	[tilespmem:s21+$0x0] =	vst v11  }
0x2f4: {  	s17 =	sadd.s32 $0xFFFFFFFF, s17;
	v11 =	vld [tilespmem:s2+$0x0]  }
.Ltmp38:
0x2f5: {  	_ = 	snop;
	(pc) =	sbr.rel .LBB2_58-.Ltmp38, $1  }
0x2f6: {  	_ =	sdelay $0x3  }
.LBB2_56:
.Ltmp39:
0x2f7: {  	(pc) =	sbr.rel .LBB2_58-.Ltmp39, $2  }
0x2f8: {  	_ =	sdelay $0x2  }
0x2f9: {  	s21 =	smov.u32 s1;
	s30 =	smov.u32 s18  }
.LBB2_60:
0x2fa: {  	[tilespmem:$0x1E800] =	vst v7;
	s1 =	simm.s32 $0x0;
	s2 =	rddreg [dreg:$0xc];
	s6 =	simm.s32 $0x1E800  }
0x2fb: {  	[hbm4b:s2+s1] =	stream.linear.scatter [tilespmem:s6], [sflag:$0x1], $0x10, $0x38;
	[tilespmem:$0x1F710] =	vst v63  }
0x2fc: {  	_ =	swait.ge [sflag:s22], $0x10  }
0x2fd: {  	s19 =	simm.s32 $0x3900;
	s30 =	simm.s32 $0x0;
	[sflag:s22] =	ssyncset.done $0x0  }
0x2fe: {  	s6 =	smul.u32 $0xD000, s30;
	s21 =	rddreg [dreg:$0xd];
	[sflag:s22] =	ssyncadd.s32 $0xFFFFFFF0  }
0x2ff: {  	[spmem:s21] =	stream.strided.scatter [tilespmem:s19], [sflag:$0x1], $0x680, s28, s24, $0x38;
	[tilespmem:$0x1F710] =	vst v63  }
0x300: {  	s29 =	simm.s32 $0x17F80;
	_ =	swait.ge [sflag:s22], $0x680  }
0x301: {  	s8 =	simm.s32 $0x0;
	s6 =	sshra.s32 s6, $0x2;
	[sflag:s22] =	ssyncset.done $0x0  }
0x302: {  	s1 =	sand.u32 $0x380, s1;
	s6 =	sadd.s32 s6, s4;
	[sflag:s22] =	ssyncadd.s32 $0xFFFFF980  }
0x303: {  	s20 =	simm.s32 $0x17F80;
	s1 =	sadd.s32 s1, s6;
	[bflag:$0x0] =	sbarrier.arrive $0xFFFF  }
0x304: {  	[tilespmem:s29], [sflag:$0x1] =	stream.strided.gather [spmem:s1], $0x680, s28, s24, $0x38;
	[tilespmem:$0x1F710] =	vst v63  }
0x305: {  	s8 =	smul.u32 $0xD000, s8;
	s2 =	simm.s32 $0x80;
	_ =	swait.ge [sflag:s22], $0x680  }
0x306: {  	s6 =	simm.s32 $0x2;
	s1 =	simm.s32 $0x18600;
	[sflag:s22] =	ssyncset.done $0x0  }
.LBB2_61:
0x307: {  	s8 =	sshra.s32 s8, $0x2;
	[sflag:s22] =	ssyncadd.s32 $0xFFFFF980  }
0x308: {  	s9 =	smov.u32 s6;
	s16 =	sadd.s32 $0x1, s6;
	p0 =	seq.s32 s6, $0xF  }
.Ltmp40:
0x309: {  	s17 =	sand.u32 $0x380, s2;
	s8 =	sadd.s32 s8, s4;
	(pc) =	sbr.rel @!p0 .LBB2_61-.Ltmp40, $4  }
0x30a: {  	s9 =	sshrl.u32 s9, $0x3;
	s6 =	sadd.s32 s17, s8  }
0x30b: {  	[tilespmem:s1], [sflag:$0x1] =	stream.strided.gather [spmem:s6], $0x680, s28, s24, $0x38;
	[tilespmem:$0x1F710] =	vst v63  }
0x30c: {  	s2 =	sadd.s32 $0x80, s2;
	s8 =	smul.u32 $0xD000, s9;
	_ =	swait.ge [sflag:s22], $0x680  }
0x30d: {  	s1 =	sadd.s32 $0x680, s1;
	s6 =	smov.u32 s16;
	[sflag:s22] =	ssyncset.done $0x0  }
0x30e: {  	s6 =	sshra.s32 s8, $0x2  }
0x30f: {  	s2 =	sand.u32 $0x380, s2;
	s6 =	sadd.s32 s6, s4  }
0x310: {  	[sflag:s22] =	ssyncadd.s32 $0xFFFFF980;
	s2 =	sadd.s32 s2, s6  }
0x311: {  	[tilespmem:s1], [sflag:$0x1] =	stream.strided.gather [spmem:s2], $0x680, s28, s24, $0x38;
	[tilespmem:$0x1F710] =	vst v63  }
0x312: {  	_ =	swait.ge [sflag:s22], $0x680  }
0x313: {  	[sflag:s22] =	ssyncset.done $0x0  }
0x314: {  	s30 =	simm.s32 $0x3800;
	[sflag:s22] =	ssyncadd.s32 $0xFFFFF980  }
0x315: {  	v6 =	vld [tilespmem:s30+$0x0];
	_ =	sdelay $0x4  }
0x316: {  	v6 =	vxor.u32 $0x80000000, v6  }
0x317: {  	(xrf0) =	vmax.scan.msk.u32 $0xffff, v6;
	_ =	sdelay $0x1  }
0x318: {  	s1 =	simm.s32 $0x0  }
0x319: {  	v6 =	vmov s1;
	_ =	sdelay $0x1  }
0x31a: {  	v5 =	vld [tilespmem:$0x1E780]  }
0x31b: {  	vm0 =	veq.s32 v6, v0;
	v6, _, _ =	vpop (xrf0)  }
0x31c: {  	(v2sf) =	vpush v6, $0xF;
	_ =	sdelay $0x2  }
0x31d: {  	v5 =	vsel vm0, s1, v5  }
0x31e: {  	s16 =	simm.s32 $0x0;
	s18 =	simm.s32 $0x3810;
	[tilespmem:$0x1E780] =	vst v5  }
0x31f: {  	s17 =	simm.s32 $0x1;
	s6 =	simm.s32 $0x2;
	s2 =	simm.s32 $0x0;
	v6 =	vld [tilespmem:s18+$0x0]  }
.LBB2_63:
0x320: {  	p0 =	sne.s32 s6, $0xF;
	_ =	sdelay $0x3  }
0x321: {  	v6 =	vxor.u32 $0x80000000, v6  }
0x322: {  	(xrf0) =	vmax.scan.msk.u32 $0xffff, v6;
	_ =	sdelay $0x2  }
0x323: {  	s8 =	ssub.s32 $0x4E20, s2  }
0x324: {  	p1 =	sgt.s32 s8, $0x0;
	s9 =	spop (v2sf)  }
0x325: {  	s8 =	simm.s32 @!p1 $0x0;
	s9 =	sxor.u32 $0x80000000, s9  }
0x326: {  	v6, _, _ =	vpop (xrf0);
	p1 =	slt.s32 s9, s8  }
0x327: {  	v7 =	vmov s17;
	s17 =	smov.u32 s6;
	(v2sf) =	vpush v6, $0xF;
	s8 =	smov.u32 @p1 s9  }
.Ltmp41:
0x328: {  	vm0 =	veq.s32 v7, v0;
	s2 =	sadd.s32 s2, s8;
	(pc) =	sbr.rel @p0 .LBB2_63-.Ltmp41, $4  }
0x329: {  	v5 =	vsel vm0, s2, v5  }
0x32a: {  	[tilespmem:$0x1E780] =	vst v5  }
0x32b: {  	s18 =	sadd.s32 $0x10, s18  }
0x32c: {  	s6 =	sadd.s32 $0x1, s6;
	v6 =	vld [tilespmem:s18+$0x0]  }
0x32d: {  	_ =	sdelay $0x3  }
0x32e: {  	v6 =	vxor.u32 $0x80000000, v6  }
0x32f: {  	(xrf0) =	vmax.scan.msk.u32 $0xffff, v6;
	_ =	sdelay $0x5  }
0x330: {  	v6, _, _ =	vpop (xrf0)  }
0x331: {  	(v2sf) =	vpush v6, $0xF;
	_ =	sdelay $0x7  }
0x332: {  	s6 =	ssub.s32 $0x4E20, s2  }
0x333: {  	p0 =	sgt.s32 s6, $0x0;
	s8 =	spop (v2sf)  }
0x334: {  	s6 =	simm.s32 @!p0 $0x0;
	s8 =	sxor.u32 $0x80000000, s8  }
0x335: {  	p0 =	slt.s32 s8, s6  }
0x336: {  	v6 =	vmov s17;
	s6 =	smov.u32 @p0 s8  }
0x337: {  	vm0 =	veq.s32 v6, v0;
	s29 =	sadd.s32 s2, s6  }
0x338: {  	s9 =	rddreg [dreg:$0x2];
	v5 =	vsel vm0, s29, v5  }
0x339: {  	s18 =	rddreg [dreg:$0x6];
	[tilespmem:$0x1E780] =	vst v5;
	s30 =	spop (v2sf)  }
.LBB2_65:
0x33a: {  	s6 =	simm.s32 $0x0  }
0x33b: {  	v5 =	vmov s6;
	_ =	sdelay $0x3  }
0x33c: {  	s2 =	simm.s32 $0x1  }
0x33d: {  	v7 =	vmov s2;
	v8 =	vld.idx.msk [tilespmem:v5+s14+$0x0], $0xffff  }
0x33e: {  	s2 =	sshll.u32 s1, $0x4  }
0x33f: {  	s8 =	sadd.s32 s18, s2  }
0x340: {  	v5 =	vor.u32 s8, v0  }
0x341: {  	v9 =	vadd.s32 s6, v5  }
0x342: {  	v6 =	vimm.s32 $0x0;
	s8 =	simm.s32 $0x2;
	v7 =	vld.idx.msk [tilespmem:v7+s14+$0x0], $0xffff;
	vm0 =	vlt.s32 v5, v8;
	v8 =	vsub.s32 v9, v8  }
.LBB2_66:
0x343: {  	v9 =	vmov s8;
	p0 =	sne.s32 s8, $0xF;
	s8 =	sadd.s32 $0x1, s8;
	v6 =	vsel vm0, v6, v8  }
.Ltmp42:
0x344: {  	(pc) =	sbr.rel @p0 .LBB2_66-.Ltmp42, $4  }
0x345: {  	_ = 	snop  }
0x346: {  	s6 =	sadd.s32 $0x680, s6  }
0x347: {  	v8 =	vadd.s32 s6, v5  }
0x348: {  	vm0 =	vlt.s32 v5, v7;
	v8 =	vsub.s32 v8, v7;
	v7 =	vld.idx.msk [tilespmem:v9+s14+$0x0], $0xffff  }
0x349: {  	_ =	sdelay $0x1  }
0x34a: {  	s6 =	sadd.s32 $0x680, s6  }
0x34b: {  	v9 =	vadd.s32 s6, v5  }
0x34c: {  	v6 =	vsel vm0, v6, v8;
	vm15 =	vlt.s32 v5, v7;
	v5 =	vsub.s32 v9, v7  }
0x34d: {  	v5 =	vsel vm15, v6, v5  }
0x34e: {  	vm0 =	vgt.s32 v5, $0x0  }
0x34f: {  	v5 =	vnsel vm0, $0x0, v5  }
0x350: {  	v5 =	vmin.u32 v5, $0x67FF;
	_ =	sdelay $0x3  }
0x351: {  	s1 =	sadd.s32 $0x1, s1  }
0x352: {  	p0 =	sne.s32 s1, $0x50;
	v5 =	vld.idx.msk [tilespmem:v5+s20+$0x0], $0xffff  }
.Ltmp43:
0x353: {  	_ = 	snop;
	(pc) =	sbr.rel @p0 .LBB2_65-.Ltmp43, $2  }
0x354: {  	_ =	sdelay $0x2  }
0x355: {  	[tilespmem:s2+$0x3900] =	vst v5  }
0x356: {  	s1 =	rddreg [dreg:$0xe]  }
0x357: {  	[hbm4b:s1+s16] =	stream.linear.scatter [tilespmem:s19], [sflag:$0x1], $0x500, $0x38;
	[tilespmem:$0x1F710] =	vst v63  }
0x358: {  	_ =	swait.ge [sflag:s22], $0x500  }
0x359: {  	s2 =	rddreg [dreg:$0x11]  }
0x35a: {  	s30 =	rddreg [dreg:$0xf];
	s2 =	sadd.s32 $0x1, s2  }
0x35b: {  	p0 =	sne.s32 s2, s30  }
.Ltmp44:
0x35c: {  	_ = 	snop;
	(pc) =	sbr.rel @p0 .LBB2_1-.Ltmp44, $4  }
.Ltmp45:
0x35d: {  	_ = 	snop;
	(pc) =	sbr.rel @!p0 .LBB2_69-.Ltmp45, $4  }
0x35e: {  	_ = 	snop  }
0x35f: {  	[sflag:s22] =	ssyncset.done $0x0  }
0x360: {  	[sflag:s22] =	ssyncadd.s32 $0xFFFFFB00  }
0x361: {  	_ = 	snop  }
.LBB2_27:
.Ltmp46:
0x362: {  	(pc) =	sbr.rel .LBB2_42-.Ltmp46, $2  }
0x363: {  	_ =	sdelay $0x2  }
0x364: {  	s18 =	simm.s32 $0x2880;
	s19 =	simm.s32 $0x0  }
.LBB2_40:
.Ltmp47:
0x365: {  	(pc) =	sbr.rel .LBB2_42-.Ltmp47, $2  }
0x366: {  	_ =	sdelay $0x2  }
0x367: {  	s18 =	simm.s32 $0x2880;
	s19 =	simm.s32 $0x0  }
.LBB2_69:
0x368: {  	_ =	sfence.sel $0x180000  }
0x369: {  	[bflag:$0x0] =	sbarrier.arrive $0xFFFF  }
0x36a: {  	_ =	strace $0x90000047  }
0x36b: {  	[bflag:$0x2] =	sbarrier.arrive $0xFFFF  }
0x36c: {  	p0 =	sne.s32 s3, $0x0;
	s0 =	rddreg [dreg:$0x5]  }
0x36d: {  	s0 =	sadd.s32 @!p0 $0x100000, s0  }
0x36e: {  	[sflag:s0] =	ssyncadd.tile.s32 @!p0 $0x1;
	_ =	shalt  }
.Lfunc_end2:
_tile_overlayer_lowered:
.L_overlay_start_2:
0x36f: {  	(tag) =	ssettag $0x2  }
0x370: {  	s0 =	rddreg [dreg:$0x0];
	s2 =	stileid.u32  }
0x371: {  	s1 =	rddreg [dreg:$0x1];
	p0 =	sne.s32 s2, $0x0  }
0x372: {  	s3 =	rddreg [dreg:$0x2];
	[bflag:$0x3] =	sbarrier.arrive $0xFFFF;
	s2 =	simm.s32 @!p0 $0x1C01  }
0x373: {  	[timem:s3], [sflag:s2] =	dma.local @!p0 [hbm:s0], s1  }
0x374: {  	s0 =	simm.s32 @!p0 $0x1  }
0x375: {  	_ =	swait.ge @!p0 [sflag:s0], s1  }
0x376: {  	s1 =	ssub.s32 @!p0 $0x0, s1;
	[sflag:s0] =	ssyncset.done @!p0 $0x0  }
0x377: {  	[sflag:s0] =	ssyncadd.s32 @!p0 s1  }
0x378: {  	[bflag:$0x3] =	sbarrier.arrive $0xFFFF  }
0x379: {  	_ =	shalt  }

</sc_bundles>
